<compile_context>
chip_gen: v7x
topology: tpu7x:2x2x1
jax: 0.10.2.dev20260603
libtpu: 0.0.44.dev20260713+nightly
codegen_flags: <defaults>
</compile_context>

<pallas_src>
import functools

import jax
import jax.numpy as jnp
from jax import lax
from jax.experimental import pallas as pl
from jax.experimental.pallas import tpu as pltpu
from jax.experimental.pallas import tpu_sc as plsc

N = 10000
NP = 10240
D = 128
G = 64
E = 320000
NC = 2
NS = 16
NW = NC * NS
CH = 128
K0 = 119
K1 = 39
SRCB_W = max(K0, K1) * CH
EP = NS * (K0 + K1) * CH
ROWS_PER_TILE = NP // NS
BLK = 256
NBLK = NP // BLK
NEG = -3.4e38



def _sc_mesh():
    return plsc.VectorSubcoreMesh(
        core_axis_name="c", subcore_axis_name="s", num_cores=NC)


@functools.lru_cache(maxsize=None)
def _build_sc_agg(with_deg):
    out_type = [jax.ShapeDtypeStruct((2 * NP, D), jnp.float32)]
    scratch = [
        pltpu.VMEM((SRCB_W,), jnp.int32),
        pltpu.VMEM((CH,), jnp.int32),
        pltpu.VMEM((CH,), jnp.int32),
        pltpu.VMEM((CH, D), jnp.float32),
        pltpu.VMEM((CH, D), jnp.float32),
        pltpu.VMEM_SHARED((NP, D), jnp.float32),
        pltpu.SemaphoreType.DMA,
        pltpu.SemaphoreType.DMA,
        pltpu.SemaphoreType.DMA,
        pltpu.SemaphoreType.DMA,
        pltpu.SemaphoreType.DMA,
        pltpu.SemaphoreType.DMA,
    ]
    if with_deg:
        out_type.append(jax.ShapeDtypeStruct((2 * NP,), jnp.float32))
        scratch += [
            pltpu.VMEM((CH,), jnp.float32),
            pltpu.VMEM_SHARED((NP,), jnp.float32),
            pltpu.SemaphoreType.DMA,
        ]
    body = _sc_agg_deg_body if with_deg else _sc_agg_body
    return functools.partial(
        pl.kernel,
        mesh=_sc_mesh(),
        out_type=tuple(out_type),
        scratch_types=tuple(scratch),
    )(body)


def _sc_agg_deg(hw, src3, dst3, z2d, z1d):
    part, degpart = _build_sc_agg(True)(hw, src3, dst3, z2d, z1d)
    return part, degpart


def _sc_agg(hw, src3, dst3, z2d):
    out = _build_sc_agg(False)(hw, src3, dst3, z2d)
    return out[0] if isinstance(out, (tuple, list)) else out


def _sc_pipeline(nchunk, hw, acc, srcb, dstw, dbase, rows0, rows1,
                 dstv0, dstv1, gs0, gs1, ds0, ds1, deg_issue):

    def srcb_row(j):
        return srcb.at[pl.ds(pl.multiple_of(j * CH, 8), CH)]

    def dst_row(j):
        return dstw.at[pl.ds(pl.multiple_of(dbase + j * CH, 8), CH)]

    def issue(j, rbuf, gsem, dbuf, dsem):
        pltpu.async_copy(hw.at[srcb_row(j)], rbuf, gsem)
        pltpu.async_copy(dst_row(j), dbuf, dsem)

    def wait_in(j, rbuf, gsem, dbuf, dsem):
        pltpu.make_async_copy(hw.at[srcb_row(j)], rbuf, gsem).wait()
        pltpu.make_async_copy(dst_row(j), dbuf, dsem).wait()

    def scatter(rbuf, dbuf):
        pltpu.sync_copy(rbuf, acc.at[dbuf], add=True)
        deg_issue(dbuf)

    issue(0, rows0, gs0, dstv0, ds0)

    def body(i, carry):
        j0 = i * 2
        issue(j0 + 1, rows1, gs1, dstv1, ds1)
        wait_in(j0, rows0, gs0, dstv0, ds0)
        scatter(rows0, dstv0)
        issue(j0 + 2, rows0, gs0, dstv0, ds0)
        wait_in(j0 + 1, rows1, gs1, dstv1, ds1)
        scatter(rows1, dstv1)
        return carry

    lax.fori_loop(0, (nchunk - 1) // 2, body, 0)
    assert nchunk % 2 == 1
    wait_in(nchunk - 1, rows0, gs0, dstv0, ds0)
    scatter(rows0, dstv0)


def _sc_common(hw, src3, dst3, z2d, part, srcb, dstv0, dstv1, rows0, rows1,
               acc, gs0, gs1, ds0, ds1, ss0, ss1, deg_issue, deg_drain):
    c = lax.axis_index("c")
    s = lax.axis_index("s")
    pltpu.sync_copy(z2d, acc.at[pl.ds(s * ROWS_PER_TILE, ROWS_PER_TILE)])
    plsc.subcore_barrier()
    base0 = pl.multiple_of(s * (K0 * CH), 8)
    base1 = pl.multiple_of(NS * (K0 * CH) + s * (K1 * CH), 8)

    @pl.when(c == 0)
    def _():
        pltpu.sync_copy(src3.at[pl.ds(base0, K0 * CH)],
                        srcb.at[pl.ds(0, K0 * CH)])
        _sc_pipeline(K0, hw, acc, srcb, dst3, base0, rows0, rows1,
                     dstv0, dstv1, gs0, gs1, ds0, ds1, deg_issue)

    @pl.when(c == 1)
    def _():
        pltpu.sync_copy(src3.at[pl.ds(base1, K1 * CH)],
                        srcb.at[pl.ds(0, K1 * CH)])
        _sc_pipeline(K1, hw, acc, srcb, dst3, base1, rows0, rows1,
                     dstv0, dstv1, gs0, gs1, ds0, ds1, deg_issue)

    plsc.subcore_barrier()
    ro = pl.multiple_of(s * ROWS_PER_TILE, 8)
    oo = pl.multiple_of(c * NP + s * ROWS_PER_TILE, 8)
    pltpu.sync_copy(acc.at[pl.ds(ro, ROWS_PER_TILE)],
                    part.at[pl.ds(oo, ROWS_PER_TILE)])
    return c, s, ro, oo


def _sc_agg_deg_body(hw, src3, dst3, z2d, z1d, part, degpart,
                     srcb, dstv0, dstv1, rows0, rows1, acc,
                     gs0, gs1, ds0, ds1, ss0, ss1, ones_v, dacc, dg):
    s = lax.axis_index("s")
    pltpu.sync_copy(z1d, dacc.at[pl.ds(s * ROWS_PER_TILE, ROWS_PER_TILE)])
    for t in range(CH // 16):
        ones_v[pl.ds(t * 16, 16)] = jnp.full((16,), 1.0, jnp.float32)

    def deg_issue(dbuf):
        pltpu.sync_copy(ones_v, dacc.at[dbuf], add=True)

    def deg_drain():
        pass

    _, _, ro, oo = _sc_common(hw, src3, dst3, z2d, part, srcb, dstv0, dstv1,
                              rows0, rows1, acc, gs0, gs1, ds0, ds1,
                              ss0, ss1, deg_issue, deg_drain)
    pltpu.sync_copy(dacc.at[pl.ds(ro, ROWS_PER_TILE)],
                    degpart.at[pl.ds(oo, ROWS_PER_TILE)])


def _sc_agg_body(hw, src3, dst3, z2d, part, srcb, dstv0, dstv1, rows0, rows1,
                 acc, gs0, gs1, ds0, ds1, ss0, ss1):
    _sc_common(hw, src3, dst3, z2d, part, srcb, dstv0, dstv1, rows0, rows1,
               acc, gs0, gs1, ds0, ds1, ss0, ss1,
               lambda dbuf: None, lambda: None)



def _dot(a, b):
    return jnp.dot(a, b, preferred_element_type=jnp.float32)


def _dotx(a, b):
    return jnp.dot(a, b, preferred_element_type=jnp.float32,
                   precision=lax.Precision.HIGHEST)


def _mm_bias_body(x_ref, w_ref, b_ref, o_ref):
    o_ref[...] = (
        _dot(x_ref[...], w_ref[...])
        + b_ref[...]
    )


def _tc_mm_bias(x, w, b):
    return pl.pallas_call(
        _mm_bias_body,
        grid=(NBLK,),
        in_specs=[
            pl.BlockSpec((BLK, D), lambda i: (i, 0)),
            pl.BlockSpec((D, D), lambda i: (0, 0)),
            pl.BlockSpec((1, D), lambda i: (0, 0)),
        ],
        out_specs=pl.BlockSpec((BLK, D), lambda i: (i, 0)),
        out_shape=jax.ShapeDtypeStruct((NP, D), jnp.float32),
    )(x, w, b)


def _layer2_body(p0, p1, d0, d1, hw, w_ref, b_ref, o_hw, o_deg):
    deg = jnp.maximum(d0[...] + d1[...], 1.0)
    h = jax.nn.relu((p0[...] + p1[...]) / deg + hw[...])
    o_hw[...] = _dot(h, w_ref[...]) + b_ref[...]
    o_deg[...] = deg


def _tc_layer2(p0, p1, d0, d1, hw, w, b):
    return pl.pallas_call(
        _layer2_body,
        grid=(NBLK,),
        in_specs=[
            pl.BlockSpec((BLK, D), lambda i: (i, 0)),
            pl.BlockSpec((BLK, D), lambda i: (i, 0)),
            pl.BlockSpec((BLK, 1), lambda i: (i, 0)),
            pl.BlockSpec((BLK, 1), lambda i: (i, 0)),
            pl.BlockSpec((BLK, D), lambda i: (i, 0)),
            pl.BlockSpec((D, D), lambda i: (0, 0)),
            pl.BlockSpec((1, D), lambda i: (0, 0)),
        ],
        out_specs=[
            pl.BlockSpec((BLK, D), lambda i: (i, 0)),
            pl.BlockSpec((BLK, 1), lambda i: (i, 0)),
        ],
        out_shape=[
            jax.ShapeDtypeStruct((NP, D), jnp.float32),
            jax.ShapeDtypeStruct((NP, 1), jnp.float32),
        ],
    )(p0, p1, d0, d1, hw, w, b)


def _layer3_body(p0, p1, deg, hw, w_ref, b_ref, o_hw):
    h = jax.nn.relu((p0[...] + p1[...]) / deg[...] + hw[...])
    o_hw[...] = _dot(h, w_ref[...]) + b_ref[...]


def _tc_layer3(p0, p1, deg, hw, w, b):
    return pl.pallas_call(
        _layer3_body,
        grid=(NBLK,),
        in_specs=[
            pl.BlockSpec((BLK, D), lambda i: (i, 0)),
            pl.BlockSpec((BLK, D), lambda i: (i, 0)),
            pl.BlockSpec((BLK, 1), lambda i: (i, 0)),
            pl.BlockSpec((BLK, D), lambda i: (i, 0)),
            pl.BlockSpec((D, D), lambda i: (0, 0)),
            pl.BlockSpec((1, D), lambda i: (0, 0)),
        ],
        out_specs=pl.BlockSpec((BLK, D), lambda i: (i, 0)),
        out_shape=jax.ShapeDtypeStruct((NP, D), jnp.float32),
    )(p0, p1, deg, hw, w, b)


def _passa_body(p0, p1, deg, hw, aw, ab, batch, o_h, o_sc, o_m):
    i = pl.program_id(0)

    @pl.when(i == 0)
    def _():
        o_m[...] = jnp.full((8, G), NEG, jnp.float32)

    h = jax.nn.relu((p0[...] + p1[...]) / deg[...] + hw[...])
    o_h[...] = h
    sc = _dot(h, aw[...]) + ab[...]
    o_sc[...] = sc
    onehot = batch[...] == lax.broadcasted_iota(jnp.int32, (1, G), 1)
    masked = jnp.where(onehot, sc, NEG)
    mblk = jnp.max(masked, axis=0, keepdims=True)
    o_m[...] = jnp.maximum(o_m[...], jnp.broadcast_to(mblk, (8, G)))


def _tc_passa(p0, p1, deg, hw, aw, ab, batch2d):
    return pl.pallas_call(
        _passa_body,
        grid=(NBLK,),
        in_specs=[
            pl.BlockSpec((BLK, D), lambda i: (i, 0)),
            pl.BlockSpec((BLK, D), lambda i: (i, 0)),
            pl.BlockSpec((BLK, 1), lambda i: (i, 0)),
            pl.BlockSpec((BLK, D), lambda i: (i, 0)),
            pl.BlockSpec((D, 1), lambda i: (0, 0)),
            pl.BlockSpec((1, 1), lambda i: (0, 0)),
            pl.BlockSpec((BLK, 1), lambda i: (i, 0)),
        ],
        out_specs=[
            pl.BlockSpec((BLK, D), lambda i: (i, 0)),
            pl.BlockSpec((BLK, 1), lambda i: (i, 0)),
            pl.BlockSpec((8, G), lambda i: (0, 0)),
        ],
        out_shape=[
            jax.ShapeDtypeStruct((NP, D), jnp.float32),
            jax.ShapeDtypeStruct((NP, 1), jnp.float32),
            jax.ShapeDtypeStruct((8, G), jnp.float32),
        ],
    )(p0, p1, deg, hw, aw, ab, batch2d)


def _passb_body(h, sc, batch, batcht, mcol,
                ndw1, ndb1, ndw2, ndb2, new1, neb1, new2, neb2,
                o_node, o_graph, z_acc, s_acc):
    i = pl.program_id(0)

    @pl.when(i == 0)
    def _():
        z_acc[...] = jnp.zeros((G, 1), jnp.float32)
        s_acc[...] = jnp.zeros((G, D), jnp.float32)
        o_graph[...] = jnp.zeros((G, 1), jnp.float32)

    hb = h[...]
    bcol = batch[...]
    onehot = (bcol == lax.broadcasted_iota(jnp.int32, (1, G), 1)
              ).astype(jnp.float32)
    onehot_t = (lax.broadcasted_iota(jnp.int32, (G, 1), 0) == batcht[...]
                ).astype(jnp.float32)
    mnode = _dotx(onehot, mcol[...])
    valid = bcol < G
    ex = jnp.where(valid, jnp.exp(sc[...] - mnode), 0.0)
    z_acc[...] += _dotx(onehot_t, ex)
    s_acc[...] += _dotx(onehot_t, hb * ex)
    nhid = jax.nn.relu(
        _dot(hb, ndw1[...]) + ndb1[...])
    o_node[...] = (
        _dot(nhid, ndw2[...])
        + ndb2[...])

    @pl.when(i == pl.num_programs(0) - 1)
    def _():
        z = z_acc[...]
        ge = jnp.where(z > 0.0, s_acc[...] / z, 0.0)
        ghid = jax.nn.relu(
            _dot(ge, new1[...])
            + neb1[...])
        o_graph[...] = (
            _dot(ghid, new2[...])
            + neb2[...])


def _tc_passb(h, sc, batch2d, batcht, mcol,
              ndw1, ndb1, ndw2, ndb2, new1, neb1, new2, neb2):
    return pl.pallas_call(
        _passb_body,
        grid=(NBLK,),
        in_specs=[
            pl.BlockSpec((BLK, D), lambda i: (i, 0)),
            pl.BlockSpec((BLK, 1), lambda i: (i, 0)),
            pl.BlockSpec((BLK, 1), lambda i: (i, 0)),
            pl.BlockSpec((1, BLK), lambda i: (0, i)),
            pl.BlockSpec((G, 1), lambda i: (0, 0)),
            pl.BlockSpec((D, G), lambda i: (0, 0)),
            pl.BlockSpec((1, G), lambda i: (0, 0)),
            pl.BlockSpec((G, 1), lambda i: (0, 0)),
            pl.BlockSpec((1, 1), lambda i: (0, 0)),
            pl.BlockSpec((D, G), lambda i: (0, 0)),
            pl.BlockSpec((1, G), lambda i: (0, 0)),
            pl.BlockSpec((G, 1), lambda i: (0, 0)),
            pl.BlockSpec((1, 1), lambda i: (0, 0)),
        ],
        out_specs=[
            pl.BlockSpec((BLK, 1), lambda i: (i, 0)),
            pl.BlockSpec((G, 1), lambda i: (0, 0)),
        ],
        out_shape=[
            jax.ShapeDtypeStruct((NP, 1), jnp.float32),
            jax.ShapeDtypeStruct((G, 1), jnp.float32),
        ],
        scratch_shapes=[
            pltpu.VMEM((G, 1), jnp.float32),
            pltpu.VMEM((G, D), jnp.float32),
        ],
    )(h, sc, batch2d, batcht, mcol,
      ndw1, ndb1, ndw2, ndb2, new1, neb1, new2, neb2)



def kernel(x, edge_index, batch, W0, b0, W1, b1, W2, b2, attn_w, attn_b,
           ne_w1, ne_b1, ne_w2, ne_b2, nd_w1, nd_b1, nd_w2, nd_b2):
    f32 = jnp.float32
    xp = jnp.pad(x, ((0, NP - N), (0, 0)))
    pad_e = EP - E
    src = jnp.concatenate([edge_index[0], jnp.zeros((pad_e,), jnp.int32)])
    pad_dst = N + jnp.arange(pad_e, dtype=jnp.int32) % (NP - N)
    dst = jnp.concatenate([edge_index[1], pad_dst])
    batch_p = jnp.pad(batch, (0, NP - N), constant_values=G)
    batch2d = batch_p.reshape(NP, 1)
    batcht = batch_p.reshape(1, NP)
    z2d = jnp.zeros((ROWS_PER_TILE, D), f32)
    z1d = jnp.zeros((ROWS_PER_TILE,), f32)

    b0r = b0.reshape(1, D)
    b1r = b1.reshape(1, D)
    b2r = b2.reshape(1, D)
    abr = attn_b.reshape(1, 1)
    neb1r = ne_b1.reshape(1, G)
    neb2r = ne_b2.reshape(1, 1)
    ndb1r = nd_b1.reshape(1, G)
    ndb2r = nd_b2.reshape(1, 1)

    hw0 = _tc_mm_bias(xp, W0, b0r)

    part, degpart = _sc_agg_deg(hw0, src, dst, z2d, z1d)
    p0, p1 = part[:NP], part[NP:]
    d0 = degpart[:NP].reshape(NP, 1)
    d1 = degpart[NP:].reshape(NP, 1)

    hw1, deg = _tc_layer2(p0, p1, d0, d1, hw0, W1, b1r)

    part = _sc_agg(hw1, src, dst, z2d)
    hw2 = _tc_layer3(part[:NP], part[NP:], deg, hw1, W2, b2r)

    part = _sc_agg(hw2, src, dst, z2d)
    h3, scores, m = _tc_passa(part[:NP], part[NP:], deg, hw2,
                              attn_w, abr, batch2d)
    mcol = m[0:1].reshape(G, 1)

    node_logits, graph_logits = _tc_passb(
        h3, scores, batch2d, batcht, mcol,
        nd_w1, ndb1r, nd_w2, ndb2r, ne_w1, neb1r, ne_w2, neb2r)

    return (graph_logits, node_logits[:N])

# --- scband reference (transcript-rebuilt; emitter-appended) ---
"""Pipeline reference for scband-joint-nedynamic-kgnn-21251498180618 (READ-ONLY COPY).

The authoritative reference and input builder live on the scoring server;
editing this copy changes nothing except your own understanding.
"""

import jax, jax.numpy as jnp
import numpy as np

N = 10000
E = 320000
D = 128
H = 128
G = 64


def setup_inputs(seed: int = 0) -> dict:
    key = jax.random.key(seed)
    ks = jax.random.split(key, 16)
    x = jax.random.normal(ks[0], (N, D), dtype=jnp.float32)
    edge_index = jax.random.randint(ks[1], (2, E), 0, N)
    batch = jnp.sort(jax.random.randint(ks[2], (N,), 0, G))
    W0 = jax.random.normal(ks[3], (D, H), dtype=jnp.float32) / np.sqrt(D)
    b0 = jnp.zeros((H,), dtype=jnp.float32)
    W1 = jax.random.normal(ks[4], (H, H), dtype=jnp.float32) / np.sqrt(H)
    b1 = jnp.zeros((H,), dtype=jnp.float32)
    W2 = jax.random.normal(ks[5], (H, H), dtype=jnp.float32) / np.sqrt(H)
    b2 = jnp.zeros((H,), dtype=jnp.float32)
    attn_w = jax.random.normal(ks[6], (H, 1), dtype=jnp.float32) / np.sqrt(H)
    attn_b = jnp.zeros((1,), dtype=jnp.float32)
    ne_w1 = jax.random.normal(ks[7], (H, H // 2), dtype=jnp.float32) / np.sqrt(H)
    ne_b1 = jnp.zeros((H // 2,), dtype=jnp.float32)
    ne_w2 = jax.random.normal(ks[8], (H // 2, 1), dtype=jnp.float32) / np.sqrt(H // 2)
    ne_b2 = jnp.zeros((1,), dtype=jnp.float32)
    nd_w1 = jax.random.normal(ks[9], (H, H // 2), dtype=jnp.float32) / np.sqrt(H)
    nd_b1 = jnp.zeros((H // 2,), dtype=jnp.float32)
    nd_w2 = jax.random.normal(ks[10], (H // 2, 1), dtype=jnp.float32) / np.sqrt(H // 2)
    nd_b2 = jnp.zeros((1,), dtype=jnp.float32)
    return {
        "x": x, "edge_index": edge_index, "batch": batch,
        "W0": W0, "b0": b0, "W1": W1, "b1": b1, "W2": W2, "b2": b2,
        "attn_w": attn_w, "attn_b": attn_b,
        "ne_w1": ne_w1, "ne_b1": ne_b1, "ne_w2": ne_w2, "ne_b2": ne_b2,
        "nd_w1": nd_w1, "nd_b1": nd_b1, "nd_w2": nd_w2, "nd_b2": nd_b2,
    }


def reference(x, edge_index, batch, W0, b0, W1, b1, W2, b2, attn_w, attn_b,
              ne_w1, ne_b1, ne_w2, ne_b2, nd_w1, nd_b1, nd_w2, nd_b2):
    src = edge_index[0]
    dst = edge_index[1]
    deg = jax.ops.segment_sum(jnp.ones((E,), dtype=jnp.float32), dst, num_segments=N)
    deg = jnp.clip(deg, 1.0, None)
    # BaseGNNEncoder: num_layers GCN-style mean-aggregation layers with residual self term + ReLU
    h = x
    for W, b in ((W0, b0), (W1, b1), (W2, b2)):
        h = h @ W + b
        agg = jax.ops.segment_sum(h[src], dst, num_segments=N)
        h = jax.nn.relu(agg / deg[:, None] + h)
    # AttentionPooling: scalar attention scores, per-graph segment softmax, weighted sum
    scores = (h @ attn_w + attn_b)[:, 0]
    m = jax.lax.stop_gradient(jax.ops.segment_max(scores, batch, num_segments=G))
    ex = jnp.exp(scores - m[batch])
    z = jax.ops.segment_sum(ex, batch, num_segments=G)
    alpha = ex / z[batch]
    graph_emb = jax.ops.segment_sum(h * alpha[:, None], batch, num_segments=G)
    # ne_classifier head (graph-level)
    graph_logits = jax.nn.relu(graph_emb @ ne_w1 + ne_b1) @ ne_w2 + ne_b2
    # node_classifier head (node-level)
    node_logits = jax.nn.relu(h @ nd_w1 + nd_b1) @ nd_w2 + nd_b2
    return (graph_logits, node_logits)

if __name__ == "__main__":
    import jax
    _d = setup_inputs()
    print(jax.jit(kernel)(*tuple(_d.values())))

</pallas_src>

<mosaic_0001>
#map = affine_map<(d0, d1) -> (0, 0)>
#map1 = affine_map<(d0, d1) -> (0)>
module attributes {stable_mosaic.version = 14 : i64} {
  func.func @_sc_agg_deg_body(%arg0: i32, %arg1: i32, %arg2: memref<10240x128xf32, #tpu.memory_space<hbm>>, %arg3: memref<323584xi32, #tpu.memory_space<hbm>>, %arg4: memref<323584xi32, #tpu.memory_space<hbm>>, %arg5: memref<640x128xf32, #tpu.memory_space<hbm>>, %arg6: memref<640xf32, #tpu.memory_space<hbm>>, %arg7: memref<20480x128xf32, #tpu.memory_space<hbm>>, %arg8: memref<20480xf32, #tpu.memory_space<hbm>>, %arg9: memref<15232xi32, #tpu.memory_space<vmem>>, %arg10: memref<128xi32, #tpu.memory_space<vmem>>, %arg11: memref<128xi32, #tpu.memory_space<vmem>>, %arg12: memref<128x128xf32, #tpu.memory_space<vmem>>, %arg13: memref<128x128xf32, #tpu.memory_space<vmem>>, %arg14: memref<10240x128xf32, #tpu.memory_space<vmem_shared>>, %arg15: memref<!tpu.dma_semaphore, #tpu.memory_space<semaphore_mem>>, %arg16: memref<!tpu.dma_semaphore, #tpu.memory_space<semaphore_mem>>, %arg17: memref<!tpu.dma_semaphore, #tpu.memory_space<semaphore_mem>>, %arg18: memref<!tpu.dma_semaphore, #tpu.memory_space<semaphore_mem>>, %arg19: memref<!tpu.dma_semaphore, #tpu.memory_space<semaphore_mem>>, %arg20: memref<!tpu.dma_semaphore, #tpu.memory_space<semaphore_mem>>, %arg21: memref<128xf32, #tpu.memory_space<vmem>>, %arg22: memref<10240xf32, #tpu.memory_space<vmem_shared>>, %arg23: memref<!tpu.dma_semaphore, #tpu.memory_space<semaphore_mem>>) attributes {dimension_semantics = [#tpu.dimension_semantics<core_parallel>, #tpu.dimension_semantics<subcore_parallel>], iteration_bounds = array<i64: 2, 16>, scalar_prefetch = 0 : i64, scratch_operands = 15 : i64, tpu.core_type = #tpu.core_type<sc_vector_subcore>, window_params = [{transform_indices = #map}, {transform_indices = #map1}, {transform_indices = #map1}, {transform_indices = #map}, {transform_indices = #map1}, {transform_indices = #map}, {transform_indices = #map1}]} {
    %mul3A = arith.constant 640 : i32
    %mul3A_0 = arith.muli %arg1, %mul3A : i32
    "tpu.region"() ({
      %run_scoped3A = tpu.sem_alloc : memref<!tpu.dma_semaphore, #tpu.memory_space<semaphore_mem>>
      %dma_start3A = tpu.memref_slice %arg22[%mul3A_0] : memref<10240xf32, #tpu.memory_space<vmem_shared>> -> memref<640xf32, #tpu.memory_space<vmem_shared>>
      tpu.enqueue_dma source(%arg6 : memref<640xf32, #tpu.memory_space<hbm>>) target(%dma_start3A : memref<640xf32, #tpu.memory_space<vmem_shared>>) target_semaphore(%run_scoped3A : memref<!tpu.dma_semaphore, #tpu.memory_space<semaphore_mem>>)
      %dma_wait3A = tpu.memref_slice %arg22[%mul3A_0] : memref<10240xf32, #tpu.memory_space<vmem_shared>> -> memref<640xf32, #tpu.memory_space<vmem_shared>>
      tpu.wait_dma2 semaphore(%run_scoped3A : memref<!tpu.dma_semaphore, #tpu.memory_space<semaphore_mem>>) src(%arg6 : memref<640xf32, #tpu.memory_space<hbm>>) dst(%dma_wait3A : memref<640xf32, #tpu.memory_space<vmem_shared>>)
      tpu.yield
    }) : () -> ()
    %broadcast_in_dim3A = arith.constant 1.000000e+00 : f32
    %broadcast_in_dim3A_1 = vector.broadcast %broadcast_in_dim3A : f32 to vector<16xf32>
    %swap3A = arith.constant 0 : index
    %swap3A_2 = tpu.vector_load %arg21[%swap3A] {strides = array<i32>} : memref<128xf32, #tpu.memory_space<vmem>>, vector<16xf32>,
    %swap3A_3 = vector.shape_cast %swap3A_2 : vector<16xf32> to vector<16xf32>
    %swap3A_4 = vector.shape_cast %broadcast_in_dim3A_1 : vector<16xf32> to vector<16xf32>
    tpu.vector_store %arg21[%swap3A], %swap3A_4 {strides = array<i32>} : memref<128xf32, #tpu.memory_space<vmem>>, vector<16xf32>,
    %broadcast_in_dim3A_5 = arith.constant 1.000000e+00 : f32
    %broadcast_in_dim3A_6 = vector.broadcast %broadcast_in_dim3A_5 : f32 to vector<16xf32>
    %swap3A_7 = arith.constant 16 : index
    %swap3A_8 = tpu.vector_load %arg21[%swap3A_7] {strides = array<i32>} : memref<128xf32, #tpu.memory_space<vmem>>, vector<16xf32>,
    %swap3A_9 = vector.shape_cast %swap3A_8 : vector<16xf32> to vector<16xf32>
    %swap3A_10 = vector.shape_cast %broadcast_in_dim3A_6 : vector<16xf32> to vector<16xf32>
    tpu.vector_store %arg21[%swap3A_7], %swap3A_10 {strides = array<i32>} : memref<128xf32, #tpu.memory_space<vmem>>, vector<16xf32>,
    %broadcast_in_dim3A_11 = arith.constant 1.000000e+00 : f32
    %broadcast_in_dim3A_12 = vector.broadcast %broadcast_in_dim3A_11 : f32 to vector<16xf32>
    %swap3A_13 = arith.constant 32 : index
    %swap3A_14 = tpu.vector_load %arg21[%swap3A_13] {strides = array<i32>} : memref<128xf32, #tpu.memory_space<vmem>>, vector<16xf32>,
    %swap3A_15 = vector.shape_cast %swap3A_14 : vector<16xf32> to vector<16xf32>
    %swap3A_16 = vector.shape_cast %broadcast_in_dim3A_12 : vector<16xf32> to vector<16xf32>
    tpu.vector_store %arg21[%swap3A_13], %swap3A_16 {strides = array<i32>} : memref<128xf32, #tpu.memory_space<vmem>>, vector<16xf32>,
    %broadcast_in_dim3A_17 = arith.constant 1.000000e+00 : f32
    %broadcast_in_dim3A_18 = vector.broadcast %broadcast_in_dim3A_17 : f32 to vector<16xf32>
    %swap3A_19 = arith.constant 48 : index
    %swap3A_20 = tpu.vector_load %arg21[%swap3A_19] {strides = array<i32>} : memref<128xf32, #tpu.memory_space<vmem>>, vector<16xf32>,
    %swap3A_21 = vector.shape_cast %swap3A_20 : vector<16xf32> to vector<16xf32>
    %swap3A_22 = vector.shape_cast %broadcast_in_dim3A_18 : vector<16xf32> to vector<16xf32>
    tpu.vector_store %arg21[%swap3A_19], %swap3A_22 {strides = array<i32>} : memref<128xf32, #tpu.memory_space<vmem>>, vector<16xf32>,
    %broadcast_in_dim3A_23 = arith.constant 1.000000e+00 : f32
    %broadcast_in_dim3A_24 = vector.broadcast %broadcast_in_dim3A_23 : f32 to vector<16xf32>
    %swap3A_25 = arith.constant 64 : index
    %swap3A_26 = tpu.vector_load %arg21[%swap3A_25] {strides = array<i32>} : memref<128xf32, #tpu.memory_space<vmem>>, vector<16xf32>,
    %swap3A_27 = vector.shape_cast %swap3A_26 : vector<16xf32> to vector<16xf32>
    %swap3A_28 = vector.shape_cast %broadcast_in_dim3A_24 : vector<16xf32> to vector<16xf32>
    tpu.vector_store %arg21[%swap3A_25], %swap3A_28 {strides = array<i32>} : memref<128xf32, #tpu.memory_space<vmem>>, vector<16xf32>,
    %broadcast_in_dim3A_29 = arith.constant 1.000000e+00 : f32
    %broadcast_in_dim3A_30 = vector.broadcast %broadcast_in_dim3A_29 : f32 to vector<16xf32>
    %swap3A_31 = arith.constant 80 : index
    %swap3A_32 = tpu.vector_load %arg21[%swap3A_31] {strides = array<i32>} : memref<128xf32, #tpu.memory_space<vmem>>, vector<16xf32>,
    %swap3A_33 = vector.shape_cast %swap3A_32 : vector<16xf32> to vector<16xf32>
    %swap3A_34 = vector.shape_cast %broadcast_in_dim3A_30 : vector<16xf32> to vector<16xf32>
    tpu.vector_store %arg21[%swap3A_31], %swap3A_34 {strides = array<i32>} : memref<128xf32, #tpu.memory_space<vmem>>, vector<16xf32>,
    %broadcast_in_dim3A_35 = arith.constant 1.000000e+00 : f32
    %broadcast_in_dim3A_36 = vector.broadcast %broadcast_in_dim3A_35 : f32 to vector<16xf32>
    %swap3A_37 = arith.constant 96 : index
    %swap3A_38 = tpu.vector_load %arg21[%swap3A_37] {strides = array<i32>} : memref<128xf32, #tpu.memory_space<vmem>>, vector<16xf32>,
    %swap3A_39 = vector.shape_cast %swap3A_38 : vector<16xf32> to vector<16xf32>
    %swap3A_40 = vector.shape_cast %broadcast_in_dim3A_36 : vector<16xf32> to vector<16xf32>
    tpu.vector_store %arg21[%swap3A_37], %swap3A_40 {strides = array<i32>} : memref<128xf32, #tpu.memory_space<vmem>>, vector<16xf32>,
    %broadcast_in_dim3A_41 = arith.constant 1.000000e+00 : f32
    %broadcast_in_dim3A_42 = vector.broadcast %broadcast_in_dim3A_41 : f32 to vector<16xf32>
    %swap3A_43 = arith.constant 112 : index
    %swap3A_44 = tpu.vector_load %arg21[%swap3A_43] {strides = array<i32>} : memref<128xf32, #tpu.memory_space<vmem>>, vector<16xf32>,
    %swap3A_45 = vector.shape_cast %swap3A_44 : vector<16xf32> to vector<16xf32>
    %swap3A_46 = vector.shape_cast %broadcast_in_dim3A_42 : vector<16xf32> to vector<16xf32>
    tpu.vector_store %arg21[%swap3A_43], %swap3A_46 {strides = array<i32>} : memref<128xf32, #tpu.memory_space<vmem>>, vector<16xf32>,
    %mul3A_47 = arith.constant 640 : i32
    %mul3A_48 = arith.muli %arg1, %mul3A_47 : i32
    "tpu.region"() ({
      %run_scoped3A = tpu.sem_alloc : memref<!tpu.dma_semaphore, #tpu.memory_space<semaphore_mem>>
      %dma_start3A = arith.constant 0 : i32
      %dma_start3A_72 = tpu.memref_slice %arg14[%mul3A_48, %dma_start3A] : memref<10240x128xf32, #tpu.memory_space<vmem_shared>> -> memref<640x128xf32, #tpu.memory_space<vmem_shared>>
      tpu.enqueue_dma source(%arg5 : memref<640x128xf32, #tpu.memory_space<hbm>>) target(%dma_start3A_72 : memref<640x128xf32, #tpu.memory_space<vmem_shared>>) target_semaphore(%run_scoped3A : memref<!tpu.dma_semaphore, #tpu.memory_space<semaphore_mem>>)
      %dma_wait3A = arith.constant 0 : i32
      %dma_wait3A_73 = tpu.memref_slice %arg14[%mul3A_48, %dma_wait3A] : memref<10240x128xf32, #tpu.memory_space<vmem_shared>> -> memref<640x128xf32, #tpu.memory_space<vmem_shared>>
      tpu.wait_dma2 semaphore(%run_scoped3A : memref<!tpu.dma_semaphore, #tpu.memory_space<semaphore_mem>>) src(%arg5 : memref<640x128xf32, #tpu.memory_space<hbm>>) dst(%dma_wait3A_73 : memref<640x128xf32, #tpu.memory_space<vmem_shared>>)
      tpu.yield
    }) : () -> ()
    %barrier3A = arith.constant 0 : index
    tpu.barrier barrier_id(%barrier3A)
    %mul3A_49 = arith.constant 15232 : i32
    %mul3A_50 = arith.muli %arg1, %mul3A_49 : i32
    %multiple_of3A = tpu.assume_multiple %mul3A_50, 8 : i32
    %mul3A_51 = arith.constant 4992 : i32
    %mul3A_52 = arith.muli %arg1, %mul3A_51 : i32
    %add3A = arith.constant 243712 : i32
    %add3A_53 = arith.addi %add3A, %mul3A_52 : i32
    %multiple_of3A_54 = tpu.assume_multiple %add3A_53, 8 : i32
    %eq3A = arith.constant 0 : i32
    %eq3A_55 = arith.cmpi eq, %arg0, %eq3A : i32
    %convert_element_type3A = arith.extui %eq3A_55 : i1 to i32
    %cond3A = arith.constant 0 : i32
    %cond3A_56 = arith.cmpi ne, %convert_element_type3A, %cond3A : i32
    scf.if %cond3A_56 {
      "tpu.region"() ({
        %run_scoped3A = tpu.sem_alloc : memref<!tpu.dma_semaphore, #tpu.memory_space<semaphore_mem>>
        %dma_start3A_97 = arith.constant 0 : i32
        %dma_start3A_98 = tpu.memref_slice %arg9[%dma_start3A_97] : memref<15232xi32, #tpu.memory_space<vmem>> -> memref<15232xi32, #tpu.memory_space<vmem>>
        %dma_start3A_99 = tpu.memref_slice %arg3[%multiple_of3A] : memref<323584xi32, #tpu.memory_space<hbm>> -> memref<15232xi32, #tpu.memory_space<hbm>>
        %dma_start3A_100 = arith.constant 0 : i32
        %dma_start3A_101 = tpu.memref_slice %arg9[%dma_start3A_100] : memref<15232xi32, #tpu.memory_space<vmem>> -> memref<15232xi32, #tpu.memory_space<vmem>>
        %dma_start3A_102 = tpu.memref_slice %arg3[%multiple_of3A] : memref<323584xi32, #tpu.memory_space<hbm>> -> memref<15232xi32, #tpu.memory_space<hbm>>
        tpu.enqueue_dma source(%dma_start3A_102 : memref<15232xi32, #tpu.memory_space<hbm>>) target(%dma_start3A_101 : memref<15232xi32, #tpu.memory_space<vmem>>) target_semaphore(%run_scoped3A : memref<!tpu.dma_semaphore, #tpu.memory_space<semaphore_mem>>)
        %dma_wait3A_103 = arith.constant 0 : i32
        %dma_wait3A_104 = tpu.memref_slice %arg9[%dma_wait3A_103] : memref<15232xi32, #tpu.memory_space<vmem>> -> memref<15232xi32, #tpu.memory_space<vmem>>
        %dma_wait3A_105 = tpu.memref_slice %arg3[%multiple_of3A] : memref<323584xi32, #tpu.memory_space<hbm>> -> memref<15232xi32, #tpu.memory_space<hbm>>
        %dma_wait3A_106 = arith.constant 0 : i32
        %dma_wait3A_107 = tpu.memref_slice %arg9[%dma_wait3A_106] : memref<15232xi32, #tpu.memory_space<vmem>> -> memref<15232xi32, #tpu.memory_space<vmem>>
        %dma_wait3A_108 = tpu.memref_slice %arg3[%multiple_of3A] : memref<323584xi32, #tpu.memory_space<hbm>> -> memref<15232xi32, #tpu.memory_space<hbm>>
        tpu.wait_dma2 semaphore(%run_scoped3A : memref<!tpu.dma_semaphore, #tpu.memory_space<semaphore_mem>>) src(%dma_wait3A_108 : memref<15232xi32, #tpu.memory_space<hbm>>) dst(%dma_wait3A_107 : memref<15232xi32, #tpu.memory_space<vmem>>)
        tpu.yield
      }) : () -> ()
      %multiple_of3A_72 = arith.constant 0 : i32
      %multiple_of3A_73 = tpu.assume_multiple %multiple_of3A_72, 8 : i32
      %dma_start3A = tpu.memref_slice %arg9[%multiple_of3A_73] : memref<15232xi32, #tpu.memory_space<vmem>> -> memref<128xi32, #tpu.memory_space<vmem>>
      %dma_start3A_74 = arith.constant 0 : i32
      %dma_start3A_75 = arith.constant 0 : i32
      %dma_start3A_76 = tpu.memref_slice %arg2[%dma_start3A_74, %dma_start3A_75] : memref<10240x128xf32, #tpu.memory_space<hbm>> -> memref<10240x128xf32, #tpu.memory_space<hbm>>
      tpu.enqueue_indirect_dma source(%dma_start3A_76 : memref<10240x128xf32, #tpu.memory_space<hbm>>) target(%arg12 : memref<128x128xf32, #tpu.memory_space<vmem>>) offsets(%dma_start3A : memref<128xi32, #tpu.memory_space<vmem>>) semaphore(%arg15 : memref<!tpu.dma_semaphore, #tpu.memory_space<semaphore_mem>>)
      %add3A_77 = arith.constant 0 : i32
      %add3A_78 = arith.addi %multiple_of3A, %add3A_77 : i32
      %multiple_of3A_79 = tpu.assume_multiple %add3A_78, 8 : i32
      %dma_start3A_80 = tpu.memref_slice %arg4[%multiple_of3A_79] : memref<323584xi32, #tpu.memory_space<hbm>> -> memref<128xi32, #tpu.memory_space<hbm>>
      %dma_start3A_81 = tpu.memref_slice %arg4[%multiple_of3A_79] : memref<323584xi32, #tpu.memory_space<hbm>> -> memref<128xi32, #tpu.memory_space<hbm>>
      tpu.enqueue_dma source(%dma_start3A_81 : memref<128xi32, #tpu.memory_space<hbm>>) target(%arg10 : memref<128xi32, #tpu.memory_space<vmem>>) target_semaphore(%arg17 : memref<!tpu.dma_semaphore, #tpu.memory_space<semaphore_mem>>)
      %scan3A = arith.constant 0 : i32
      %scan3A_82 = arith.constant 0 : i32
      %scan3A_83 = arith.constant 59 : i32
      %scan3A_84 = arith.addi %scan3A_82, %scan3A_83 : i32
      %scan3A_85 = arith.constant 1 : i32
      scf.for %scan3A_97 = %scan3A_82 to %scan3A_84 step %scan3A_85  : i32 {
        %mul3A_98 = arith.constant 2 : i32
        %mul3A_99 = arith.muli %scan3A_97, %mul3A_98 : i32
        %add3A_100 = arith.constant 1 : i32
        %add3A_101 = arith.addi %mul3A_99, %add3A_100 : i32
        %mul3A_102 = arith.constant 128 : i32
        %mul3A_103 = arith.muli %add3A_101, %mul3A_102 : i32
        %multiple_of3A_104 = tpu.assume_multiple %mul3A_103, 8 : i32
        %dma_start3A_105 = tpu.memref_slice %arg9[%multiple_of3A_104] : memref<15232xi32, #tpu.memory_space<vmem>> -> memref<128xi32, #tpu.memory_space<vmem>>
        %dma_start3A_106 = arith.constant 0 : i32
        %dma_start3A_107 = arith.constant 0 : i32
        %dma_start3A_108 = tpu.memref_slice %arg2[%dma_start3A_106, %dma_start3A_107] : memref<10240x128xf32, #tpu.memory_space<hbm>> -> memref<10240x128xf32, #tpu.memory_space<hbm>>
        tpu.enqueue_indirect_dma source(%dma_start3A_108 : memref<10240x128xf32, #tpu.memory_space<hbm>>) target(%arg13 : memref<128x128xf32, #tpu.memory_space<vmem>>) offsets(%dma_start3A_105 : memref<128xi32, #tpu.memory_space<vmem>>) semaphore(%arg16 : memref<!tpu.dma_semaphore, #tpu.memory_space<semaphore_mem>>)
        %mul3A_109 = arith.constant 128 : i32
        %mul3A_110 = arith.muli %add3A_101, %mul3A_109 : i32
        %add3A_111 = arith.addi %multiple_of3A, %mul3A_110 : i32
        %multiple_of3A_112 = tpu.assume_multiple %add3A_111, 8 : i32
        %dma_start3A_113 = tpu.memref_slice %arg4[%multiple_of3A_112] : memref<323584xi32, #tpu.memory_space<hbm>> -> memref<128xi32, #tpu.memory_space<hbm>>
        %dma_start3A_114 = tpu.memref_slice %arg4[%multiple_of3A_112] : memref<323584xi32, #tpu.memory_space<hbm>> -> memref<128xi32, #tpu.memory_space<hbm>>
        tpu.enqueue_dma source(%dma_start3A_114 : memref<128xi32, #tpu.memory_space<hbm>>) target(%arg11 : memref<128xi32, #tpu.memory_space<vmem>>) target_semaphore(%arg18 : memref<!tpu.dma_semaphore, #tpu.memory_space<semaphore_mem>>)
        %mul3A_115 = arith.constant 128 : i32
        %mul3A_116 = arith.muli %mul3A_99, %mul3A_115 : i32
        %multiple_of3A_117 = tpu.assume_multiple %mul3A_116, 8 : i32
        %dma_wait3A_118 = tpu.memref_slice %arg9[%multiple_of3A_117] : memref<15232xi32, #tpu.memory_space<vmem>> -> memref<128xi32, #tpu.memory_space<vmem>>
        %dma_wait3A_119 = arith.constant 0 : i32
        %dma_wait3A_120 = arith.constant 0 : i32
        %dma_wait3A_121 = tpu.memref_slice %arg2[%dma_wait3A_119, %dma_wait3A_120] : memref<10240x128xf32, #tpu.memory_space<hbm>> -> memref<10240x128xf32, #tpu.memory_space<hbm>>
        tpu.wait_indirect_dma semaphore(%arg15 : memref<!tpu.dma_semaphore, #tpu.memory_space<semaphore_mem>>) src(%dma_wait3A_121 : memref<10240x128xf32, #tpu.memory_space<hbm>>) dst(%arg12 : memref<128x128xf32, #tpu.memory_space<vmem>>)
        %mul3A_122 = arith.constant 128 : i32
        %mul3A_123 = arith.muli %mul3A_99, %mul3A_122 : i32
        %add3A_124 = arith.addi %multiple_of3A, %mul3A_123 : i32
        %multiple_of3A_125 = tpu.assume_multiple %add3A_124, 8 : i32
        %dma_wait3A_126 = tpu.memref_slice %arg4[%multiple_of3A_125] : memref<323584xi32, #tpu.memory_space<hbm>> -> memref<128xi32, #tpu.memory_space<hbm>>
        %dma_wait3A_127 = tpu.memref_slice %arg4[%multiple_of3A_125] : memref<323584xi32, #tpu.memory_space<hbm>> -> memref<128xi32, #tpu.memory_space<hbm>>
        tpu.wait_dma2 semaphore(%arg17 : memref<!tpu.dma_semaphore, #tpu.memory_space<semaphore_mem>>) src(%dma_wait3A_127 : memref<128xi32, #tpu.memory_space<hbm>>) dst(%arg10 : memref<128xi32, #tpu.memory_space<vmem>>)
        "tpu.region"() ({
          %run_scoped3A = tpu.sem_alloc : memref<!tpu.dma_semaphore, #tpu.memory_space<semaphore_mem>>
          %dma_start3A_158 = arith.constant 0 : i32
          %dma_start3A_159 = arith.constant 0 : i32
          %dma_start3A_160 = tpu.memref_slice %arg14[%dma_start3A_158, %dma_start3A_159] : memref<10240x128xf32, #tpu.memory_space<vmem_shared>> -> memref<10240x128xf32, #tpu.memory_space<vmem_shared>>
          tpu.enqueue_indirect_dma source(%arg12 : memref<128x128xf32, #tpu.memory_space<vmem>>) target(%dma_start3A_160 : memref<10240x128xf32, #tpu.memory_space<vmem_shared>>) offsets(%arg10 : memref<128xi32, #tpu.memory_space<vmem>>) semaphore(%run_scoped3A : memref<!tpu.dma_semaphore, #tpu.memory_space<semaphore_mem>>) {add = true}
          %dma_wait3A_161 = arith.constant 0 : i32
          %dma_wait3A_162 = arith.constant 0 : i32
          %dma_wait3A_163 = tpu.memref_slice %arg14[%dma_wait3A_161, %dma_wait3A_162] : memref<10240x128xf32, #tpu.memory_space<vmem_shared>> -> memref<10240x128xf32, #tpu.memory_space<vmem_shared>>
          tpu.wait_indirect_dma semaphore(%run_scoped3A : memref<!tpu.dma_semaphore, #tpu.memory_space<semaphore_mem>>) src(%arg12 : memref<128x128xf32, #tpu.memory_space<vmem>>) dst(%dma_wait3A_163 : memref<10240x128xf32, #tpu.memory_space<vmem_shared>>)
          tpu.yield
        }) : () -> ()
        "tpu.region"() ({
          %run_scoped3A = tpu.sem_alloc : memref<!tpu.dma_semaphore, #tpu.memory_space<semaphore_mem>>
          %dma_start3A_158 = arith.constant 0 : i32
          %dma_start3A_159 = tpu.memref_slice %arg22[%dma_start3A_158] : memref<10240xf32, #tpu.memory_space<vmem_shared>> -> memref<10240xf32, #tpu.memory_space<vmem_shared>>
          tpu.enqueue_indirect_dma source(%arg21 : memref<128xf32, #tpu.memory_space<vmem>>) target(%dma_start3A_159 : memref<10240xf32, #tpu.memory_space<vmem_shared>>) offsets(%arg10 : memref<128xi32, #tpu.memory_space<vmem>>) semaphore(%run_scoped3A : memref<!tpu.dma_semaphore, #tpu.memory_space<semaphore_mem>>) {add = true}
          %dma_wait3A_160 = arith.constant 0 : i32
          %dma_wait3A_161 = tpu.memref_slice %arg22[%dma_wait3A_160] : memref<10240xf32, #tpu.memory_space<vmem_shared>> -> memref<10240xf32, #tpu.memory_space<vmem_shared>>
          tpu.wait_indirect_dma semaphore(%run_scoped3A : memref<!tpu.dma_semaphore, #tpu.memory_space<semaphore_mem>>) src(%arg21 : memref<128xf32, #tpu.memory_space<vmem>>) dst(%dma_wait3A_161 : memref<10240xf32, #tpu.memory_space<vmem_shared>>)
          tpu.yield
        }) : () -> ()
        %add3A_128 = arith.constant 2 : i32
        %add3A_129 = arith.addi %mul3A_99, %add3A_128 : i32
        %mul3A_130 = arith.constant 128 : i32
        %mul3A_131 = arith.muli %add3A_129, %mul3A_130 : i32
        %multiple_of3A_132 = tpu.assume_multiple %mul3A_131, 8 : i32
        %dma_start3A_133 = tpu.memref_slice %arg9[%multiple_of3A_132] : memref<15232xi32, #tpu.memory_space<vmem>> -> memref<128xi32, #tpu.memory_space<vmem>>
        %dma_start3A_134 = arith.constant 0 : i32
        %dma_start3A_135 = arith.constant 0 : i32
        %dma_start3A_136 = tpu.memref_slice %arg2[%dma_start3A_134, %dma_start3A_135] : memref<10240x128xf32, #tpu.memory_space<hbm>> -> memref<10240x128xf32, #tpu.memory_space<hbm>>
        tpu.enqueue_indirect_dma source(%dma_start3A_136 : memref<10240x128xf32, #tpu.memory_space<hbm>>) target(%arg12 : memref<128x128xf32, #tpu.memory_space<vmem>>) offsets(%dma_start3A_133 : memref<128xi32, #tpu.memory_space<vmem>>) semaphore(%arg15 : memref<!tpu.dma_semaphore, #tpu.memory_space<semaphore_mem>>)
        %mul3A_137 = arith.constant 128 : i32
        %mul3A_138 = arith.muli %add3A_129, %mul3A_137 : i32
        %add3A_139 = arith.addi %multiple_of3A, %mul3A_138 : i32
        %multiple_of3A_140 = tpu.assume_multiple %add3A_139, 8 : i32
        %dma_start3A_141 = tpu.memref_slice %arg4[%multiple_of3A_140] : memref<323584xi32, #tpu.memory_space<hbm>> -> memref<128xi32, #tpu.memory_space<hbm>>
        %dma_start3A_142 = tpu.memref_slice %arg4[%multiple_of3A_140] : memref<323584xi32, #tpu.memory_space<hbm>> -> memref<128xi32, #tpu.memory_space<hbm>>
        tpu.enqueue_dma source(%dma_start3A_142 : memref<128xi32, #tpu.memory_space<hbm>>) target(%arg10 : memref<128xi32, #tpu.memory_space<vmem>>) target_semaphore(%arg17 : memref<!tpu.dma_semaphore, #tpu.memory_space<semaphore_mem>>)
        %add3A_143 = arith.constant 1 : i32
        %add3A_144 = arith.addi %mul3A_99, %add3A_143 : i32
        %mul3A_145 = arith.constant 128 : i32
        %mul3A_146 = arith.muli %add3A_144, %mul3A_145 : i32
        %multiple_of3A_147 = tpu.assume_multiple %mul3A_146, 8 : i32
        %dma_wait3A_148 = tpu.memref_slice %arg9[%multiple_of3A_147] : memref<15232xi32, #tpu.memory_space<vmem>> -> memref<128xi32, #tpu.memory_space<vmem>>
        %dma_wait3A_149 = arith.constant 0 : i32
        %dma_wait3A_150 = arith.constant 0 : i32
        %dma_wait3A_151 = tpu.memref_slice %arg2[%dma_wait3A_149, %dma_wait3A_150] : memref<10240x128xf32, #tpu.memory_space<hbm>> -> memref<10240x128xf32, #tpu.memory_space<hbm>>
        tpu.wait_indirect_dma semaphore(%arg16 : memref<!tpu.dma_semaphore, #tpu.memory_space<semaphore_mem>>) src(%dma_wait3A_151 : memref<10240x128xf32, #tpu.memory_space<hbm>>) dst(%arg13 : memref<128x128xf32, #tpu.memory_space<vmem>>)
        %mul3A_152 = arith.constant 128 : i32
        %mul3A_153 = arith.muli %add3A_144, %mul3A_152 : i32
        %add3A_154 = arith.addi %multiple_of3A, %mul3A_153 : i32
        %multiple_of3A_155 = tpu.assume_multiple %add3A_154, 8 : i32
        %dma_wait3A_156 = tpu.memref_slice %arg4[%multiple_of3A_155] : memref<323584xi32, #tpu.memory_space<hbm>> -> memref<128xi32, #tpu.memory_space<hbm>>
        %dma_wait3A_157 = tpu.memref_slice %arg4[%multiple_of3A_155] : memref<323584xi32, #tpu.memory_space<hbm>> -> memref<128xi32, #tpu.memory_space<hbm>>
        tpu.wait_dma2 semaphore(%arg18 : memref<!tpu.dma_semaphore, #tpu.memory_space<semaphore_mem>>) src(%dma_wait3A_157 : memref<128xi32, #tpu.memory_space<hbm>>) dst(%arg11 : memref<128xi32, #tpu.memory_space<vmem>>)
        "tpu.region"() ({
          %run_scoped3A = tpu.sem_alloc : memref<!tpu.dma_semaphore, #tpu.memory_space<semaphore_mem>>
          %dma_start3A_158 = arith.constant 0 : i32
          %dma_start3A_159 = arith.constant 0 : i32
          %dma_start3A_160 = tpu.memref_slice %arg14[%dma_start3A_158, %dma_start3A_159] : memref<10240x128xf32, #tpu.memory_space<vmem_shared>> -> memref<10240x128xf32, #tpu.memory_space<vmem_shared>>
          tpu.enqueue_indirect_dma source(%arg13 : memref<128x128xf32, #tpu.memory_space<vmem>>) target(%dma_start3A_160 : memref<10240x128xf32, #tpu.memory_space<vmem_shared>>) offsets(%arg11 : memref<128xi32, #tpu.memory_space<vmem>>) semaphore(%run_scoped3A : memref<!tpu.dma_semaphore, #tpu.memory_space<semaphore_mem>>) {add = true}
          %dma_wait3A_161 = arith.constant 0 : i32
          %dma_wait3A_162 = arith.constant 0 : i32
          %dma_wait3A_163 = tpu.memref_slice %arg14[%dma_wait3A_161, %dma_wait3A_162] : memref<10240x128xf32, #tpu.memory_space<vmem_shared>> -> memref<10240x128xf32, #tpu.memory_space<vmem_shared>>
          tpu.wait_indirect_dma semaphore(%run_scoped3A : memref<!tpu.dma_semaphore, #tpu.memory_space<semaphore_mem>>) src(%arg13 : memref<128x128xf32, #tpu.memory_space<vmem>>) dst(%dma_wait3A_163 : memref<10240x128xf32, #tpu.memory_space<vmem_shared>>)
          tpu.yield
        }) : () -> ()
        "tpu.region"() ({
          %run_scoped3A = tpu.sem_alloc : memref<!tpu.dma_semaphore, #tpu.memory_space<semaphore_mem>>
          %dma_start3A_158 = arith.constant 0 : i32
          %dma_start3A_159 = tpu.memref_slice %arg22[%dma_start3A_158] : memref<10240xf32, #tpu.memory_space<vmem_shared>> -> memref<10240xf32, #tpu.memory_space<vmem_shared>>
          tpu.enqueue_indirect_dma source(%arg21 : memref<128xf32, #tpu.memory_space<vmem>>) target(%dma_start3A_159 : memref<10240xf32, #tpu.memory_space<vmem_shared>>) offsets(%arg11 : memref<128xi32, #tpu.memory_space<vmem>>) semaphore(%run_scoped3A : memref<!tpu.dma_semaphore, #tpu.memory_space<semaphore_mem>>) {add = true}
          %dma_wait3A_160 = arith.constant 0 : i32
          %dma_wait3A_161 = tpu.memref_slice %arg22[%dma_wait3A_160] : memref<10240xf32, #tpu.memory_space<vmem_shared>> -> memref<10240xf32, #tpu.memory_space<vmem_shared>>
          tpu.wait_indirect_dma semaphore(%run_scoped3A : memref<!tpu.dma_semaphore, #tpu.memory_space<semaphore_mem>>) src(%arg21 : memref<128xf32, #tpu.memory_space<vmem>>) dst(%dma_wait3A_161 : memref<10240xf32, #tpu.memory_space<vmem_shared>>)
          tpu.yield
        }) : () -> ()
      }
      %scan3A_86 = arith.constant 59 : i32
      %multiple_of3A_87 = arith.constant 15104 : i32
      %multiple_of3A_88 = tpu.assume_multiple %multiple_of3A_87, 8 : i32
      %dma_wait3A = tpu.memref_slice %arg9[%multiple_of3A_88] : memref<15232xi32, #tpu.memory_space<vmem>> -> memref<128xi32, #tpu.memory_space<vmem>>
      %dma_wait3A_89 = arith.constant 0 : i32
      %dma_wait3A_90 = arith.constant 0 : i32
      %dma_wait3A_91 = tpu.memref_slice %arg2[%dma_wait3A_89, %dma_wait3A_90] : memref<10240x128xf32, #tpu.memory_space<hbm>> -> memref<10240x128xf32, #tpu.memory_space<hbm>>
      tpu.wait_indirect_dma semaphore(%arg15 : memref<!tpu.dma_semaphore, #tpu.memory_space<semaphore_mem>>) src(%dma_wait3A_91 : memref<10240x128xf32, #tpu.memory_space<hbm>>) dst(%arg12 : memref<128x128xf32, #tpu.memory_space<vmem>>)
      %add3A_92 = arith.constant 15104 : i32
      %add3A_93 = arith.addi %multiple_of3A, %add3A_92 : i32
      %multiple_of3A_94 = tpu.assume_multiple %add3A_93, 8 : i32
      %dma_wait3A_95 = tpu.memref_slice %arg4[%multiple_of3A_94] : memref<323584xi32, #tpu.memory_space<hbm>> -> memref<128xi32, #tpu.memory_space<hbm>>
      %dma_wait3A_96 = tpu.memref_slice %arg4[%multiple_of3A_94] : memref<323584xi32, #tpu.memory_space<hbm>> -> memref<128xi32, #tpu.memory_space<hbm>>
      tpu.wait_dma2 semaphore(%arg17 : memref<!tpu.dma_semaphore, #tpu.memory_space<semaphore_mem>>) src(%dma_wait3A_96 : memref<128xi32, #tpu.memory_space<hbm>>) dst(%arg10 : memref<128xi32, #tpu.memory_space<vmem>>)
      "tpu.region"() ({
        %run_scoped3A = tpu.sem_alloc : memref<!tpu.dma_semaphore, #tpu.memory_space<semaphore_mem>>
        %dma_start3A_97 = arith.constant 0 : i32
        %dma_start3A_98 = arith.constant 0 : i32
        %dma_start3A_99 = tpu.memref_slice %arg14[%dma_start3A_97, %dma_start3A_98] : memref<10240x128xf32, #tpu.memory_space<vmem_shared>> -> memref<10240x128xf32, #tpu.memory_space<vmem_shared>>
        tpu.enqueue_indirect_dma source(%arg12 : memref<128x128xf32, #tpu.memory_space<vmem>>) target(%dma_start3A_99 : memref<10240x128xf32, #tpu.memory_space<vmem_shared>>) offsets(%arg10 : memref<128xi32, #tpu.memory_space<vmem>>) semaphore(%run_scoped3A : memref<!tpu.dma_semaphore, #tpu.memory_space<semaphore_mem>>) {add = true}
        %dma_wait3A_100 = arith.constant 0 : i32
        %dma_wait3A_101 = arith.constant 0 : i32
        %dma_wait3A_102 = tpu.memref_slice %arg14[%dma_wait3A_100, %dma_wait3A_101] : memref<10240x128xf32, #tpu.memory_space<vmem_shared>> -> memref<10240x128xf32, #tpu.memory_space<vmem_shared>>
        tpu.wait_indirect_dma semaphore(%run_scoped3A : memref<!tpu.dma_semaphore, #tpu.memory_space<semaphore_mem>>) src(%arg12 : memref<128x128xf32, #tpu.memory_space<vmem>>) dst(%dma_wait3A_102 : memref<10240x128xf32, #tpu.memory_space<vmem_shared>>)
        tpu.yield
      }) : () -> ()
      "tpu.region"() ({
        %run_scoped3A = tpu.sem_alloc : memref<!tpu.dma_semaphore, #tpu.memory_space<semaphore_mem>>
        %dma_start3A_97 = arith.constant 0 : i32
        %dma_start3A_98 = tpu.memref_slice %arg22[%dma_start3A_97] : memref<10240xf32, #tpu.memory_space<vmem_shared>> -> memref<10240xf32, #tpu.memory_space<vmem_shared>>
        tpu.enqueue_indirect_dma source(%arg21 : memref<128xf32, #tpu.memory_space<vmem>>) target(%dma_start3A_98 : memref<10240xf32, #tpu.memory_space<vmem_shared>>) offsets(%arg10 : memref<128xi32, #tpu.memory_space<vmem>>) semaphore(%run_scoped3A : memref<!tpu.dma_semaphore, #tpu.memory_space<semaphore_mem>>) {add = true}
        %dma_wait3A_99 = arith.constant 0 : i32
        %dma_wait3A_100 = tpu.memref_slice %arg22[%dma_wait3A_99] : memref<10240xf32, #tpu.memory_space<vmem_shared>> -> memref<10240xf32, #tpu.memory_space<vmem_shared>>
        tpu.wait_indirect_dma semaphore(%run_scoped3A : memref<!tpu.dma_semaphore, #tpu.memory_space<semaphore_mem>>) src(%arg21 : memref<128xf32, #tpu.memory_space<vmem>>) dst(%dma_wait3A_100 : memref<10240xf32, #tpu.memory_space<vmem_shared>>)
        tpu.yield
      }) : () -> ()
    } else {
    }
    %eq3A_57 = arith.constant 1 : i32
    %eq3A_58 = arith.cmpi eq, %arg0, %eq3A_57 : i32
    %convert_element_type3A_59 = arith.extui %eq3A_58 : i1 to i32
    %cond3A_60 = arith.constant 0 : i32
    %cond3A_61 = arith.cmpi ne, %convert_element_type3A_59, %cond3A_60 : i32
    scf.if %cond3A_61 {
      "tpu.region"() ({
        %run_scoped3A = tpu.sem_alloc : memref<!tpu.dma_semaphore, #tpu.memory_space<semaphore_mem>>
        %dma_start3A_97 = arith.constant 0 : i32
        %dma_start3A_98 = tpu.memref_slice %arg9[%dma_start3A_97] : memref<15232xi32, #tpu.memory_space<vmem>> -> memref<4992xi32, #tpu.memory_space<vmem>>
        %dma_start3A_99 = tpu.memref_slice %arg3[%multiple_of3A_54] : memref<323584xi32, #tpu.memory_space<hbm>> -> memref<4992xi32, #tpu.memory_space<hbm>>
        %dma_start3A_100 = arith.constant 0 : i32
        %dma_start3A_101 = tpu.memref_slice %arg9[%dma_start3A_100] : memref<15232xi32, #tpu.memory_space<vmem>> -> memref<4992xi32, #tpu.memory_space<vmem>>
        %dma_start3A_102 = tpu.memref_slice %arg3[%multiple_of3A_54] : memref<323584xi32, #tpu.memory_space<hbm>> -> memref<4992xi32, #tpu.memory_space<hbm>>
        tpu.enqueue_dma source(%dma_start3A_102 : memref<4992xi32, #tpu.memory_space<hbm>>) target(%dma_start3A_101 : memref<4992xi32, #tpu.memory_space<vmem>>) target_semaphore(%run_scoped3A : memref<!tpu.dma_semaphore, #tpu.memory_space<semaphore_mem>>)
        %dma_wait3A_103 = arith.constant 0 : i32
        %dma_wait3A_104 = tpu.memref_slice %arg9[%dma_wait3A_103] : memref<15232xi32, #tpu.memory_space<vmem>> -> memref<4992xi32, #tpu.memory_space<vmem>>
        %dma_wait3A_105 = tpu.memref_slice %arg3[%multiple_of3A_54] : memref<323584xi32, #tpu.memory_space<hbm>> -> memref<4992xi32, #tpu.memory_space<hbm>>
        %dma_wait3A_106 = arith.constant 0 : i32
        %dma_wait3A_107 = tpu.memref_slice %arg9[%dma_wait3A_106] : memref<15232xi32, #tpu.memory_space<vmem>> -> memref<4992xi32, #tpu.memory_space<vmem>>
        %dma_wait3A_108 = tpu.memref_slice %arg3[%multiple_of3A_54] : memref<323584xi32, #tpu.memory_space<hbm>> -> memref<4992xi32, #tpu.memory_space<hbm>>
        tpu.wait_dma2 semaphore(%run_scoped3A : memref<!tpu.dma_semaphore, #tpu.memory_space<semaphore_mem>>) src(%dma_wait3A_108 : memref<4992xi32, #tpu.memory_space<hbm>>) dst(%dma_wait3A_107 : memref<4992xi32, #tpu.memory_space<vmem>>)
        tpu.yield
      }) : () -> ()
      %multiple_of3A_72 = arith.constant 0 : i32
      %multiple_of3A_73 = tpu.assume_multiple %multiple_of3A_72, 8 : i32
      %dma_start3A = tpu.memref_slice %arg9[%multiple_of3A_73] : memref<15232xi32, #tpu.memory_space<vmem>> -> memref<128xi32, #tpu.memory_space<vmem>>
      %dma_start3A_74 = arith.constant 0 : i32
      %dma_start3A_75 = arith.constant 0 : i32
      %dma_start3A_76 = tpu.memref_slice %arg2[%dma_start3A_74, %dma_start3A_75] : memref<10240x128xf32, #tpu.memory_space<hbm>> -> memref<10240x128xf32, #tpu.memory_space<hbm>>
      tpu.enqueue_indirect_dma source(%dma_start3A_76 : memref<10240x128xf32, #tpu.memory_space<hbm>>) target(%arg12 : memref<128x128xf32, #tpu.memory_space<vmem>>) offsets(%dma_start3A : memref<128xi32, #tpu.memory_space<vmem>>) semaphore(%arg15 : memref<!tpu.dma_semaphore, #tpu.memory_space<semaphore_mem>>)
      %add3A_77 = arith.constant 0 : i32
      %add3A_78 = arith.addi %multiple_of3A_54, %add3A_77 : i32
      %multiple_of3A_79 = tpu.assume_multiple %add3A_78, 8 : i32
      %dma_start3A_80 = tpu.memref_slice %arg4[%multiple_of3A_79] : memref<323584xi32, #tpu.memory_space<hbm>> -> memref<128xi32, #tpu.memory_space<hbm>>
      %dma_start3A_81 = tpu.memref_slice %arg4[%multiple_of3A_79] : memref<323584xi32, #tpu.memory_space<hbm>> -> memref<128xi32, #tpu.memory_space<hbm>>
      tpu.enqueue_dma source(%dma_start3A_81 : memref<128xi32, #tpu.memory_space<hbm>>) target(%arg10 : memref<128xi32, #tpu.memory_space<vmem>>) target_semaphore(%arg17 : memref<!tpu.dma_semaphore, #tpu.memory_space<semaphore_mem>>)
      %scan3A = arith.constant 0 : i32
      %scan3A_82 = arith.constant 0 : i32
      %scan3A_83 = arith.constant 19 : i32
      %scan3A_84 = arith.addi %scan3A_82, %scan3A_83 : i32
      %scan3A_85 = arith.constant 1 : i32
      scf.for %scan3A_97 = %scan3A_82 to %scan3A_84 step %scan3A_85  : i32 {
        %mul3A_98 = arith.constant 2 : i32
        %mul3A_99 = arith.muli %scan3A_97, %mul3A_98 : i32
        %add3A_100 = arith.constant 1 : i32
        %add3A_101 = arith.addi %mul3A_99, %add3A_100 : i32
        %mul3A_102 = arith.constant 128 : i32
        %mul3A_103 = arith.muli %add3A_101, %mul3A_102 : i32
        %multiple_of3A_104 = tpu.assume_multiple %mul3A_103, 8 : i32
        %dma_start3A_105 = tpu.memref_slice %arg9[%multiple_of3A_104] : memref<15232xi32, #tpu.memory_space<vmem>> -> memref<128xi32, #tpu.memory_space<vmem>>
        %dma_start3A_106 = arith.constant 0 : i32
        %dma_start3A_107 = arith.constant 0 : i32
        %dma_start3A_108 = tpu.memref_slice %arg2[%dma_start3A_106, %dma_start3A_107] : memref<10240x128xf32, #tpu.memory_space<hbm>> -> memref<10240x128xf32, #tpu.memory_space<hbm>>
        tpu.enqueue_indirect_dma source(%dma_start3A_108 : memref<10240x128xf32, #tpu.memory_space<hbm>>) target(%arg13 : memref<128x128xf32, #tpu.memory_space<vmem>>) offsets(%dma_start3A_105 : memref<128xi32, #tpu.memory_space<vmem>>) semaphore(%arg16 : memref<!tpu.dma_semaphore, #tpu.memory_space<semaphore_mem>>)
        %mul3A_109 = arith.constant 128 : i32
        %mul3A_110 = arith.muli %add3A_101, %mul3A_109 : i32
        %add3A_111 = arith.addi %multiple_of3A_54, %mul3A_110 : i32
        %multiple_of3A_112 = tpu.assume_multiple %add3A_111, 8 : i32
        %dma_start3A_113 = tpu.memref_slice %arg4[%multiple_of3A_112] : memref<323584xi32, #tpu.memory_space<hbm>> -> memref<128xi32, #tpu.memory_space<hbm>>
        %dma_start3A_114 = tpu.memref_slice %arg4[%multiple_of3A_112] : memref<323584xi32, #tpu.memory_space<hbm>> -> memref<128xi32, #tpu.memory_space<hbm>>
        tpu.enqueue_dma source(%dma_start3A_114 : memref<128xi32, #tpu.memory_space<hbm>>) target(%arg11 : memref<128xi32, #tpu.memory_space<vmem>>) target_semaphore(%arg18 : memref<!tpu.dma_semaphore, #tpu.memory_space<semaphore_mem>>)
        %mul3A_115 = arith.constant 128 : i32
        %mul3A_116 = arith.muli %mul3A_99, %mul3A_115 : i32
        %multiple_of3A_117 = tpu.assume_multiple %mul3A_116, 8 : i32
        %dma_wait3A_118 = tpu.memref_slice %arg9[%multiple_of3A_117] : memref<15232xi32, #tpu.memory_space<vmem>> -> memref<128xi32, #tpu.memory_space<vmem>>
        %dma_wait3A_119 = arith.constant 0 : i32
        %dma_wait3A_120 = arith.constant 0 : i32
        %dma_wait3A_121 = tpu.memref_slice %arg2[%dma_wait3A_119, %dma_wait3A_120] : memref<10240x128xf32, #tpu.memory_space<hbm>> -> memref<10240x128xf32, #tpu.memory_space<hbm>>
        tpu.wait_indirect_dma semaphore(%arg15 : memref<!tpu.dma_semaphore, #tpu.memory_space<semaphore_mem>>) src(%dma_wait3A_121 : memref<10240x128xf32, #tpu.memory_space<hbm>>) dst(%arg12 : memref<128x128xf32, #tpu.memory_space<vmem>>)
        %mul3A_122 = arith.constant 128 : i32
        %mul3A_123 = arith.muli %mul3A_99, %mul3A_122 : i32
        %add3A_124 = arith.addi %multiple_of3A_54, %mul3A_123 : i32
        %multiple_of3A_125 = tpu.assume_multiple %add3A_124, 8 : i32
        %dma_wait3A_126 = tpu.memref_slice %arg4[%multiple_of3A_125] : memref<323584xi32, #tpu.memory_space<hbm>> -> memref<128xi32, #tpu.memory_space<hbm>>
        %dma_wait3A_127 = tpu.memref_slice %arg4[%multiple_of3A_125] : memref<323584xi32, #tpu.memory_space<hbm>> -> memref<128xi32, #tpu.memory_space<hbm>>
        tpu.wait_dma2 semaphore(%arg17 : memref<!tpu.dma_semaphore, #tpu.memory_space<semaphore_mem>>) src(%dma_wait3A_127 : memref<128xi32, #tpu.memory_space<hbm>>) dst(%arg10 : memref<128xi32, #tpu.memory_space<vmem>>)
        "tpu.region"() ({
          %run_scoped3A = tpu.sem_alloc : memref<!tpu.dma_semaphore, #tpu.memory_space<semaphore_mem>>
          %dma_start3A_158 = arith.constant 0 : i32
          %dma_start3A_159 = arith.constant 0 : i32
          %dma_start3A_160 = tpu.memref_slice %arg14[%dma_start3A_158, %dma_start3A_159] : memref<10240x128xf32, #tpu.memory_space<vmem_shared>> -> memref<10240x128xf32, #tpu.memory_space<vmem_shared>>
          tpu.enqueue_indirect_dma source(%arg12 : memref<128x128xf32, #tpu.memory_space<vmem>>) target(%dma_start3A_160 : memref<10240x128xf32, #tpu.memory_space<vmem_shared>>) offsets(%arg10 : memref<128xi32, #tpu.memory_space<vmem>>) semaphore(%run_scoped3A : memref<!tpu.dma_semaphore, #tpu.memory_space<semaphore_mem>>) {add = true}
          %dma_wait3A_161 = arith.constant 0 : i32
          %dma_wait3A_162 = arith.constant 0 : i32
          %dma_wait3A_163 = tpu.memref_slice %arg14[%dma_wait3A_161, %dma_wait3A_162] : memref<10240x128xf32, #tpu.memory_space<vmem_shared>> -> memref<10240x128xf32, #tpu.memory_space<vmem_shared>>
          tpu.wait_indirect_dma semaphore(%run_scoped3A : memref<!tpu.dma_semaphore, #tpu.memory_space<semaphore_mem>>) src(%arg12 : memref<128x128xf32, #tpu.memory_space<vmem>>) dst(%dma_wait3A_163 : memref<10240x128xf32, #tpu.memory_space<vmem_shared>>)
          tpu.yield
        }) : () -> ()
        "tpu.region"() ({
          %run_scoped3A = tpu.sem_alloc : memref<!tpu.dma_semaphore, #tpu.memory_space<semaphore_mem>>
          %dma_start3A_158 = arith.constant 0 : i32
          %dma_start3A_159 = tpu.memref_slice %arg22[%dma_start3A_158] : memref<10240xf32, #tpu.memory_space<vmem_shared>> -> memref<10240xf32, #tpu.memory_space<vmem_shared>>
          tpu.enqueue_indirect_dma source(%arg21 : memref<128xf32, #tpu.memory_space<vmem>>) target(%dma_start3A_159 : memref<10240xf32, #tpu.memory_space<vmem_shared>>) offsets(%arg10 : memref<128xi32, #tpu.memory_space<vmem>>) semaphore(%run_scoped3A : memref<!tpu.dma_semaphore, #tpu.memory_space<semaphore_mem>>) {add = true}
          %dma_wait3A_160 = arith.constant 0 : i32
          %dma_wait3A_161 = tpu.memref_slice %arg22[%dma_wait3A_160] : memref<10240xf32, #tpu.memory_space<vmem_shared>> -> memref<10240xf32, #tpu.memory_space<vmem_shared>>
          tpu.wait_indirect_dma semaphore(%run_scoped3A : memref<!tpu.dma_semaphore, #tpu.memory_space<semaphore_mem>>) src(%arg21 : memref<128xf32, #tpu.memory_space<vmem>>) dst(%dma_wait3A_161 : memref<10240xf32, #tpu.memory_space<vmem_shared>>)
          tpu.yield
        }) : () -> ()
        %add3A_128 = arith.constant 2 : i32
        %add3A_129 = arith.addi %mul3A_99, %add3A_128 : i32
        %mul3A_130 = arith.constant 128 : i32
        %mul3A_131 = arith.muli %add3A_129, %mul3A_130 : i32
        %multiple_of3A_132 = tpu.assume_multiple %mul3A_131, 8 : i32
        %dma_start3A_133 = tpu.memref_slice %arg9[%multiple_of3A_132] : memref<15232xi32, #tpu.memory_space<vmem>> -> memref<128xi32, #tpu.memory_space<vmem>>
        %dma_start3A_134 = arith.constant 0 : i32
        %dma_start3A_135 = arith.constant 0 : i32
        %dma_start3A_136 = tpu.memref_slice %arg2[%dma_start3A_134, %dma_start3A_135] : memref<10240x128xf32, #tpu.memory_space<hbm>> -> memref<10240x128xf32, #tpu.memory_space<hbm>>
        tpu.enqueue_indirect_dma source(%dma_start3A_136 : memref<10240x128xf32, #tpu.memory_space<hbm>>) target(%arg12 : memref<128x128xf32, #tpu.memory_space<vmem>>) offsets(%dma_start3A_133 : memref<128xi32, #tpu.memory_space<vmem>>) semaphore(%arg15 : memref<!tpu.dma_semaphore, #tpu.memory_space<semaphore_mem>>)
        %mul3A_137 = arith.constant 128 : i32
        %mul3A_138 = arith.muli %add3A_129, %mul3A_137 : i32
        %add3A_139 = arith.addi %multiple_of3A_54, %mul3A_138 : i32
        %multiple_of3A_140 = tpu.assume_multiple %add3A_139, 8 : i32
        %dma_start3A_141 = tpu.memref_slice %arg4[%multiple_of3A_140] : memref<323584xi32, #tpu.memory_space<hbm>> -> memref<128xi32, #tpu.memory_space<hbm>>
        %dma_start3A_142 = tpu.memref_slice %arg4[%multiple_of3A_140] : memref<323584xi32, #tpu.memory_space<hbm>> -> memref<128xi32, #tpu.memory_space<hbm>>
        tpu.enqueue_dma source(%dma_start3A_142 : memref<128xi32, #tpu.memory_space<hbm>>) target(%arg10 : memref<128xi32, #tpu.memory_space<vmem>>) target_semaphore(%arg17 : memref<!tpu.dma_semaphore, #tpu.memory_space<semaphore_mem>>)
        %add3A_143 = arith.constant 1 : i32
        %add3A_144 = arith.addi %mul3A_99, %add3A_143 : i32
        %mul3A_145 = arith.constant 128 : i32
        %mul3A_146 = arith.muli %add3A_144, %mul3A_145 : i32
        %multiple_of3A_147 = tpu.assume_multiple %mul3A_146, 8 : i32
        %dma_wait3A_148 = tpu.memref_slice %arg9[%multiple_of3A_147] : memref<15232xi32, #tpu.memory_space<vmem>> -> memref<128xi32, #tpu.memory_space<vmem>>
        %dma_wait3A_149 = arith.constant 0 : i32
        %dma_wait3A_150 = arith.constant 0 : i32
        %dma_wait3A_151 = tpu.memref_slice %arg2[%dma_wait3A_149, %dma_wait3A_150] : memref<10240x128xf32, #tpu.memory_space<hbm>> -> memref<10240x128xf32, #tpu.memory_space<hbm>>
        tpu.wait_indirect_dma semaphore(%arg16 : memref<!tpu.dma_semaphore, #tpu.memory_space<semaphore_mem>>) src(%dma_wait3A_151 : memref<10240x128xf32, #tpu.memory_space<hbm>>) dst(%arg13 : memref<128x128xf32, #tpu.memory_space<vmem>>)
        %mul3A_152 = arith.constant 128 : i32
        %mul3A_153 = arith.muli %add3A_144, %mul3A_152 : i32
        %add3A_154 = arith.addi %multiple_of3A_54, %mul3A_153 : i32
        %multiple_of3A_155 = tpu.assume_multiple %add3A_154, 8 : i32
        %dma_wait3A_156 = tpu.memref_slice %arg4[%multiple_of3A_155] : memref<323584xi32, #tpu.memory_space<hbm>> -> memref<128xi32, #tpu.memory_space<hbm>>
        %dma_wait3A_157 = tpu.memref_slice %arg4[%multiple_of3A_155] : memref<323584xi32, #tpu.memory_space<hbm>> -> memref<128xi32, #tpu.memory_space<hbm>>
        tpu.wait_dma2 semaphore(%arg18 : memref<!tpu.dma_semaphore, #tpu.memory_space<semaphore_mem>>) src(%dma_wait3A_157 : memref<128xi32, #tpu.memory_space<hbm>>) dst(%arg11 : memref<128xi32, #tpu.memory_space<vmem>>)
        "tpu.region"() ({
          %run_scoped3A = tpu.sem_alloc : memref<!tpu.dma_semaphore, #tpu.memory_space<semaphore_mem>>
          %dma_start3A_158 = arith.constant 0 : i32
          %dma_start3A_159 = arith.constant 0 : i32
          %dma_start3A_160 = tpu.memref_slice %arg14[%dma_start3A_158, %dma_start3A_159] : memref<10240x128xf32, #tpu.memory_space<vmem_shared>> -> memref<10240x128xf32, #tpu.memory_space<vmem_shared>>
          tpu.enqueue_indirect_dma source(%arg13 : memref<128x128xf32, #tpu.memory_space<vmem>>) target(%dma_start3A_160 : memref<10240x128xf32, #tpu.memory_space<vmem_shared>>) offsets(%arg11 : memref<128xi32, #tpu.memory_space<vmem>>) semaphore(%run_scoped3A : memref<!tpu.dma_semaphore, #tpu.memory_space<semaphore_mem>>) {add = true}
          %dma_wait3A_161 = arith.constant 0 : i32
          %dma_wait3A_162 = arith.constant 0 : i32
          %dma_wait3A_163 = tpu.memref_slice %arg14[%dma_wait3A_161, %dma_wait3A_162] : memref<10240x128xf32, #tpu.memory_space<vmem_shared>> -> memref<10240x128xf32, #tpu.memory_space<vmem_shared>>
          tpu.wait_indirect_dma semaphore(%run_scoped3A : memref<!tpu.dma_semaphore, #tpu.memory_space<semaphore_mem>>) src(%arg13 : memref<128x128xf32, #tpu.memory_space<vmem>>) dst(%dma_wait3A_163 : memref<10240x128xf32, #tpu.memory_space<vmem_shared>>)
          tpu.yield
        }) : () -> ()
        "tpu.region"() ({
          %run_scoped3A = tpu.sem_alloc : memref<!tpu.dma_semaphore, #tpu.memory_space<semaphore_mem>>
          %dma_start3A_158 = arith.constant 0 : i32
          %dma_start3A_159 = tpu.memref_slice %arg22[%dma_start3A_158] : memref<10240xf32, #tpu.memory_space<vmem_shared>> -> memref<10240xf32, #tpu.memory_space<vmem_shared>>
          tpu.enqueue_indirect_dma source(%arg21 : memref<128xf32, #tpu.memory_space<vmem>>) target(%dma_start3A_159 : memref<10240xf32, #tpu.memory_space<vmem_shared>>) offsets(%arg11 : memref<128xi32, #tpu.memory_space<vmem>>) semaphore(%run_scoped3A : memref<!tpu.dma_semaphore, #tpu.memory_space<semaphore_mem>>) {add = true}
          %dma_wait3A_160 = arith.constant 0 : i32
          %dma_wait3A_161 = tpu.memref_slice %arg22[%dma_wait3A_160] : memref<10240xf32, #tpu.memory_space<vmem_shared>> -> memref<10240xf32, #tpu.memory_space<vmem_shared>>
          tpu.wait_indirect_dma semaphore(%run_scoped3A : memref<!tpu.dma_semaphore, #tpu.memory_space<semaphore_mem>>) src(%arg21 : memref<128xf32, #tpu.memory_space<vmem>>) dst(%dma_wait3A_161 : memref<10240xf32, #tpu.memory_space<vmem_shared>>)
          tpu.yield
        }) : () -> ()
      }
      %scan3A_86 = arith.constant 19 : i32
      %multiple_of3A_87 = arith.constant 4864 : i32
      %multiple_of3A_88 = tpu.assume_multiple %multiple_of3A_87, 8 : i32
      %dma_wait3A = tpu.memref_slice %arg9[%multiple_of3A_88] : memref<15232xi32, #tpu.memory_space<vmem>> -> memref<128xi32, #tpu.memory_space<vmem>>
      %dma_wait3A_89 = arith.constant 0 : i32
      %dma_wait3A_90 = arith.constant 0 : i32
      %dma_wait3A_91 = tpu.memref_slice %arg2[%dma_wait3A_89, %dma_wait3A_90] : memref<10240x128xf32, #tpu.memory_space<hbm>> -> memref<10240x128xf32, #tpu.memory_space<hbm>>
      tpu.wait_indirect_dma semaphore(%arg15 : memref<!tpu.dma_semaphore, #tpu.memory_space<semaphore_mem>>) src(%dma_wait3A_91 : memref<10240x128xf32, #tpu.memory_space<hbm>>) dst(%arg12 : memref<128x128xf32, #tpu.memory_space<vmem>>)
      %add3A_92 = arith.constant 4864 : i32
      %add3A_93 = arith.addi %multiple_of3A_54, %add3A_92 : i32
      %multiple_of3A_94 = tpu.assume_multiple %add3A_93, 8 : i32
      %dma_wait3A_95 = tpu.memref_slice %arg4[%multiple_of3A_94] : memref<323584xi32, #tpu.memory_space<hbm>> -> memref<128xi32, #tpu.memory_space<hbm>>
      %dma_wait3A_96 = tpu.memref_slice %arg4[%multiple_of3A_94] : memref<323584xi32, #tpu.memory_space<hbm>> -> memref<128xi32, #tpu.memory_space<hbm>>
      tpu.wait_dma2 semaphore(%arg17 : memref<!tpu.dma_semaphore, #tpu.memory_space<semaphore_mem>>) src(%dma_wait3A_96 : memref<128xi32, #tpu.memory_space<hbm>>) dst(%arg10 : memref<128xi32, #tpu.memory_space<vmem>>)
      "tpu.region"() ({
        %run_scoped3A = tpu.sem_alloc : memref<!tpu.dma_semaphore, #tpu.memory_space<semaphore_mem>>
        %dma_start3A_97 = arith.constant 0 : i32
        %dma_start3A_98 = arith.constant 0 : i32
        %dma_start3A_99 = tpu.memref_slice %arg14[%dma_start3A_97, %dma_start3A_98] : memref<10240x128xf32, #tpu.memory_space<vmem_shared>> -> memref<10240x128xf32, #tpu.memory_space<vmem_shared>>
        tpu.enqueue_indirect_dma source(%arg12 : memref<128x128xf32, #tpu.memory_space<vmem>>) target(%dma_start3A_99 : memref<10240x128xf32, #tpu.memory_space<vmem_shared>>) offsets(%arg10 : memref<128xi32, #tpu.memory_space<vmem>>) semaphore(%run_scoped3A : memref<!tpu.dma_semaphore, #tpu.memory_space<semaphore_mem>>) {add = true}
        %dma_wait3A_100 = arith.constant 0 : i32
        %dma_wait3A_101 = arith.constant 0 : i32
        %dma_wait3A_102 = tpu.memref_slice %arg14[%dma_wait3A_100, %dma_wait3A_101] : memref<10240x128xf32, #tpu.memory_space<vmem_shared>> -> memref<10240x128xf32, #tpu.memory_space<vmem_shared>>
        tpu.wait_indirect_dma semaphore(%run_scoped3A : memref<!tpu.dma_semaphore, #tpu.memory_space<semaphore_mem>>) src(%arg12 : memref<128x128xf32, #tpu.memory_space<vmem>>) dst(%dma_wait3A_102 : memref<10240x128xf32, #tpu.memory_space<vmem_shared>>)
        tpu.yield
      }) : () -> ()
      "tpu.region"() ({
        %run_scoped3A = tpu.sem_alloc : memref<!tpu.dma_semaphore, #tpu.memory_space<semaphore_mem>>
        %dma_start3A_97 = arith.constant 0 : i32
        %dma_start3A_98 = tpu.memref_slice %arg22[%dma_start3A_97] : memref<10240xf32, #tpu.memory_space<vmem_shared>> -> memref<10240xf32, #tpu.memory_space<vmem_shared>>
        tpu.enqueue_indirect_dma source(%arg21 : memref<128xf32, #tpu.memory_space<vmem>>) target(%dma_start3A_98 : memref<10240xf32, #tpu.memory_space<vmem_shared>>) offsets(%arg10 : memref<128xi32, #tpu.memory_space<vmem>>) semaphore(%run_scoped3A : memref<!tpu.dma_semaphore, #tpu.memory_space<semaphore_mem>>) {add = true}
        %dma_wait3A_99 = arith.constant 0 : i32
        %dma_wait3A_100 = tpu.memref_slice %arg22[%dma_wait3A_99] : memref<10240xf32, #tpu.memory_space<vmem_shared>> -> memref<10240xf32, #tpu.memory_space<vmem_shared>>
        tpu.wait_indirect_dma semaphore(%run_scoped3A : memref<!tpu.dma_semaphore, #tpu.memory_space<semaphore_mem>>) src(%arg21 : memref<128xf32, #tpu.memory_space<vmem>>) dst(%dma_wait3A_100 : memref<10240xf32, #tpu.memory_space<vmem_shared>>)
        tpu.yield
      }) : () -> ()
    } else {
    }
    %barrier3A_62 = arith.constant 0 : index
    tpu.barrier barrier_id(%barrier3A_62)
    %mul3A_63 = arith.constant 640 : i32
    %mul3A_64 = arith.muli %arg1, %mul3A_63 : i32
    %multiple_of3A_65 = tpu.assume_multiple %mul3A_64, 8 : i32
    %mul3A_66 = arith.constant 10240 : i32
    %mul3A_67 = arith.muli %arg0, %mul3A_66 : i32
    %mul3A_68 = arith.constant 640 : i32
    %mul3A_69 = arith.muli %arg1, %mul3A_68 : i32
    %add3A_70 = arith.addi %mul3A_67, %mul3A_69 : i32
    %multiple_of3A_71 = tpu.assume_multiple %add3A_70, 8 : i32
    "tpu.region"() ({
      %run_scoped3A = tpu.sem_alloc : memref<!tpu.dma_semaphore, #tpu.memory_space<semaphore_mem>>
      %dma_start3A = arith.constant 0 : i32
      %dma_start3A_72 = tpu.memref_slice %arg7[%multiple_of3A_71, %dma_start3A] : memref<20480x128xf32, #tpu.memory_space<hbm>> -> memref<640x128xf32, #tpu.memory_space<hbm>>
      %dma_start3A_73 = arith.constant 0 : i32
      %dma_start3A_74 = tpu.memref_slice %arg14[%multiple_of3A_65, %dma_start3A_73] : memref<10240x128xf32, #tpu.memory_space<vmem_shared>> -> memref<640x128xf32, #tpu.memory_space<vmem_shared>>
      tpu.enqueue_dma source(%dma_start3A_74 : memref<640x128xf32, #tpu.memory_space<vmem_shared>>) target(%dma_start3A_72 : memref<640x128xf32, #tpu.memory_space<hbm>>) target_semaphore(%run_scoped3A : memref<!tpu.dma_semaphore, #tpu.memory_space<semaphore_mem>>)
      %dma_wait3A = arith.constant 0 : i32
      %dma_wait3A_75 = tpu.memref_slice %arg7[%multiple_of3A_71, %dma_wait3A] : memref<20480x128xf32, #tpu.memory_space<hbm>> -> memref<640x128xf32, #tpu.memory_space<hbm>>
      %dma_wait3A_76 = arith.constant 0 : i32
      %dma_wait3A_77 = tpu.memref_slice %arg14[%multiple_of3A_65, %dma_wait3A_76] : memref<10240x128xf32, #tpu.memory_space<vmem_shared>> -> memref<640x128xf32, #tpu.memory_space<vmem_shared>>
      tpu.wait_dma2 semaphore(%run_scoped3A : memref<!tpu.dma_semaphore, #tpu.memory_space<semaphore_mem>>) src(%dma_wait3A_77 : memref<640x128xf32, #tpu.memory_space<vmem_shared>>) dst(%dma_wait3A_75 : memref<640x128xf32, #tpu.memory_space<hbm>>)
      tpu.yield
    }) : () -> ()
    "tpu.region"() ({
      %run_scoped3A = tpu.sem_alloc : memref<!tpu.dma_semaphore, #tpu.memory_space<semaphore_mem>>
      %dma_start3A = tpu.memref_slice %arg8[%multiple_of3A_71] : memref<20480xf32, #tpu.memory_space<hbm>> -> memref<640xf32, #tpu.memory_space<hbm>>
      %dma_start3A_72 = tpu.memref_slice %arg22[%multiple_of3A_65] : memref<10240xf32, #tpu.memory_space<vmem_shared>> -> memref<640xf32, #tpu.memory_space<vmem_shared>>
      tpu.enqueue_dma source(%dma_start3A_72 : memref<640xf32, #tpu.memory_space<vmem_shared>>) target(%dma_start3A : memref<640xf32, #tpu.memory_space<hbm>>) target_semaphore(%run_scoped3A : memref<!tpu.dma_semaphore, #tpu.memory_space<semaphore_mem>>)
      %dma_wait3A = tpu.memref_slice %arg8[%multiple_of3A_71] : memref<20480xf32, #tpu.memory_space<hbm>> -> memref<640xf32, #tpu.memory_space<hbm>>
      %dma_wait3A_73 = tpu.memref_slice %arg22[%multiple_of3A_65] : memref<10240xf32, #tpu.memory_space<vmem_shared>> -> memref<640xf32, #tpu.memory_space<vmem_shared>>
      tpu.wait_dma2 semaphore(%run_scoped3A : memref<!tpu.dma_semaphore, #tpu.memory_space<semaphore_mem>>) src(%dma_wait3A_73 : memref<640xf32, #tpu.memory_space<vmem_shared>>) dst(%dma_wait3A : memref<640xf32, #tpu.memory_space<hbm>>)
      tpu.yield
    }) : () -> ()
    return
  }
}

#map = affine_map<(d0, d1) -> (0, 0)>
#map1 = affine_map<(d0, d1) -> (0)>
module attributes {stable_mosaic.version = 14 : i64} {
  func.func @_sc_agg_body(%arg0: i32, %arg1: i32, %arg2: memref<10240x128xf32, #tpu.memory_space<hbm>>, %arg3: memref<323584xi32, #tpu.memory_space<hbm>>, %arg4: memref<323584xi32, #tpu.memory_space<hbm>>, %arg5: memref<640x128xf32, #tpu.memory_space<hbm>>, %arg6: memref<20480x128xf32, #tpu.memory_space<hbm>>, %arg7: memref<15232xi32, #tpu.memory_space<vmem>>, %arg8: memref<128xi32, #tpu.memory_space<vmem>>, %arg9: memref<128xi32, #tpu.memory_space<vmem>>, %arg10: memref<128x128xf32, #tpu.memory_space<vmem>>, %arg11: memref<128x128xf32, #tpu.memory_space<vmem>>, %arg12: memref<10240x128xf32, #tpu.memory_space<vmem_shared>>, %arg13: memref<!tpu.dma_semaphore, #tpu.memory_space<semaphore_mem>>, %arg14: memref<!tpu.dma_semaphore, #tpu.memory_space<semaphore_mem>>, %arg15: memref<!tpu.dma_semaphore, #tpu.memory_space<semaphore_mem>>, %arg16: memref<!tpu.dma_semaphore, #tpu.memory_space<semaphore_mem>>, %arg17: memref<!tpu.dma_semaphore, #tpu.memory_space<semaphore_mem>>, %arg18: memref<!tpu.dma_semaphore, #tpu.memory_space<semaphore_mem>>) attributes {dimension_semantics = [#tpu.dimension_semantics<core_parallel>, #tpu.dimension_semantics<subcore_parallel>], iteration_bounds = array<i64: 2, 16>, scalar_prefetch = 0 : i64, scratch_operands = 12 : i64, tpu.core_type = #tpu.core_type<sc_vector_subcore>, window_params = [{transform_indices = #map}, {transform_indices = #map1}, {transform_indices = #map1}, {transform_indices = #map}, {transform_indices = #map}]} {
    %mul3A = arith.constant 640 : i32
    %mul3A_0 = arith.muli %arg1, %mul3A : i32
    "tpu.region"() ({
      %run_scoped3A = tpu.sem_alloc : memref<!tpu.dma_semaphore, #tpu.memory_space<semaphore_mem>>
      %dma_start3A = arith.constant 0 : i32
      %dma_start3A_24 = tpu.memref_slice %arg12[%mul3A_0, %dma_start3A] : memref<10240x128xf32, #tpu.memory_space<vmem_shared>> -> memref<640x128xf32, #tpu.memory_space<vmem_shared>>
      tpu.enqueue_dma source(%arg5 : memref<640x128xf32, #tpu.memory_space<hbm>>) target(%dma_start3A_24 : memref<640x128xf32, #tpu.memory_space<vmem_shared>>) target_semaphore(%run_scoped3A : memref<!tpu.dma_semaphore, #tpu.memory_space<semaphore_mem>>)
      %dma_wait3A = arith.constant 0 : i32
      %dma_wait3A_25 = tpu.memref_slice %arg12[%mul3A_0, %dma_wait3A] : memref<10240x128xf32, #tpu.memory_space<vmem_shared>> -> memref<640x128xf32, #tpu.memory_space<vmem_shared>>
      tpu.wait_dma2 semaphore(%run_scoped3A : memref<!tpu.dma_semaphore, #tpu.memory_space<semaphore_mem>>) src(%arg5 : memref<640x128xf32, #tpu.memory_space<hbm>>) dst(%dma_wait3A_25 : memref<640x128xf32, #tpu.memory_space<vmem_shared>>)
      tpu.yield
    }) : () -> ()
    %barrier3A = arith.constant 0 : index
    tpu.barrier barrier_id(%barrier3A)
    %mul3A_1 = arith.constant 15232 : i32
    %mul3A_2 = arith.muli %arg1, %mul3A_1 : i32
    %multiple_of3A = tpu.assume_multiple %mul3A_2, 8 : i32
    %mul3A_3 = arith.constant 4992 : i32
    %mul3A_4 = arith.muli %arg1, %mul3A_3 : i32
    %add3A = arith.constant 243712 : i32
    %add3A_5 = arith.addi %add3A, %mul3A_4 : i32
    %multiple_of3A_6 = tpu.assume_multiple %add3A_5, 8 : i32
    %eq3A = arith.constant 0 : i32
    %eq3A_7 = arith.cmpi eq, %arg0, %eq3A : i32
    %convert_element_type3A = arith.extui %eq3A_7 : i1 to i32
    %cond3A = arith.constant 0 : i32
    %cond3A_8 = arith.cmpi ne, %convert_element_type3A, %cond3A : i32
    scf.if %cond3A_8 {
      "tpu.region"() ({
        %run_scoped3A = tpu.sem_alloc : memref<!tpu.dma_semaphore, #tpu.memory_space<semaphore_mem>>
        %dma_start3A_49 = arith.constant 0 : i32
        %dma_start3A_50 = tpu.memref_slice %arg7[%dma_start3A_49] : memref<15232xi32, #tpu.memory_space<vmem>> -> memref<15232xi32, #tpu.memory_space<vmem>>
        %dma_start3A_51 = tpu.memref_slice %arg3[%multiple_of3A] : memref<323584xi32, #tpu.memory_space<hbm>> -> memref<15232xi32, #tpu.memory_space<hbm>>
        %dma_start3A_52 = arith.constant 0 : i32
        %dma_start3A_53 = tpu.memref_slice %arg7[%dma_start3A_52] : memref<15232xi32, #tpu.memory_space<vmem>> -> memref<15232xi32, #tpu.memory_space<vmem>>
        %dma_start3A_54 = tpu.memref_slice %arg3[%multiple_of3A] : memref<323584xi32, #tpu.memory_space<hbm>> -> memref<15232xi32, #tpu.memory_space<hbm>>
        tpu.enqueue_dma source(%dma_start3A_54 : memref<15232xi32, #tpu.memory_space<hbm>>) target(%dma_start3A_53 : memref<15232xi32, #tpu.memory_space<vmem>>) target_semaphore(%run_scoped3A : memref<!tpu.dma_semaphore, #tpu.memory_space<semaphore_mem>>)
        %dma_wait3A_55 = arith.constant 0 : i32
        %dma_wait3A_56 = tpu.memref_slice %arg7[%dma_wait3A_55] : memref<15232xi32, #tpu.memory_space<vmem>> -> memref<15232xi32, #tpu.memory_space<vmem>>
        %dma_wait3A_57 = tpu.memref_slice %arg3[%multiple_of3A] : memref<323584xi32, #tpu.memory_space<hbm>> -> memref<15232xi32, #tpu.memory_space<hbm>>
        %dma_wait3A_58 = arith.constant 0 : i32
        %dma_wait3A_59 = tpu.memref_slice %arg7[%dma_wait3A_58] : memref<15232xi32, #tpu.memory_space<vmem>> -> memref<15232xi32, #tpu.memory_space<vmem>>
        %dma_wait3A_60 = tpu.memref_slice %arg3[%multiple_of3A] : memref<323584xi32, #tpu.memory_space<hbm>> -> memref<15232xi32, #tpu.memory_space<hbm>>
        tpu.wait_dma2 semaphore(%run_scoped3A : memref<!tpu.dma_semaphore, #tpu.memory_space<semaphore_mem>>) src(%dma_wait3A_60 : memref<15232xi32, #tpu.memory_space<hbm>>) dst(%dma_wait3A_59 : memref<15232xi32, #tpu.memory_space<vmem>>)
        tpu.yield
      }) : () -> ()
      %multiple_of3A_24 = arith.constant 0 : i32
      %multiple_of3A_25 = tpu.assume_multiple %multiple_of3A_24, 8 : i32
      %dma_start3A = tpu.memref_slice %arg7[%multiple_of3A_25] : memref<15232xi32, #tpu.memory_space<vmem>> -> memref<128xi32, #tpu.memory_space<vmem>>
      %dma_start3A_26 = arith.constant 0 : i32
      %dma_start3A_27 = arith.constant 0 : i32
      %dma_start3A_28 = tpu.memref_slice %arg2[%dma_start3A_26, %dma_start3A_27] : memref<10240x128xf32, #tpu.memory_space<hbm>> -> memref<10240x128xf32, #tpu.memory_space<hbm>>
      tpu.enqueue_indirect_dma source(%dma_start3A_28 : memref<10240x128xf32, #tpu.memory_space<hbm>>) target(%arg10 : memref<128x128xf32, #tpu.memory_space<vmem>>) offsets(%dma_start3A : memref<128xi32, #tpu.memory_space<vmem>>) semaphore(%arg13 : memref<!tpu.dma_semaphore, #tpu.memory_space<semaphore_mem>>)
      %add3A_29 = arith.constant 0 : i32
      %add3A_30 = arith.addi %multiple_of3A, %add3A_29 : i32
      %multiple_of3A_31 = tpu.assume_multiple %add3A_30, 8 : i32
      %dma_start3A_32 = tpu.memref_slice %arg4[%multiple_of3A_31] : memref<323584xi32, #tpu.memory_space<hbm>> -> memref<128xi32, #tpu.memory_space<hbm>>
      %dma_start3A_33 = tpu.memref_slice %arg4[%multiple_of3A_31] : memref<323584xi32, #tpu.memory_space<hbm>> -> memref<128xi32, #tpu.memory_space<hbm>>
      tpu.enqueue_dma source(%dma_start3A_33 : memref<128xi32, #tpu.memory_space<hbm>>) target(%arg8 : memref<128xi32, #tpu.memory_space<vmem>>) target_semaphore(%arg15 : memref<!tpu.dma_semaphore, #tpu.memory_space<semaphore_mem>>)
      %scan3A = arith.constant 0 : i32
      %scan3A_34 = arith.constant 0 : i32
      %scan3A_35 = arith.constant 59 : i32
      %scan3A_36 = arith.addi %scan3A_34, %scan3A_35 : i32
      %scan3A_37 = arith.constant 1 : i32
      scf.for %scan3A_49 = %scan3A_34 to %scan3A_36 step %scan3A_37  : i32 {
        %mul3A_50 = arith.constant 2 : i32
        %mul3A_51 = arith.muli %scan3A_49, %mul3A_50 : i32
        %add3A_52 = arith.constant 1 : i32
        %add3A_53 = arith.addi %mul3A_51, %add3A_52 : i32
        %mul3A_54 = arith.constant 128 : i32
        %mul3A_55 = arith.muli %add3A_53, %mul3A_54 : i32
        %multiple_of3A_56 = tpu.assume_multiple %mul3A_55, 8 : i32
        %dma_start3A_57 = tpu.memref_slice %arg7[%multiple_of3A_56] : memref<15232xi32, #tpu.memory_space<vmem>> -> memref<128xi32, #tpu.memory_space<vmem>>
        %dma_start3A_58 = arith.constant 0 : i32
        %dma_start3A_59 = arith.constant 0 : i32
        %dma_start3A_60 = tpu.memref_slice %arg2[%dma_start3A_58, %dma_start3A_59] : memref<10240x128xf32, #tpu.memory_space<hbm>> -> memref<10240x128xf32, #tpu.memory_space<hbm>>
        tpu.enqueue_indirect_dma source(%dma_start3A_60 : memref<10240x128xf32, #tpu.memory_space<hbm>>) target(%arg11 : memref<128x128xf32, #tpu.memory_space<vmem>>) offsets(%dma_start3A_57 : memref<128xi32, #tpu.memory_space<vmem>>) semaphore(%arg14 : memref<!tpu.dma_semaphore, #tpu.memory_space<semaphore_mem>>)
        %mul3A_61 = arith.constant 128 : i32
        %mul3A_62 = arith.muli %add3A_53, %mul3A_61 : i32
        %add3A_63 = arith.addi %multiple_of3A, %mul3A_62 : i32
        %multiple_of3A_64 = tpu.assume_multiple %add3A_63, 8 : i32
        %dma_start3A_65 = tpu.memref_slice %arg4[%multiple_of3A_64] : memref<323584xi32, #tpu.memory_space<hbm>> -> memref<128xi32, #tpu.memory_space<hbm>>
        %dma_start3A_66 = tpu.memref_slice %arg4[%multiple_of3A_64] : memref<323584xi32, #tpu.memory_space<hbm>> -> memref<128xi32, #tpu.memory_space<hbm>>
        tpu.enqueue_dma source(%dma_start3A_66 : memref<128xi32, #tpu.memory_space<hbm>>) target(%arg9 : memref<128xi32, #tpu.memory_space<vmem>>) target_semaphore(%arg16 : memref<!tpu.dma_semaphore, #tpu.memory_space<semaphore_mem>>)
        %mul3A_67 = arith.constant 128 : i32
        %mul3A_68 = arith.muli %mul3A_51, %mul3A_67 : i32
        %multiple_of3A_69 = tpu.assume_multiple %mul3A_68, 8 : i32
        %dma_wait3A_70 = tpu.memref_slice %arg7[%multiple_of3A_69] : memref<15232xi32, #tpu.memory_space<vmem>> -> memref<128xi32, #tpu.memory_space<vmem>>
        %dma_wait3A_71 = arith.constant 0 : i32
        %dma_wait3A_72 = arith.constant 0 : i32
        %dma_wait3A_73 = tpu.memref_slice %arg2[%dma_wait3A_71, %dma_wait3A_72] : memref<10240x128xf32, #tpu.memory_space<hbm>> -> memref<10240x128xf32, #tpu.memory_space<hbm>>
        tpu.wait_indirect_dma semaphore(%arg13 : memref<!tpu.dma_semaphore, #tpu.memory_space<semaphore_mem>>) src(%dma_wait3A_73 : memref<10240x128xf32, #tpu.memory_space<hbm>>) dst(%arg10 : memref<128x128xf32, #tpu.memory_space<vmem>>)
        %mul3A_74 = arith.constant 128 : i32
        %mul3A_75 = arith.muli %mul3A_51, %mul3A_74 : i32
        %add3A_76 = arith.addi %multiple_of3A, %mul3A_75 : i32
        %multiple_of3A_77 = tpu.assume_multiple %add3A_76, 8 : i32
        %dma_wait3A_78 = tpu.memref_slice %arg4[%multiple_of3A_77] : memref<323584xi32, #tpu.memory_space<hbm>> -> memref<128xi32, #tpu.memory_space<hbm>>
        %dma_wait3A_79 = tpu.memref_slice %arg4[%multiple_of3A_77] : memref<323584xi32, #tpu.memory_space<hbm>> -> memref<128xi32, #tpu.memory_space<hbm>>
        tpu.wait_dma2 semaphore(%arg15 : memref<!tpu.dma_semaphore, #tpu.memory_space<semaphore_mem>>) src(%dma_wait3A_79 : memref<128xi32, #tpu.memory_space<hbm>>) dst(%arg8 : memref<128xi32, #tpu.memory_space<vmem>>)
        "tpu.region"() ({
          %run_scoped3A = tpu.sem_alloc : memref<!tpu.dma_semaphore, #tpu.memory_space<semaphore_mem>>
          %dma_start3A_110 = arith.constant 0 : i32
          %dma_start3A_111 = arith.constant 0 : i32
          %dma_start3A_112 = tpu.memref_slice %arg12[%dma_start3A_110, %dma_start3A_111] : memref<10240x128xf32, #tpu.memory_space<vmem_shared>> -> memref<10240x128xf32, #tpu.memory_space<vmem_shared>>
          tpu.enqueue_indirect_dma source(%arg10 : memref<128x128xf32, #tpu.memory_space<vmem>>) target(%dma_start3A_112 : memref<10240x128xf32, #tpu.memory_space<vmem_shared>>) offsets(%arg8 : memref<128xi32, #tpu.memory_space<vmem>>) semaphore(%run_scoped3A : memref<!tpu.dma_semaphore, #tpu.memory_space<semaphore_mem>>) {add = true}
          %dma_wait3A_113 = arith.constant 0 : i32
          %dma_wait3A_114 = arith.constant 0 : i32
          %dma_wait3A_115 = tpu.memref_slice %arg12[%dma_wait3A_113, %dma_wait3A_114] : memref<10240x128xf32, #tpu.memory_space<vmem_shared>> -> memref<10240x128xf32, #tpu.memory_space<vmem_shared>>
          tpu.wait_indirect_dma semaphore(%run_scoped3A : memref<!tpu.dma_semaphore, #tpu.memory_space<semaphore_mem>>) src(%arg10 : memref<128x128xf32, #tpu.memory_space<vmem>>) dst(%dma_wait3A_115 : memref<10240x128xf32, #tpu.memory_space<vmem_shared>>)
          tpu.yield
        }) : () -> ()
        %add3A_80 = arith.constant 2 : i32
        %add3A_81 = arith.addi %mul3A_51, %add3A_80 : i32
        %mul3A_82 = arith.constant 128 : i32
        %mul3A_83 = arith.muli %add3A_81, %mul3A_82 : i32
        %multiple_of3A_84 = tpu.assume_multiple %mul3A_83, 8 : i32
        %dma_start3A_85 = tpu.memref_slice %arg7[%multiple_of3A_84] : memref<15232xi32, #tpu.memory_space<vmem>> -> memref<128xi32, #tpu.memory_space<vmem>>
        %dma_start3A_86 = arith.constant 0 : i32
        %dma_start3A_87 = arith.constant 0 : i32
        %dma_start3A_88 = tpu.memref_slice %arg2[%dma_start3A_86, %dma_start3A_87] : memref<10240x128xf32, #tpu.memory_space<hbm>> -> memref<10240x128xf32, #tpu.memory_space<hbm>>
        tpu.enqueue_indirect_dma source(%dma_start3A_88 : memref<10240x128xf32, #tpu.memory_space<hbm>>) target(%arg10 : memref<128x128xf32, #tpu.memory_space<vmem>>) offsets(%dma_start3A_85 : memref<128xi32, #tpu.memory_space<vmem>>) semaphore(%arg13 : memref<!tpu.dma_semaphore, #tpu.memory_space<semaphore_mem>>)
        %mul3A_89 = arith.constant 128 : i32
        %mul3A_90 = arith.muli %add3A_81, %mul3A_89 : i32
        %add3A_91 = arith.addi %multiple_of3A, %mul3A_90 : i32
        %multiple_of3A_92 = tpu.assume_multiple %add3A_91, 8 : i32
        %dma_start3A_93 = tpu.memref_slice %arg4[%multiple_of3A_92] : memref<323584xi32, #tpu.memory_space<hbm>> -> memref<128xi32, #tpu.memory_space<hbm>>
        %dma_start3A_94 = tpu.memref_slice %arg4[%multiple_of3A_92] : memref<323584xi32, #tpu.memory_space<hbm>> -> memref<128xi32, #tpu.memory_space<hbm>>
        tpu.enqueue_dma source(%dma_start3A_94 : memref<128xi32, #tpu.memory_space<hbm>>) target(%arg8 : memref<128xi32, #tpu.memory_space<vmem>>) target_semaphore(%arg15 : memref<!tpu.dma_semaphore, #tpu.memory_space<semaphore_mem>>)
        %add3A_95 = arith.constant 1 : i32
        %add3A_96 = arith.addi %mul3A_51, %add3A_95 : i32
        %mul3A_97 = arith.constant 128 : i32
        %mul3A_98 = arith.muli %add3A_96, %mul3A_97 : i32
        %multiple_of3A_99 = tpu.assume_multiple %mul3A_98, 8 : i32
        %dma_wait3A_100 = tpu.memref_slice %arg7[%multiple_of3A_99] : memref<15232xi32, #tpu.memory_space<vmem>> -> memref<128xi32, #tpu.memory_space<vmem>>
        %dma_wait3A_101 = arith.constant 0 : i32
        %dma_wait3A_102 = arith.constant 0 : i32
        %dma_wait3A_103 = tpu.memref_slice %arg2[%dma_wait3A_101, %dma_wait3A_102] : memref<10240x128xf32, #tpu.memory_space<hbm>> -> memref<10240x128xf32, #tpu.memory_space<hbm>>
        tpu.wait_indirect_dma semaphore(%arg14 : memref<!tpu.dma_semaphore, #tpu.memory_space<semaphore_mem>>) src(%dma_wait3A_103 : memref<10240x128xf32, #tpu.memory_space<hbm>>) dst(%arg11 : memref<128x128xf32, #tpu.memory_space<vmem>>)
        %mul3A_104 = arith.constant 128 : i32
        %mul3A_105 = arith.muli %add3A_96, %mul3A_104 : i32
        %add3A_106 = arith.addi %multiple_of3A, %mul3A_105 : i32
        %multiple_of3A_107 = tpu.assume_multiple %add3A_106, 8 : i32
        %dma_wait3A_108 = tpu.memref_slice %arg4[%multiple_of3A_107] : memref<323584xi32, #tpu.memory_space<hbm>> -> memref<128xi32, #tpu.memory_space<hbm>>
        %dma_wait3A_109 = tpu.memref_slice %arg4[%multiple_of3A_107] : memref<323584xi32, #tpu.memory_space<hbm>> -> memref<128xi32, #tpu.memory_space<hbm>>
        tpu.wait_dma2 semaphore(%arg16 : memref<!tpu.dma_semaphore, #tpu.memory_space<semaphore_mem>>) src(%dma_wait3A_109 : memref<128xi32, #tpu.memory_space<hbm>>) dst(%arg9 : memref<128xi32, #tpu.memory_space<vmem>>)
        "tpu.region"() ({
          %run_scoped3A = tpu.sem_alloc : memref<!tpu.dma_semaphore, #tpu.memory_space<semaphore_mem>>
          %dma_start3A_110 = arith.constant 0 : i32
          %dma_start3A_111 = arith.constant 0 : i32
          %dma_start3A_112 = tpu.memref_slice %arg12[%dma_start3A_110, %dma_start3A_111] : memref<10240x128xf32, #tpu.memory_space<vmem_shared>> -> memref<10240x128xf32, #tpu.memory_space<vmem_shared>>
          tpu.enqueue_indirect_dma source(%arg11 : memref<128x128xf32, #tpu.memory_space<vmem>>) target(%dma_start3A_112 : memref<10240x128xf32, #tpu.memory_space<vmem_shared>>) offsets(%arg9 : memref<128xi32, #tpu.memory_space<vmem>>) semaphore(%run_scoped3A : memref<!tpu.dma_semaphore, #tpu.memory_space<semaphore_mem>>) {add = true}
          %dma_wait3A_113 = arith.constant 0 : i32
          %dma_wait3A_114 = arith.constant 0 : i32
          %dma_wait3A_115 = tpu.memref_slice %arg12[%dma_wait3A_113, %dma_wait3A_114] : memref<10240x128xf32, #tpu.memory_space<vmem_shared>> -> memref<10240x128xf32, #tpu.memory_space<vmem_shared>>
          tpu.wait_indirect_dma semaphore(%run_scoped3A : memref<!tpu.dma_semaphore, #tpu.memory_space<semaphore_mem>>) src(%arg11 : memref<128x128xf32, #tpu.memory_space<vmem>>) dst(%dma_wait3A_115 : memref<10240x128xf32, #tpu.memory_space<vmem_shared>>)
          tpu.yield
        }) : () -> ()
      }
      %scan3A_38 = arith.constant 59 : i32
      %multiple_of3A_39 = arith.constant 15104 : i32
      %multiple_of3A_40 = tpu.assume_multiple %multiple_of3A_39, 8 : i32
      %dma_wait3A = tpu.memref_slice %arg7[%multiple_of3A_40] : memref<15232xi32, #tpu.memory_space<vmem>> -> memref<128xi32, #tpu.memory_space<vmem>>
      %dma_wait3A_41 = arith.constant 0 : i32
      %dma_wait3A_42 = arith.constant 0 : i32
      %dma_wait3A_43 = tpu.memref_slice %arg2[%dma_wait3A_41, %dma_wait3A_42] : memref<10240x128xf32, #tpu.memory_space<hbm>> -> memref<10240x128xf32, #tpu.memory_space<hbm>>
      tpu.wait_indirect_dma semaphore(%arg13 : memref<!tpu.dma_semaphore, #tpu.memory_space<semaphore_mem>>) src(%dma_wait3A_43 : memref<10240x128xf32, #tpu.memory_space<hbm>>) dst(%arg10 : memref<128x128xf32, #tpu.memory_space<vmem>>)
      %add3A_44 = arith.constant 15104 : i32
      %add3A_45 = arith.addi %multiple_of3A, %add3A_44 : i32
      %multiple_of3A_46 = tpu.assume_multiple %add3A_45, 8 : i32
      %dma_wait3A_47 = tpu.memref_slice %arg4[%multiple_of3A_46] : memref<323584xi32, #tpu.memory_space<hbm>> -> memref<128xi32, #tpu.memory_space<hbm>>
      %dma_wait3A_48 = tpu.memref_slice %arg4[%multiple_of3A_46] : memref<323584xi32, #tpu.memory_space<hbm>> -> memref<128xi32, #tpu.memory_space<hbm>>
      tpu.wait_dma2 semaphore(%arg15 : memref<!tpu.dma_semaphore, #tpu.memory_space<semaphore_mem>>) src(%dma_wait3A_48 : memref<128xi32, #tpu.memory_space<hbm>>) dst(%arg8 : memref<128xi32, #tpu.memory_space<vmem>>)
      "tpu.region"() ({
        %run_scoped3A = tpu.sem_alloc : memref<!tpu.dma_semaphore, #tpu.memory_space<semaphore_mem>>
        %dma_start3A_49 = arith.constant 0 : i32
        %dma_start3A_50 = arith.constant 0 : i32
        %dma_start3A_51 = tpu.memref_slice %arg12[%dma_start3A_49, %dma_start3A_50] : memref<10240x128xf32, #tpu.memory_space<vmem_shared>> -> memref<10240x128xf32, #tpu.memory_space<vmem_shared>>
        tpu.enqueue_indirect_dma source(%arg10 : memref<128x128xf32, #tpu.memory_space<vmem>>) target(%dma_start3A_51 : memref<10240x128xf32, #tpu.memory_space<vmem_shared>>) offsets(%arg8 : memref<128xi32, #tpu.memory_space<vmem>>) semaphore(%run_scoped3A : memref<!tpu.dma_semaphore, #tpu.memory_space<semaphore_mem>>) {add = true}
        %dma_wait3A_52 = arith.constant 0 : i32
        %dma_wait3A_53 = arith.constant 0 : i32
        %dma_wait3A_54 = tpu.memref_slice %arg12[%dma_wait3A_52, %dma_wait3A_53] : memref<10240x128xf32, #tpu.memory_space<vmem_shared>> -> memref<10240x128xf32, #tpu.memory_space<vmem_shared>>
        tpu.wait_indirect_dma semaphore(%run_scoped3A : memref<!tpu.dma_semaphore, #tpu.memory_space<semaphore_mem>>) src(%arg10 : memref<128x128xf32, #tpu.memory_space<vmem>>) dst(%dma_wait3A_54 : memref<10240x128xf32, #tpu.memory_space<vmem_shared>>)
        tpu.yield
      }) : () -> ()
    } else {
    }
    %eq3A_9 = arith.constant 1 : i32
    %eq3A_10 = arith.cmpi eq, %arg0, %eq3A_9 : i32
    %convert_element_type3A_11 = arith.extui %eq3A_10 : i1 to i32
    %cond3A_12 = arith.constant 0 : i32
    %cond3A_13 = arith.cmpi ne, %convert_element_type3A_11, %cond3A_12 : i32
    scf.if %cond3A_13 {
      "tpu.region"() ({
        %run_scoped3A = tpu.sem_alloc : memref<!tpu.dma_semaphore, #tpu.memory_space<semaphore_mem>>
        %dma_start3A_49 = arith.constant 0 : i32
        %dma_start3A_50 = tpu.memref_slice %arg7[%dma_start3A_49] : memref<15232xi32, #tpu.memory_space<vmem>> -> memref<4992xi32, #tpu.memory_space<vmem>>
        %dma_start3A_51 = tpu.memref_slice %arg3[%multiple_of3A_6] : memref<323584xi32, #tpu.memory_space<hbm>> -> memref<4992xi32, #tpu.memory_space<hbm>>
        %dma_start3A_52 = arith.constant 0 : i32
        %dma_start3A_53 = tpu.memref_slice %arg7[%dma_start3A_52] : memref<15232xi32, #tpu.memory_space<vmem>> -> memref<4992xi32, #tpu.memory_space<vmem>>
        %dma_start3A_54 = tpu.memref_slice %arg3[%multiple_of3A_6] : memref<323584xi32, #tpu.memory_space<hbm>> -> memref<4992xi32, #tpu.memory_space<hbm>>
        tpu.enqueue_dma source(%dma_start3A_54 : memref<4992xi32, #tpu.memory_space<hbm>>) target(%dma_start3A_53 : memref<4992xi32, #tpu.memory_space<vmem>>) target_semaphore(%run_scoped3A : memref<!tpu.dma_semaphore, #tpu.memory_space<semaphore_mem>>)
        %dma_wait3A_55 = arith.constant 0 : i32
        %dma_wait3A_56 = tpu.memref_slice %arg7[%dma_wait3A_55] : memref<15232xi32, #tpu.memory_space<vmem>> -> memref<4992xi32, #tpu.memory_space<vmem>>
        %dma_wait3A_57 = tpu.memref_slice %arg3[%multiple_of3A_6] : memref<323584xi32, #tpu.memory_space<hbm>> -> memref<4992xi32, #tpu.memory_space<hbm>>
        %dma_wait3A_58 = arith.constant 0 : i32
        %dma_wait3A_59 = tpu.memref_slice %arg7[%dma_wait3A_58] : memref<15232xi32, #tpu.memory_space<vmem>> -> memref<4992xi32, #tpu.memory_space<vmem>>
        %dma_wait3A_60 = tpu.memref_slice %arg3[%multiple_of3A_6] : memref<323584xi32, #tpu.memory_space<hbm>> -> memref<4992xi32, #tpu.memory_space<hbm>>
        tpu.wait_dma2 semaphore(%run_scoped3A : memref<!tpu.dma_semaphore, #tpu.memory_space<semaphore_mem>>) src(%dma_wait3A_60 : memref<4992xi32, #tpu.memory_space<hbm>>) dst(%dma_wait3A_59 : memref<4992xi32, #tpu.memory_space<vmem>>)
        tpu.yield
      }) : () -> ()
      %multiple_of3A_24 = arith.constant 0 : i32
      %multiple_of3A_25 = tpu.assume_multiple %multiple_of3A_24, 8 : i32
      %dma_start3A = tpu.memref_slice %arg7[%multiple_of3A_25] : memref<15232xi32, #tpu.memory_space<vmem>> -> memref<128xi32, #tpu.memory_space<vmem>>
      %dma_start3A_26 = arith.constant 0 : i32
      %dma_start3A_27 = arith.constant 0 : i32
      %dma_start3A_28 = tpu.memref_slice %arg2[%dma_start3A_26, %dma_start3A_27] : memref<10240x128xf32, #tpu.memory_space<hbm>> -> memref<10240x128xf32, #tpu.memory_space<hbm>>
      tpu.enqueue_indirect_dma source(%dma_start3A_28 : memref<10240x128xf32, #tpu.memory_space<hbm>>) target(%arg10 : memref<128x128xf32, #tpu.memory_space<vmem>>) offsets(%dma_start3A : memref<128xi32, #tpu.memory_space<vmem>>) semaphore(%arg13 : memref<!tpu.dma_semaphore, #tpu.memory_space<semaphore_mem>>)
      %add3A_29 = arith.constant 0 : i32
      %add3A_30 = arith.addi %multiple_of3A_6, %add3A_29 : i32
      %multiple_of3A_31 = tpu.assume_multiple %add3A_30, 8 : i32
      %dma_start3A_32 = tpu.memref_slice %arg4[%multiple_of3A_31] : memref<323584xi32, #tpu.memory_space<hbm>> -> memref<128xi32, #tpu.memory_space<hbm>>
      %dma_start3A_33 = tpu.memref_slice %arg4[%multiple_of3A_31] : memref<323584xi32, #tpu.memory_space<hbm>> -> memref<128xi32, #tpu.memory_space<hbm>>
      tpu.enqueue_dma source(%dma_start3A_33 : memref<128xi32, #tpu.memory_space<hbm>>) target(%arg8 : memref<128xi32, #tpu.memory_space<vmem>>) target_semaphore(%arg15 : memref<!tpu.dma_semaphore, #tpu.memory_space<semaphore_mem>>)
      %scan3A = arith.constant 0 : i32
      %scan3A_34 = arith.constant 0 : i32
      %scan3A_35 = arith.constant 19 : i32
      %scan3A_36 = arith.addi %scan3A_34, %scan3A_35 : i32
      %scan3A_37 = arith.constant 1 : i32
      scf.for %scan3A_49 = %scan3A_34 to %scan3A_36 step %scan3A_37  : i32 {
        %mul3A_50 = arith.constant 2 : i32
        %mul3A_51 = arith.muli %scan3A_49, %mul3A_50 : i32
        %add3A_52 = arith.constant 1 : i32
        %add3A_53 = arith.addi %mul3A_51, %add3A_52 : i32
        %mul3A_54 = arith.constant 128 : i32
        %mul3A_55 = arith.muli %add3A_53, %mul3A_54 : i32
        %multiple_of3A_56 = tpu.assume_multiple %mul3A_55, 8 : i32
        %dma_start3A_57 = tpu.memref_slice %arg7[%multiple_of3A_56] : memref<15232xi32, #tpu.memory_space<vmem>> -> memref<128xi32, #tpu.memory_space<vmem>>
        %dma_start3A_58 = arith.constant 0 : i32
        %dma_start3A_59 = arith.constant 0 : i32
        %dma_start3A_60 = tpu.memref_slice %arg2[%dma_start3A_58, %dma_start3A_59] : memref<10240x128xf32, #tpu.memory_space<hbm>> -> memref<10240x128xf32, #tpu.memory_space<hbm>>
        tpu.enqueue_indirect_dma source(%dma_start3A_60 : memref<10240x128xf32, #tpu.memory_space<hbm>>) target(%arg11 : memref<128x128xf32, #tpu.memory_space<vmem>>) offsets(%dma_start3A_57 : memref<128xi32, #tpu.memory_space<vmem>>) semaphore(%arg14 : memref<!tpu.dma_semaphore, #tpu.memory_space<semaphore_mem>>)
        %mul3A_61 = arith.constant 128 : i32
        %mul3A_62 = arith.muli %add3A_53, %mul3A_61 : i32
        %add3A_63 = arith.addi %multiple_of3A_6, %mul3A_62 : i32
        %multiple_of3A_64 = tpu.assume_multiple %add3A_63, 8 : i32
        %dma_start3A_65 = tpu.memref_slice %arg4[%multiple_of3A_64] : memref<323584xi32, #tpu.memory_space<hbm>> -> memref<128xi32, #tpu.memory_space<hbm>>
        %dma_start3A_66 = tpu.memref_slice %arg4[%multiple_of3A_64] : memref<323584xi32, #tpu.memory_space<hbm>> -> memref<128xi32, #tpu.memory_space<hbm>>
        tpu.enqueue_dma source(%dma_start3A_66 : memref<128xi32, #tpu.memory_space<hbm>>) target(%arg9 : memref<128xi32, #tpu.memory_space<vmem>>) target_semaphore(%arg16 : memref<!tpu.dma_semaphore, #tpu.memory_space<semaphore_mem>>)
        %mul3A_67 = arith.constant 128 : i32
        %mul3A_68 = arith.muli %mul3A_51, %mul3A_67 : i32
        %multiple_of3A_69 = tpu.assume_multiple %mul3A_68, 8 : i32
        %dma_wait3A_70 = tpu.memref_slice %arg7[%multiple_of3A_69] : memref<15232xi32, #tpu.memory_space<vmem>> -> memref<128xi32, #tpu.memory_space<vmem>>
        %dma_wait3A_71 = arith.constant 0 : i32
        %dma_wait3A_72 = arith.constant 0 : i32
        %dma_wait3A_73 = tpu.memref_slice %arg2[%dma_wait3A_71, %dma_wait3A_72] : memref<10240x128xf32, #tpu.memory_space<hbm>> -> memref<10240x128xf32, #tpu.memory_space<hbm>>
        tpu.wait_indirect_dma semaphore(%arg13 : memref<!tpu.dma_semaphore, #tpu.memory_space<semaphore_mem>>) src(%dma_wait3A_73 : memref<10240x128xf32, #tpu.memory_space<hbm>>) dst(%arg10 : memref<128x128xf32, #tpu.memory_space<vmem>>)
        %mul3A_74 = arith.constant 128 : i32
        %mul3A_75 = arith.muli %mul3A_51, %mul3A_74 : i32
        %add3A_76 = arith.addi %multiple_of3A_6, %mul3A_75 : i32
        %multiple_of3A_77 = tpu.assume_multiple %add3A_76, 8 : i32
        %dma_wait3A_78 = tpu.memref_slice %arg4[%multiple_of3A_77] : memref<323584xi32, #tpu.memory_space<hbm>> -> memref<128xi32, #tpu.memory_space<hbm>>
        %dma_wait3A_79 = tpu.memref_slice %arg4[%multiple_of3A_77] : memref<323584xi32, #tpu.memory_space<hbm>> -> memref<128xi32, #tpu.memory_space<hbm>>
        tpu.wait_dma2 semaphore(%arg15 : memref<!tpu.dma_semaphore, #tpu.memory_space<semaphore_mem>>) src(%dma_wait3A_79 : memref<128xi32, #tpu.memory_space<hbm>>) dst(%arg8 : memref<128xi32, #tpu.memory_space<vmem>>)
        "tpu.region"() ({
          %run_scoped3A = tpu.sem_alloc : memref<!tpu.dma_semaphore, #tpu.memory_space<semaphore_mem>>
          %dma_start3A_110 = arith.constant 0 : i32
          %dma_start3A_111 = arith.constant 0 : i32
          %dma_start3A_112 = tpu.memref_slice %arg12[%dma_start3A_110, %dma_start3A_111] : memref<10240x128xf32, #tpu.memory_space<vmem_shared>> -> memref<10240x128xf32, #tpu.memory_space<vmem_shared>>
          tpu.enqueue_indirect_dma source(%arg10 : memref<128x128xf32, #tpu.memory_space<vmem>>) target(%dma_start3A_112 : memref<10240x128xf32, #tpu.memory_space<vmem_shared>>) offsets(%arg8 : memref<128xi32, #tpu.memory_space<vmem>>) semaphore(%run_scoped3A : memref<!tpu.dma_semaphore, #tpu.memory_space<semaphore_mem>>) {add = true}
          %dma_wait3A_113 = arith.constant 0 : i32
          %dma_wait3A_114 = arith.constant 0 : i32
          %dma_wait3A_115 = tpu.memref_slice %arg12[%dma_wait3A_113, %dma_wait3A_114] : memref<10240x128xf32, #tpu.memory_space<vmem_shared>> -> memref<10240x128xf32, #tpu.memory_space<vmem_shared>>
          tpu.wait_indirect_dma semaphore(%run_scoped3A : memref<!tpu.dma_semaphore, #tpu.memory_space<semaphore_mem>>) src(%arg10 : memref<128x128xf32, #tpu.memory_space<vmem>>) dst(%dma_wait3A_115 : memref<10240x128xf32, #tpu.memory_space<vmem_shared>>)
          tpu.yield
        }) : () -> ()
        %add3A_80 = arith.constant 2 : i32
        %add3A_81 = arith.addi %mul3A_51, %add3A_80 : i32
        %mul3A_82 = arith.constant 128 : i32
        %mul3A_83 = arith.muli %add3A_81, %mul3A_82 : i32
        %multiple_of3A_84 = tpu.assume_multiple %mul3A_83, 8 : i32
        %dma_start3A_85 = tpu.memref_slice %arg7[%multiple_of3A_84] : memref<15232xi32, #tpu.memory_space<vmem>> -> memref<128xi32, #tpu.memory_space<vmem>>
        %dma_start3A_86 = arith.constant 0 : i32
        %dma_start3A_87 = arith.constant 0 : i32
        %dma_start3A_88 = tpu.memref_slice %arg2[%dma_start3A_86, %dma_start3A_87] : memref<10240x128xf32, #tpu.memory_space<hbm>> -> memref<10240x128xf32, #tpu.memory_space<hbm>>
        tpu.enqueue_indirect_dma source(%dma_start3A_88 : memref<10240x128xf32, #tpu.memory_space<hbm>>) target(%arg10 : memref<128x128xf32, #tpu.memory_space<vmem>>) offsets(%dma_start3A_85 : memref<128xi32, #tpu.memory_space<vmem>>) semaphore(%arg13 : memref<!tpu.dma_semaphore, #tpu.memory_space<semaphore_mem>>)
        %mul3A_89 = arith.constant 128 : i32
        %mul3A_90 = arith.muli %add3A_81, %mul3A_89 : i32
        %add3A_91 = arith.addi %multiple_of3A_6, %mul3A_90 : i32
        %multiple_of3A_92 = tpu.assume_multiple %add3A_91, 8 : i32
        %dma_start3A_93 = tpu.memref_slice %arg4[%multiple_of3A_92] : memref<323584xi32, #tpu.memory_space<hbm>> -> memref<128xi32, #tpu.memory_space<hbm>>
        %dma_start3A_94 = tpu.memref_slice %arg4[%multiple_of3A_92] : memref<323584xi32, #tpu.memory_space<hbm>> -> memref<128xi32, #tpu.memory_space<hbm>>
        tpu.enqueue_dma source(%dma_start3A_94 : memref<128xi32, #tpu.memory_space<hbm>>) target(%arg8 : memref<128xi32, #tpu.memory_space<vmem>>) target_semaphore(%arg15 : memref<!tpu.dma_semaphore, #tpu.memory_space<semaphore_mem>>)
        %add3A_95 = arith.constant 1 : i32
        %add3A_96 = arith.addi %mul3A_51, %add3A_95 : i32
        %mul3A_97 = arith.constant 128 : i32
        %mul3A_98 = arith.muli %add3A_96, %mul3A_97 : i32
        %multiple_of3A_99 = tpu.assume_multiple %mul3A_98, 8 : i32
        %dma_wait3A_100 = tpu.memref_slice %arg7[%multiple_of3A_99] : memref<15232xi32, #tpu.memory_space<vmem>> -> memref<128xi32, #tpu.memory_space<vmem>>
        %dma_wait3A_101 = arith.constant 0 : i32
        %dma_wait3A_102 = arith.constant 0 : i32
        %dma_wait3A_103 = tpu.memref_slice %arg2[%dma_wait3A_101, %dma_wait3A_102] : memref<10240x128xf32, #tpu.memory_space<hbm>> -> memref<10240x128xf32, #tpu.memory_space<hbm>>
        tpu.wait_indirect_dma semaphore(%arg14 : memref<!tpu.dma_semaphore, #tpu.memory_space<semaphore_mem>>) src(%dma_wait3A_103 : memref<10240x128xf32, #tpu.memory_space<hbm>>) dst(%arg11 : memref<128x128xf32, #tpu.memory_space<vmem>>)
        %mul3A_104 = arith.constant 128 : i32
        %mul3A_105 = arith.muli %add3A_96, %mul3A_104 : i32
        %add3A_106 = arith.addi %multiple_of3A_6, %mul3A_105 : i32
        %multiple_of3A_107 = tpu.assume_multiple %add3A_106, 8 : i32
        %dma_wait3A_108 = tpu.memref_slice %arg4[%multiple_of3A_107] : memref<323584xi32, #tpu.memory_space<hbm>> -> memref<128xi32, #tpu.memory_space<hbm>>
        %dma_wait3A_109 = tpu.memref_slice %arg4[%multiple_of3A_107] : memref<323584xi32, #tpu.memory_space<hbm>> -> memref<128xi32, #tpu.memory_space<hbm>>
        tpu.wait_dma2 semaphore(%arg16 : memref<!tpu.dma_semaphore, #tpu.memory_space<semaphore_mem>>) src(%dma_wait3A_109 : memref<128xi32, #tpu.memory_space<hbm>>) dst(%arg9 : memref<128xi32, #tpu.memory_space<vmem>>)
        "tpu.region"() ({
          %run_scoped3A = tpu.sem_alloc : memref<!tpu.dma_semaphore, #tpu.memory_space<semaphore_mem>>
          %dma_start3A_110 = arith.constant 0 : i32
          %dma_start3A_111 = arith.constant 0 : i32
          %dma_start3A_112 = tpu.memref_slice %arg12[%dma_start3A_110, %dma_start3A_111] : memref<10240x128xf32, #tpu.memory_space<vmem_shared>> -> memref<10240x128xf32, #tpu.memory_space<vmem_shared>>
          tpu.enqueue_indirect_dma source(%arg11 : memref<128x128xf32, #tpu.memory_space<vmem>>) target(%dma_start3A_112 : memref<10240x128xf32, #tpu.memory_space<vmem_shared>>) offsets(%arg9 : memref<128xi32, #tpu.memory_space<vmem>>) semaphore(%run_scoped3A : memref<!tpu.dma_semaphore, #tpu.memory_space<semaphore_mem>>) {add = true}
          %dma_wait3A_113 = arith.constant 0 : i32
          %dma_wait3A_114 = arith.constant 0 : i32
          %dma_wait3A_115 = tpu.memref_slice %arg12[%dma_wait3A_113, %dma_wait3A_114] : memref<10240x128xf32, #tpu.memory_space<vmem_shared>> -> memref<10240x128xf32, #tpu.memory_space<vmem_shared>>
          tpu.wait_indirect_dma semaphore(%run_scoped3A : memref<!tpu.dma_semaphore, #tpu.memory_space<semaphore_mem>>) src(%arg11 : memref<128x128xf32, #tpu.memory_space<vmem>>) dst(%dma_wait3A_115 : memref<10240x128xf32, #tpu.memory_space<vmem_shared>>)
          tpu.yield
        }) : () -> ()
      }
      %scan3A_38 = arith.constant 19 : i32
      %multiple_of3A_39 = arith.constant 4864 : i32
      %multiple_of3A_40 = tpu.assume_multiple %multiple_of3A_39, 8 : i32
      %dma_wait3A = tpu.memref_slice %arg7[%multiple_of3A_40] : memref<15232xi32, #tpu.memory_space<vmem>> -> memref<128xi32, #tpu.memory_space<vmem>>
      %dma_wait3A_41 = arith.constant 0 : i32
      %dma_wait3A_42 = arith.constant 0 : i32
      %dma_wait3A_43 = tpu.memref_slice %arg2[%dma_wait3A_41, %dma_wait3A_42] : memref<10240x128xf32, #tpu.memory_space<hbm>> -> memref<10240x128xf32, #tpu.memory_space<hbm>>
      tpu.wait_indirect_dma semaphore(%arg13 : memref<!tpu.dma_semaphore, #tpu.memory_space<semaphore_mem>>) src(%dma_wait3A_43 : memref<10240x128xf32, #tpu.memory_space<hbm>>) dst(%arg10 : memref<128x128xf32, #tpu.memory_space<vmem>>)
      %add3A_44 = arith.constant 4864 : i32
      %add3A_45 = arith.addi %multiple_of3A_6, %add3A_44 : i32
      %multiple_of3A_46 = tpu.assume_multiple %add3A_45, 8 : i32
      %dma_wait3A_47 = tpu.memref_slice %arg4[%multiple_of3A_46] : memref<323584xi32, #tpu.memory_space<hbm>> -> memref<128xi32, #tpu.memory_space<hbm>>
      %dma_wait3A_48 = tpu.memref_slice %arg4[%multiple_of3A_46] : memref<323584xi32, #tpu.memory_space<hbm>> -> memref<128xi32, #tpu.memory_space<hbm>>
      tpu.wait_dma2 semaphore(%arg15 : memref<!tpu.dma_semaphore, #tpu.memory_space<semaphore_mem>>) src(%dma_wait3A_48 : memref<128xi32, #tpu.memory_space<hbm>>) dst(%arg8 : memref<128xi32, #tpu.memory_space<vmem>>)
      "tpu.region"() ({
        %run_scoped3A = tpu.sem_alloc : memref<!tpu.dma_semaphore, #tpu.memory_space<semaphore_mem>>
        %dma_start3A_49 = arith.constant 0 : i32
        %dma_start3A_50 = arith.constant 0 : i32
        %dma_start3A_51 = tpu.memref_slice %arg12[%dma_start3A_49, %dma_start3A_50] : memref<10240x128xf32, #tpu.memory_space<vmem_shared>> -> memref<10240x128xf32, #tpu.memory_space<vmem_shared>>
        tpu.enqueue_indirect_dma source(%arg10 : memref<128x128xf32, #tpu.memory_space<vmem>>) target(%dma_start3A_51 : memref<10240x128xf32, #tpu.memory_space<vmem_shared>>) offsets(%arg8 : memref<128xi32, #tpu.memory_space<vmem>>) semaphore(%run_scoped3A : memref<!tpu.dma_semaphore, #tpu.memory_space<semaphore_mem>>) {add = true}
        %dma_wait3A_52 = arith.constant 0 : i32
        %dma_wait3A_53 = arith.constant 0 : i32
        %dma_wait3A_54 = tpu.memref_slice %arg12[%dma_wait3A_52, %dma_wait3A_53] : memref<10240x128xf32, #tpu.memory_space<vmem_shared>> -> memref<10240x128xf32, #tpu.memory_space<vmem_shared>>
        tpu.wait_indirect_dma semaphore(%run_scoped3A : memref<!tpu.dma_semaphore, #tpu.memory_space<semaphore_mem>>) src(%arg10 : memref<128x128xf32, #tpu.memory_space<vmem>>) dst(%dma_wait3A_54 : memref<10240x128xf32, #tpu.memory_space<vmem_shared>>)
        tpu.yield
      }) : () -> ()
    } else {
    }
    %barrier3A_14 = arith.constant 0 : index
    tpu.barrier barrier_id(%barrier3A_14)
    %mul3A_15 = arith.constant 640 : i32
    %mul3A_16 = arith.muli %arg1, %mul3A_15 : i32
    %multiple_of3A_17 = tpu.assume_multiple %mul3A_16, 8 : i32
    %mul3A_18 = arith.constant 10240 : i32
    %mul3A_19 = arith.muli %arg0, %mul3A_18 : i32
    %mul3A_20 = arith.constant 640 : i32
    %mul3A_21 = arith.muli %arg1, %mul3A_20 : i32
    %add3A_22 = arith.addi %mul3A_19, %mul3A_21 : i32
    %multiple_of3A_23 = tpu.assume_multiple %add3A_22, 8 : i32
    "tpu.region"() ({
      %run_scoped3A = tpu.sem_alloc : memref<!tpu.dma_semaphore, #tpu.memory_space<semaphore_mem>>
      %dma_start3A = arith.constant 0 : i32
      %dma_start3A_24 = tpu.memref_slice %arg6[%multiple_of3A_23, %dma_start3A] : memref<20480x128xf32, #tpu.memory_space<hbm>> -> memref<640x128xf32, #tpu.memory_space<hbm>>
      %dma_start3A_25 = arith.constant 0 : i32
      %dma_start3A_26 = tpu.memref_slice %arg12[%multiple_of3A_17, %dma_start3A_25] : memref<10240x128xf32, #tpu.memory_space<vmem_shared>> -> memref<640x128xf32, #tpu.memory_space<vmem_shared>>
      tpu.enqueue_dma source(%dma_start3A_26 : memref<640x128xf32, #tpu.memory_space<vmem_shared>>) target(%dma_start3A_24 : memref<640x128xf32, #tpu.memory_space<hbm>>) target_semaphore(%run_scoped3A : memref<!tpu.dma_semaphore, #tpu.memory_space<semaphore_mem>>)
      %dma_wait3A = arith.constant 0 : i32
      %dma_wait3A_27 = tpu.memref_slice %arg6[%multiple_of3A_23, %dma_wait3A] : memref<20480x128xf32, #tpu.memory_space<hbm>> -> memref<640x128xf32, #tpu.memory_space<hbm>>
      %dma_wait3A_28 = arith.constant 0 : i32
      %dma_wait3A_29 = tpu.memref_slice %arg12[%multiple_of3A_17, %dma_wait3A_28] : memref<10240x128xf32, #tpu.memory_space<vmem_shared>> -> memref<640x128xf32, #tpu.memory_space<vmem_shared>>
      tpu.wait_dma2 semaphore(%run_scoped3A : memref<!tpu.dma_semaphore, #tpu.memory_space<semaphore_mem>>) src(%dma_wait3A_29 : memref<640x128xf32, #tpu.memory_space<vmem_shared>>) dst(%dma_wait3A_27 : memref<640x128xf32, #tpu.memory_space<hbm>>)
      tpu.yield
    }) : () -> ()
    return
  }
}

#map = affine_map<(d0, d1) -> (0, 0)>
#map1 = affine_map<(d0, d1) -> (0)>
module attributes {stable_mosaic.version = 14 : i64} {
  func.func @_sc_agg_body(%arg0: i32, %arg1: i32, %arg2: memref<10240x128xf32, #tpu.memory_space<hbm>>, %arg3: memref<323584xi32, #tpu.memory_space<hbm>>, %arg4: memref<323584xi32, #tpu.memory_space<hbm>>, %arg5: memref<640x128xf32, #tpu.memory_space<hbm>>, %arg6: memref<20480x128xf32, #tpu.memory_space<hbm>>, %arg7: memref<15232xi32, #tpu.memory_space<vmem>>, %arg8: memref<128xi32, #tpu.memory_space<vmem>>, %arg9: memref<128xi32, #tpu.memory_space<vmem>>, %arg10: memref<128x128xf32, #tpu.memory_space<vmem>>, %arg11: memref<128x128xf32, #tpu.memory_space<vmem>>, %arg12: memref<10240x128xf32, #tpu.memory_space<vmem_shared>>, %arg13: memref<!tpu.dma_semaphore, #tpu.memory_space<semaphore_mem>>, %arg14: memref<!tpu.dma_semaphore, #tpu.memory_space<semaphore_mem>>, %arg15: memref<!tpu.dma_semaphore, #tpu.memory_space<semaphore_mem>>, %arg16: memref<!tpu.dma_semaphore, #tpu.memory_space<semaphore_mem>>, %arg17: memref<!tpu.dma_semaphore, #tpu.memory_space<semaphore_mem>>, %arg18: memref<!tpu.dma_semaphore, #tpu.memory_space<semaphore_mem>>) attributes {dimension_semantics = [#tpu.dimension_semantics<core_parallel>, #tpu.dimension_semantics<subcore_parallel>], iteration_bounds = array<i64: 2, 16>, scalar_prefetch = 0 : i64, scratch_operands = 12 : i64, tpu.core_type = #tpu.core_type<sc_vector_subcore>, window_params = [{transform_indices = #map}, {transform_indices = #map1}, {transform_indices = #map1}, {transform_indices = #map}, {transform_indices = #map}]} {
    %mul3A = arith.constant 640 : i32
    %mul3A_0 = arith.muli %arg1, %mul3A : i32
    "tpu.region"() ({
      %run_scoped3A = tpu.sem_alloc : memref<!tpu.dma_semaphore, #tpu.memory_space<semaphore_mem>>
      %dma_start3A = arith.constant 0 : i32
      %dma_start3A_24 = tpu.memref_slice %arg12[%mul3A_0, %dma_start3A] : memref<10240x128xf32, #tpu.memory_space<vmem_shared>> -> memref<640x128xf32, #tpu.memory_space<vmem_shared>>
      tpu.enqueue_dma source(%arg5 : memref<640x128xf32, #tpu.memory_space<hbm>>) target(%dma_start3A_24 : memref<640x128xf32, #tpu.memory_space<vmem_shared>>) target_semaphore(%run_scoped3A : memref<!tpu.dma_semaphore, #tpu.memory_space<semaphore_mem>>)
      %dma_wait3A = arith.constant 0 : i32
      %dma_wait3A_25 = tpu.memref_slice %arg12[%mul3A_0, %dma_wait3A] : memref<10240x128xf32, #tpu.memory_space<vmem_shared>> -> memref<640x128xf32, #tpu.memory_space<vmem_shared>>
      tpu.wait_dma2 semaphore(%run_scoped3A : memref<!tpu.dma_semaphore, #tpu.memory_space<semaphore_mem>>) src(%arg5 : memref<640x128xf32, #tpu.memory_space<hbm>>) dst(%dma_wait3A_25 : memref<640x128xf32, #tpu.memory_space<vmem_shared>>)
      tpu.yield
    }) : () -> ()
    %barrier3A = arith.constant 0 : index
    tpu.barrier barrier_id(%barrier3A)
    %mul3A_1 = arith.constant 15232 : i32
    %mul3A_2 = arith.muli %arg1, %mul3A_1 : i32
    %multiple_of3A = tpu.assume_multiple %mul3A_2, 8 : i32
    %mul3A_3 = arith.constant 4992 : i32
    %mul3A_4 = arith.muli %arg1, %mul3A_3 : i32
    %add3A = arith.constant 243712 : i32
    %add3A_5 = arith.addi %add3A, %mul3A_4 : i32
    %multiple_of3A_6 = tpu.assume_multiple %add3A_5, 8 : i32
    %eq3A = arith.constant 0 : i32
    %eq3A_7 = arith.cmpi eq, %arg0, %eq3A : i32
    %convert_element_type3A = arith.extui %eq3A_7 : i1 to i32
    %cond3A = arith.constant 0 : i32
    %cond3A_8 = arith.cmpi ne, %convert_element_type3A, %cond3A : i32
    scf.if %cond3A_8 {
      "tpu.region"() ({
        %run_scoped3A = tpu.sem_alloc : memref<!tpu.dma_semaphore, #tpu.memory_space<semaphore_mem>>
        %dma_start3A_49 = arith.constant 0 : i32
        %dma_start3A_50 = tpu.memref_slice %arg7[%dma_start3A_49] : memref<15232xi32, #tpu.memory_space<vmem>> -> memref<15232xi32, #tpu.memory_space<vmem>>
        %dma_start3A_51 = tpu.memref_slice %arg3[%multiple_of3A] : memref<323584xi32, #tpu.memory_space<hbm>> -> memref<15232xi32, #tpu.memory_space<hbm>>
        %dma_start3A_52 = arith.constant 0 : i32
        %dma_start3A_53 = tpu.memref_slice %arg7[%dma_start3A_52] : memref<15232xi32, #tpu.memory_space<vmem>> -> memref<15232xi32, #tpu.memory_space<vmem>>
        %dma_start3A_54 = tpu.memref_slice %arg3[%multiple_of3A] : memref<323584xi32, #tpu.memory_space<hbm>> -> memref<15232xi32, #tpu.memory_space<hbm>>
        tpu.enqueue_dma source(%dma_start3A_54 : memref<15232xi32, #tpu.memory_space<hbm>>) target(%dma_start3A_53 : memref<15232xi32, #tpu.memory_space<vmem>>) target_semaphore(%run_scoped3A : memref<!tpu.dma_semaphore, #tpu.memory_space<semaphore_mem>>)
        %dma_wait3A_55 = arith.constant 0 : i32
        %dma_wait3A_56 = tpu.memref_slice %arg7[%dma_wait3A_55] : memref<15232xi32, #tpu.memory_space<vmem>> -> memref<15232xi32, #tpu.memory_space<vmem>>
        %dma_wait3A_57 = tpu.memref_slice %arg3[%multiple_of3A] : memref<323584xi32, #tpu.memory_space<hbm>> -> memref<15232xi32, #tpu.memory_space<hbm>>
        %dma_wait3A_58 = arith.constant 0 : i32
        %dma_wait3A_59 = tpu.memref_slice %arg7[%dma_wait3A_58] : memref<15232xi32, #tpu.memory_space<vmem>> -> memref<15232xi32, #tpu.memory_space<vmem>>
        %dma_wait3A_60 = tpu.memref_slice %arg3[%multiple_of3A] : memref<323584xi32, #tpu.memory_space<hbm>> -> memref<15232xi32, #tpu.memory_space<hbm>>
        tpu.wait_dma2 semaphore(%run_scoped3A : memref<!tpu.dma_semaphore, #tpu.memory_space<semaphore_mem>>) src(%dma_wait3A_60 : memref<15232xi32, #tpu.memory_space<hbm>>) dst(%dma_wait3A_59 : memref<15232xi32, #tpu.memory_space<vmem>>)
        tpu.yield
      }) : () -> ()
      %multiple_of3A_24 = arith.constant 0 : i32
      %multiple_of3A_25 = tpu.assume_multiple %multiple_of3A_24, 8 : i32
      %dma_start3A = tpu.memref_slice %arg7[%multiple_of3A_25] : memref<15232xi32, #tpu.memory_space<vmem>> -> memref<128xi32, #tpu.memory_space<vmem>>
      %dma_start3A_26 = arith.constant 0 : i32
      %dma_start3A_27 = arith.constant 0 : i32
      %dma_start3A_28 = tpu.memref_slice %arg2[%dma_start3A_26, %dma_start3A_27] : memref<10240x128xf32, #tpu.memory_space<hbm>> -> memref<10240x128xf32, #tpu.memory_space<hbm>>
      tpu.enqueue_indirect_dma source(%dma_start3A_28 : memref<10240x128xf32, #tpu.memory_space<hbm>>) target(%arg10 : memref<128x128xf32, #tpu.memory_space<vmem>>) offsets(%dma_start3A : memref<128xi32, #tpu.memory_space<vmem>>) semaphore(%arg13 : memref<!tpu.dma_semaphore, #tpu.memory_space<semaphore_mem>>)
      %add3A_29 = arith.constant 0 : i32
      %add3A_30 = arith.addi %multiple_of3A, %add3A_29 : i32
      %multiple_of3A_31 = tpu.assume_multiple %add3A_30, 8 : i32
      %dma_start3A_32 = tpu.memref_slice %arg4[%multiple_of3A_31] : memref<323584xi32, #tpu.memory_space<hbm>> -> memref<128xi32, #tpu.memory_space<hbm>>
      %dma_start3A_33 = tpu.memref_slice %arg4[%multiple_of3A_31] : memref<323584xi32, #tpu.memory_space<hbm>> -> memref<128xi32, #tpu.memory_space<hbm>>
      tpu.enqueue_dma source(%dma_start3A_33 : memref<128xi32, #tpu.memory_space<hbm>>) target(%arg8 : memref<128xi32, #tpu.memory_space<vmem>>) target_semaphore(%arg15 : memref<!tpu.dma_semaphore, #tpu.memory_space<semaphore_mem>>)
      %scan3A = arith.constant 0 : i32
      %scan3A_34 = arith.constant 0 : i32
      %scan3A_35 = arith.constant 59 : i32
      %scan3A_36 = arith.addi %scan3A_34, %scan3A_35 : i32
      %scan3A_37 = arith.constant 1 : i32
      scf.for %scan3A_49 = %scan3A_34 to %scan3A_36 step %scan3A_37  : i32 {
        %mul3A_50 = arith.constant 2 : i32
        %mul3A_51 = arith.muli %scan3A_49, %mul3A_50 : i32
        %add3A_52 = arith.constant 1 : i32
        %add3A_53 = arith.addi %mul3A_51, %add3A_52 : i32
        %mul3A_54 = arith.constant 128 : i32
        %mul3A_55 = arith.muli %add3A_53, %mul3A_54 : i32
        %multiple_of3A_56 = tpu.assume_multiple %mul3A_55, 8 : i32
        %dma_start3A_57 = tpu.memref_slice %arg7[%multiple_of3A_56] : memref<15232xi32, #tpu.memory_space<vmem>> -> memref<128xi32, #tpu.memory_space<vmem>>
        %dma_start3A_58 = arith.constant 0 : i32
        %dma_start3A_59 = arith.constant 0 : i32
        %dma_start3A_60 = tpu.memref_slice %arg2[%dma_start3A_58, %dma_start3A_59] : memref<10240x128xf32, #tpu.memory_space<hbm>> -> memref<10240x128xf32, #tpu.memory_space<hbm>>
        tpu.enqueue_indirect_dma source(%dma_start3A_60 : memref<10240x128xf32, #tpu.memory_space<hbm>>) target(%arg11 : memref<128x128xf32, #tpu.memory_space<vmem>>) offsets(%dma_start3A_57 : memref<128xi32, #tpu.memory_space<vmem>>) semaphore(%arg14 : memref<!tpu.dma_semaphore, #tpu.memory_space<semaphore_mem>>)
        %mul3A_61 = arith.constant 128 : i32
        %mul3A_62 = arith.muli %add3A_53, %mul3A_61 : i32
        %add3A_63 = arith.addi %multiple_of3A, %mul3A_62 : i32
        %multiple_of3A_64 = tpu.assume_multiple %add3A_63, 8 : i32
        %dma_start3A_65 = tpu.memref_slice %arg4[%multiple_of3A_64] : memref<323584xi32, #tpu.memory_space<hbm>> -> memref<128xi32, #tpu.memory_space<hbm>>
        %dma_start3A_66 = tpu.memref_slice %arg4[%multiple_of3A_64] : memref<323584xi32, #tpu.memory_space<hbm>> -> memref<128xi32, #tpu.memory_space<hbm>>
        tpu.enqueue_dma source(%dma_start3A_66 : memref<128xi32, #tpu.memory_space<hbm>>) target(%arg9 : memref<128xi32, #tpu.memory_space<vmem>>) target_semaphore(%arg16 : memref<!tpu.dma_semaphore, #tpu.memory_space<semaphore_mem>>)
        %mul3A_67 = arith.constant 128 : i32
        %mul3A_68 = arith.muli %mul3A_51, %mul3A_67 : i32
        %multiple_of3A_69 = tpu.assume_multiple %mul3A_68, 8 : i32
        %dma_wait3A_70 = tpu.memref_slice %arg7[%multiple_of3A_69] : memref<15232xi32, #tpu.memory_space<vmem>> -> memref<128xi32, #tpu.memory_space<vmem>>
        %dma_wait3A_71 = arith.constant 0 : i32
        %dma_wait3A_72 = arith.constant 0 : i32
        %dma_wait3A_73 = tpu.memref_slice %arg2[%dma_wait3A_71, %dma_wait3A_72] : memref<10240x128xf32, #tpu.memory_space<hbm>> -> memref<10240x128xf32, #tpu.memory_space<hbm>>
        tpu.wait_indirect_dma semaphore(%arg13 : memref<!tpu.dma_semaphore, #tpu.memory_space<semaphore_mem>>) src(%dma_wait3A_73 : memref<10240x128xf32, #tpu.memory_space<hbm>>) dst(%arg10 : memref<128x128xf32, #tpu.memory_space<vmem>>)
        %mul3A_74 = arith.constant 128 : i32
        %mul3A_75 = arith.muli %mul3A_51, %mul3A_74 : i32
        %add3A_76 = arith.addi %multiple_of3A, %mul3A_75 : i32
        %multiple_of3A_77 = tpu.assume_multiple %add3A_76, 8 : i32
        %dma_wait3A_78 = tpu.memref_slice %arg4[%multiple_of3A_77] : memref<323584xi32, #tpu.memory_space<hbm>> -> memref<128xi32, #tpu.memory_space<hbm>>
        %dma_wait3A_79 = tpu.memref_slice %arg4[%multiple_of3A_77] : memref<323584xi32, #tpu.memory_space<hbm>> -> memref<128xi32, #tpu.memory_space<hbm>>
        tpu.wait_dma2 semaphore(%arg15 : memref<!tpu.dma_semaphore, #tpu.memory_space<semaphore_mem>>) src(%dma_wait3A_79 : memref<128xi32, #tpu.memory_space<hbm>>) dst(%arg8 : memref<128xi32, #tpu.memory_space<vmem>>)
        "tpu.region"() ({
          %run_scoped3A = tpu.sem_alloc : memref<!tpu.dma_semaphore, #tpu.memory_space<semaphore_mem>>
          %dma_start3A_110 = arith.constant 0 : i32
          %dma_start3A_111 = arith.constant 0 : i32
          %dma_start3A_112 = tpu.memref_slice %arg12[%dma_start3A_110, %dma_start3A_111] : memref<10240x128xf32, #tpu.memory_space<vmem_shared>> -> memref<10240x128xf32, #tpu.memory_space<vmem_shared>>
          tpu.enqueue_indirect_dma source(%arg10 : memref<128x128xf32, #tpu.memory_space<vmem>>) target(%dma_start3A_112 : memref<10240x128xf32, #tpu.memory_space<vmem_shared>>) offsets(%arg8 : memref<128xi32, #tpu.memory_space<vmem>>) semaphore(%run_scoped3A : memref<!tpu.dma_semaphore, #tpu.memory_space<semaphore_mem>>) {add = true}
          %dma_wait3A_113 = arith.constant 0 : i32
          %dma_wait3A_114 = arith.constant 0 : i32
          %dma_wait3A_115 = tpu.memref_slice %arg12[%dma_wait3A_113, %dma_wait3A_114] : memref<10240x128xf32, #tpu.memory_space<vmem_shared>> -> memref<10240x128xf32, #tpu.memory_space<vmem_shared>>
          tpu.wait_indirect_dma semaphore(%run_scoped3A : memref<!tpu.dma_semaphore, #tpu.memory_space<semaphore_mem>>) src(%arg10 : memref<128x128xf32, #tpu.memory_space<vmem>>) dst(%dma_wait3A_115 : memref<10240x128xf32, #tpu.memory_space<vmem_shared>>)
          tpu.yield
        }) : () -> ()
        %add3A_80 = arith.constant 2 : i32
        %add3A_81 = arith.addi %mul3A_51, %add3A_80 : i32
        %mul3A_82 = arith.constant 128 : i32
        %mul3A_83 = arith.muli %add3A_81, %mul3A_82 : i32
        %multiple_of3A_84 = tpu.assume_multiple %mul3A_83, 8 : i32
        %dma_start3A_85 = tpu.memref_slice %arg7[%multiple_of3A_84] : memref<15232xi32, #tpu.memory_space<vmem>> -> memref<128xi32, #tpu.memory_space<vmem>>
        %dma_start3A_86 = arith.constant 0 : i32
        %dma_start3A_87 = arith.constant 0 : i32
        %dma_start3A_88 = tpu.memref_slice %arg2[%dma_start3A_86, %dma_start3A_87] : memref<10240x128xf32, #tpu.memory_space<hbm>> -> memref<10240x128xf32, #tpu.memory_space<hbm>>
        tpu.enqueue_indirect_dma source(%dma_start3A_88 : memref<10240x128xf32, #tpu.memory_space<hbm>>) target(%arg10 : memref<128x128xf32, #tpu.memory_space<vmem>>) offsets(%dma_start3A_85 : memref<128xi32, #tpu.memory_space<vmem>>) semaphore(%arg13 : memref<!tpu.dma_semaphore, #tpu.memory_space<semaphore_mem>>)
        %mul3A_89 = arith.constant 128 : i32
        %mul3A_90 = arith.muli %add3A_81, %mul3A_89 : i32
        %add3A_91 = arith.addi %multiple_of3A, %mul3A_90 : i32
        %multiple_of3A_92 = tpu.assume_multiple %add3A_91, 8 : i32
        %dma_start3A_93 = tpu.memref_slice %arg4[%multiple_of3A_92] : memref<323584xi32, #tpu.memory_space<hbm>> -> memref<128xi32, #tpu.memory_space<hbm>>
        %dma_start3A_94 = tpu.memref_slice %arg4[%multiple_of3A_92] : memref<323584xi32, #tpu.memory_space<hbm>> -> memref<128xi32, #tpu.memory_space<hbm>>
        tpu.enqueue_dma source(%dma_start3A_94 : memref<128xi32, #tpu.memory_space<hbm>>) target(%arg8 : memref<128xi32, #tpu.memory_space<vmem>>) target_semaphore(%arg15 : memref<!tpu.dma_semaphore, #tpu.memory_space<semaphore_mem>>)
        %add3A_95 = arith.constant 1 : i32
        %add3A_96 = arith.addi %mul3A_51, %add3A_95 : i32
        %mul3A_97 = arith.constant 128 : i32
        %mul3A_98 = arith.muli %add3A_96, %mul3A_97 : i32
        %multiple_of3A_99 = tpu.assume_multiple %mul3A_98, 8 : i32
        %dma_wait3A_100 = tpu.memref_slice %arg7[%multiple_of3A_99] : memref<15232xi32, #tpu.memory_space<vmem>> -> memref<128xi32, #tpu.memory_space<vmem>>
        %dma_wait3A_101 = arith.constant 0 : i32
        %dma_wait3A_102 = arith.constant 0 : i32
        %dma_wait3A_103 = tpu.memref_slice %arg2[%dma_wait3A_101, %dma_wait3A_102] : memref<10240x128xf32, #tpu.memory_space<hbm>> -> memref<10240x128xf32, #tpu.memory_space<hbm>>
        tpu.wait_indirect_dma semaphore(%arg14 : memref<!tpu.dma_semaphore, #tpu.memory_space<semaphore_mem>>) src(%dma_wait3A_103 : memref<10240x128xf32, #tpu.memory_space<hbm>>) dst(%arg11 : memref<128x128xf32, #tpu.memory_space<vmem>>)
        %mul3A_104 = arith.constant 128 : i32
        %mul3A_105 = arith.muli %add3A_96, %mul3A_104 : i32
        %add3A_106 = arith.addi %multiple_of3A, %mul3A_105 : i32
        %multiple_of3A_107 = tpu.assume_multiple %add3A_106, 8 : i32
        %dma_wait3A_108 = tpu.memref_slice %arg4[%multiple_of3A_107] : memref<323584xi32, #tpu.memory_space<hbm>> -> memref<128xi32, #tpu.memory_space<hbm>>
        %dma_wait3A_109 = tpu.memref_slice %arg4[%multiple_of3A_107] : memref<323584xi32, #tpu.memory_space<hbm>> -> memref<128xi32, #tpu.memory_space<hbm>>
        tpu.wait_dma2 semaphore(%arg16 : memref<!tpu.dma_semaphore, #tpu.memory_space<semaphore_mem>>) src(%dma_wait3A_109 : memref<128xi32, #tpu.memory_space<hbm>>) dst(%arg9 : memref<128xi32, #tpu.memory_space<vmem>>)
        "tpu.region"() ({
          %run_scoped3A = tpu.sem_alloc : memref<!tpu.dma_semaphore, #tpu.memory_space<semaphore_mem>>
          %dma_start3A_110 = arith.constant 0 : i32
          %dma_start3A_111 = arith.constant 0 : i32
          %dma_start3A_112 = tpu.memref_slice %arg12[%dma_start3A_110, %dma_start3A_111] : memref<10240x128xf32, #tpu.memory_space<vmem_shared>> -> memref<10240x128xf32, #tpu.memory_space<vmem_shared>>
          tpu.enqueue_indirect_dma source(%arg11 : memref<128x128xf32, #tpu.memory_space<vmem>>) target(%dma_start3A_112 : memref<10240x128xf32, #tpu.memory_space<vmem_shared>>) offsets(%arg9 : memref<128xi32, #tpu.memory_space<vmem>>) semaphore(%run_scoped3A : memref<!tpu.dma_semaphore, #tpu.memory_space<semaphore_mem>>) {add = true}
          %dma_wait3A_113 = arith.constant 0 : i32
          %dma_wait3A_114 = arith.constant 0 : i32
          %dma_wait3A_115 = tpu.memref_slice %arg12[%dma_wait3A_113, %dma_wait3A_114] : memref<10240x128xf32, #tpu.memory_space<vmem_shared>> -> memref<10240x128xf32, #tpu.memory_space<vmem_shared>>
          tpu.wait_indirect_dma semaphore(%run_scoped3A : memref<!tpu.dma_semaphore, #tpu.memory_space<semaphore_mem>>) src(%arg11 : memref<128x128xf32, #tpu.memory_space<vmem>>) dst(%dma_wait3A_115 : memref<10240x128xf32, #tpu.memory_space<vmem_shared>>)
          tpu.yield
        }) : () -> ()
      }
      %scan3A_38 = arith.constant 59 : i32
      %multiple_of3A_39 = arith.constant 15104 : i32
      %multiple_of3A_40 = tpu.assume_multiple %multiple_of3A_39, 8 : i32
      %dma_wait3A = tpu.memref_slice %arg7[%multiple_of3A_40] : memref<15232xi32, #tpu.memory_space<vmem>> -> memref<128xi32, #tpu.memory_space<vmem>>
      %dma_wait3A_41 = arith.constant 0 : i32
      %dma_wait3A_42 = arith.constant 0 : i32
      %dma_wait3A_43 = tpu.memref_slice %arg2[%dma_wait3A_41, %dma_wait3A_42] : memref<10240x128xf32, #tpu.memory_space<hbm>> -> memref<10240x128xf32, #tpu.memory_space<hbm>>
      tpu.wait_indirect_dma semaphore(%arg13 : memref<!tpu.dma_semaphore, #tpu.memory_space<semaphore_mem>>) src(%dma_wait3A_43 : memref<10240x128xf32, #tpu.memory_space<hbm>>) dst(%arg10 : memref<128x128xf32, #tpu.memory_space<vmem>>)
      %add3A_44 = arith.constant 15104 : i32
      %add3A_45 = arith.addi %multiple_of3A, %add3A_44 : i32
      %multiple_of3A_46 = tpu.assume_multiple %add3A_45, 8 : i32
      %dma_wait3A_47 = tpu.memref_slice %arg4[%multiple_of3A_46] : memref<323584xi32, #tpu.memory_space<hbm>> -> memref<128xi32, #tpu.memory_space<hbm>>
      %dma_wait3A_48 = tpu.memref_slice %arg4[%multiple_of3A_46] : memref<323584xi32, #tpu.memory_space<hbm>> -> memref<128xi32, #tpu.memory_space<hbm>>
      tpu.wait_dma2 semaphore(%arg15 : memref<!tpu.dma_semaphore, #tpu.memory_space<semaphore_mem>>) src(%dma_wait3A_48 : memref<128xi32, #tpu.memory_space<hbm>>) dst(%arg8 : memref<128xi32, #tpu.memory_space<vmem>>)
      "tpu.region"() ({
        %run_scoped3A = tpu.sem_alloc : memref<!tpu.dma_semaphore, #tpu.memory_space<semaphore_mem>>
        %dma_start3A_49 = arith.constant 0 : i32
        %dma_start3A_50 = arith.constant 0 : i32
        %dma_start3A_51 = tpu.memref_slice %arg12[%dma_start3A_49, %dma_start3A_50] : memref<10240x128xf32, #tpu.memory_space<vmem_shared>> -> memref<10240x128xf32, #tpu.memory_space<vmem_shared>>
        tpu.enqueue_indirect_dma source(%arg10 : memref<128x128xf32, #tpu.memory_space<vmem>>) target(%dma_start3A_51 : memref<10240x128xf32, #tpu.memory_space<vmem_shared>>) offsets(%arg8 : memref<128xi32, #tpu.memory_space<vmem>>) semaphore(%run_scoped3A : memref<!tpu.dma_semaphore, #tpu.memory_space<semaphore_mem>>) {add = true}
        %dma_wait3A_52 = arith.constant 0 : i32
        %dma_wait3A_53 = arith.constant 0 : i32
        %dma_wait3A_54 = tpu.memref_slice %arg12[%dma_wait3A_52, %dma_wait3A_53] : memref<10240x128xf32, #tpu.memory_space<vmem_shared>> -> memref<10240x128xf32, #tpu.memory_space<vmem_shared>>
        tpu.wait_indirect_dma semaphore(%run_scoped3A : memref<!tpu.dma_semaphore, #tpu.memory_space<semaphore_mem>>) src(%arg10 : memref<128x128xf32, #tpu.memory_space<vmem>>) dst(%dma_wait3A_54 : memref<10240x128xf32, #tpu.memory_space<vmem_shared>>)
        tpu.yield
      }) : () -> ()
    } else {
    }
    %eq3A_9 = arith.constant 1 : i32
    %eq3A_10 = arith.cmpi eq, %arg0, %eq3A_9 : i32
    %convert_element_type3A_11 = arith.extui %eq3A_10 : i1 to i32
    %cond3A_12 = arith.constant 0 : i32
    %cond3A_13 = arith.cmpi ne, %convert_element_type3A_11, %cond3A_12 : i32
    scf.if %cond3A_13 {
      "tpu.region"() ({
        %run_scoped3A = tpu.sem_alloc : memref<!tpu.dma_semaphore, #tpu.memory_space<semaphore_mem>>
        %dma_start3A_49 = arith.constant 0 : i32
        %dma_start3A_50 = tpu.memref_slice %arg7[%dma_start3A_49] : memref<15232xi32, #tpu.memory_space<vmem>> -> memref<4992xi32, #tpu.memory_space<vmem>>
        %dma_start3A_51 = tpu.memref_slice %arg3[%multiple_of3A_6] : memref<323584xi32, #tpu.memory_space<hbm>> -> memref<4992xi32, #tpu.memory_space<hbm>>
        %dma_start3A_52 = arith.constant 0 : i32
        %dma_start3A_53 = tpu.memref_slice %arg7[%dma_start3A_52] : memref<15232xi32, #tpu.memory_space<vmem>> -> memref<4992xi32, #tpu.memory_space<vmem>>
        %dma_start3A_54 = tpu.memref_slice %arg3[%multiple_of3A_6] : memref<323584xi32, #tpu.memory_space<hbm>> -> memref<4992xi32, #tpu.memory_space<hbm>>
        tpu.enqueue_dma source(%dma_start3A_54 : memref<4992xi32, #tpu.memory_space<hbm>>) target(%dma_start3A_53 : memref<4992xi32, #tpu.memory_space<vmem>>) target_semaphore(%run_scoped3A : memref<!tpu.dma_semaphore, #tpu.memory_space<semaphore_mem>>)
        %dma_wait3A_55 = arith.constant 0 : i32
        %dma_wait3A_56 = tpu.memref_slice %arg7[%dma_wait3A_55] : memref<15232xi32, #tpu.memory_space<vmem>> -> memref<4992xi32, #tpu.memory_space<vmem>>
        %dma_wait3A_57 = tpu.memref_slice %arg3[%multiple_of3A_6] : memref<323584xi32, #tpu.memory_space<hbm>> -> memref<4992xi32, #tpu.memory_space<hbm>>
        %dma_wait3A_58 = arith.constant 0 : i32
        %dma_wait3A_59 = tpu.memref_slice %arg7[%dma_wait3A_58] : memref<15232xi32, #tpu.memory_space<vmem>> -> memref<4992xi32, #tpu.memory_space<vmem>>
        %dma_wait3A_60 = tpu.memref_slice %arg3[%multiple_of3A_6] : memref<323584xi32, #tpu.memory_space<hbm>> -> memref<4992xi32, #tpu.memory_space<hbm>>
        tpu.wait_dma2 semaphore(%run_scoped3A : memref<!tpu.dma_semaphore, #tpu.memory_space<semaphore_mem>>) src(%dma_wait3A_60 : memref<4992xi32, #tpu.memory_space<hbm>>) dst(%dma_wait3A_59 : memref<4992xi32, #tpu.memory_space<vmem>>)
        tpu.yield
      }) : () -> ()
      %multiple_of3A_24 = arith.constant 0 : i32
      %multiple_of3A_25 = tpu.assume_multiple %multiple_of3A_24, 8 : i32
      %dma_start3A = tpu.memref_slice %arg7[%multiple_of3A_25] : memref<15232xi32, #tpu.memory_space<vmem>> -> memref<128xi32, #tpu.memory_space<vmem>>
      %dma_start3A_26 = arith.constant 0 : i32
      %dma_start3A_27 = arith.constant 0 : i32
      %dma_start3A_28 = tpu.memref_slice %arg2[%dma_start3A_26, %dma_start3A_27] : memref<10240x128xf32, #tpu.memory_space<hbm>> -> memref<10240x128xf32, #tpu.memory_space<hbm>>
      tpu.enqueue_indirect_dma source(%dma_start3A_28 : memref<10240x128xf32, #tpu.memory_space<hbm>>) target(%arg10 : memref<128x128xf32, #tpu.memory_space<vmem>>) offsets(%dma_start3A : memref<128xi32, #tpu.memory_space<vmem>>) semaphore(%arg13 : memref<!tpu.dma_semaphore, #tpu.memory_space<semaphore_mem>>)
      %add3A_29 = arith.constant 0 : i32
      %add3A_30 = arith.addi %multiple_of3A_6, %add3A_29 : i32
      %multiple_of3A_31 = tpu.assume_multiple %add3A_30, 8 : i32
      %dma_start3A_32 = tpu.memref_slice %arg4[%multiple_of3A_31] : memref<323584xi32, #tpu.memory_space<hbm>> -> memref<128xi32, #tpu.memory_space<hbm>>
      %dma_start3A_33 = tpu.memref_slice %arg4[%multiple_of3A_31] : memref<323584xi32, #tpu.memory_space<hbm>> -> memref<128xi32, #tpu.memory_space<hbm>>
      tpu.enqueue_dma source(%dma_start3A_33 : memref<128xi32, #tpu.memory_space<hbm>>) target(%arg8 : memref<128xi32, #tpu.memory_space<vmem>>) target_semaphore(%arg15 : memref<!tpu.dma_semaphore, #tpu.memory_space<semaphore_mem>>)
      %scan3A = arith.constant 0 : i32
      %scan3A_34 = arith.constant 0 : i32
      %scan3A_35 = arith.constant 19 : i32
      %scan3A_36 = arith.addi %scan3A_34, %scan3A_35 : i32
      %scan3A_37 = arith.constant 1 : i32
      scf.for %scan3A_49 = %scan3A_34 to %scan3A_36 step %scan3A_37  : i32 {
        %mul3A_50 = arith.constant 2 : i32
        %mul3A_51 = arith.muli %scan3A_49, %mul3A_50 : i32
        %add3A_52 = arith.constant 1 : i32
        %add3A_53 = arith.addi %mul3A_51, %add3A_52 : i32
        %mul3A_54 = arith.constant 128 : i32
        %mul3A_55 = arith.muli %add3A_53, %mul3A_54 : i32
        %multiple_of3A_56 = tpu.assume_multiple %mul3A_55, 8 : i32
        %dma_start3A_57 = tpu.memref_slice %arg7[%multiple_of3A_56] : memref<15232xi32, #tpu.memory_space<vmem>> -> memref<128xi32, #tpu.memory_space<vmem>>
        %dma_start3A_58 = arith.constant 0 : i32
        %dma_start3A_59 = arith.constant 0 : i32
        %dma_start3A_60 = tpu.memref_slice %arg2[%dma_start3A_58, %dma_start3A_59] : memref<10240x128xf32, #tpu.memory_space<hbm>> -> memref<10240x128xf32, #tpu.memory_space<hbm>>
        tpu.enqueue_indirect_dma source(%dma_start3A_60 : memref<10240x128xf32, #tpu.memory_space<hbm>>) target(%arg11 : memref<128x128xf32, #tpu.memory_space<vmem>>) offsets(%dma_start3A_57 : memref<128xi32, #tpu.memory_space<vmem>>) semaphore(%arg14 : memref<!tpu.dma_semaphore, #tpu.memory_space<semaphore_mem>>)
        %mul3A_61 = arith.constant 128 : i32
        %mul3A_62 = arith.muli %add3A_53, %mul3A_61 : i32
        %add3A_63 = arith.addi %multiple_of3A_6, %mul3A_62 : i32
        %multiple_of3A_64 = tpu.assume_multiple %add3A_63, 8 : i32
        %dma_start3A_65 = tpu.memref_slice %arg4[%multiple_of3A_64] : memref<323584xi32, #tpu.memory_space<hbm>> -> memref<128xi32, #tpu.memory_space<hbm>>
        %dma_start3A_66 = tpu.memref_slice %arg4[%multiple_of3A_64] : memref<323584xi32, #tpu.memory_space<hbm>> -> memref<128xi32, #tpu.memory_space<hbm>>
        tpu.enqueue_dma source(%dma_start3A_66 : memref<128xi32, #tpu.memory_space<hbm>>) target(%arg9 : memref<128xi32, #tpu.memory_space<vmem>>) target_semaphore(%arg16 : memref<!tpu.dma_semaphore, #tpu.memory_space<semaphore_mem>>)
        %mul3A_67 = arith.constant 128 : i32
        %mul3A_68 = arith.muli %mul3A_51, %mul3A_67 : i32
        %multiple_of3A_69 = tpu.assume_multiple %mul3A_68, 8 : i32
        %dma_wait3A_70 = tpu.memref_slice %arg7[%multiple_of3A_69] : memref<15232xi32, #tpu.memory_space<vmem>> -> memref<128xi32, #tpu.memory_space<vmem>>
        %dma_wait3A_71 = arith.constant 0 : i32
        %dma_wait3A_72 = arith.constant 0 : i32
        %dma_wait3A_73 = tpu.memref_slice %arg2[%dma_wait3A_71, %dma_wait3A_72] : memref<10240x128xf32, #tpu.memory_space<hbm>> -> memref<10240x128xf32, #tpu.memory_space<hbm>>
        tpu.wait_indirect_dma semaphore(%arg13 : memref<!tpu.dma_semaphore, #tpu.memory_space<semaphore_mem>>) src(%dma_wait3A_73 : memref<10240x128xf32, #tpu.memory_space<hbm>>) dst(%arg10 : memref<128x128xf32, #tpu.memory_space<vmem>>)
        %mul3A_74 = arith.constant 128 : i32
        %mul3A_75 = arith.muli %mul3A_51, %mul3A_74 : i32
        %add3A_76 = arith.addi %multiple_of3A_6, %mul3A_75 : i32
        %multiple_of3A_77 = tpu.assume_multiple %add3A_76, 8 : i32
        %dma_wait3A_78 = tpu.memref_slice %arg4[%multiple_of3A_77] : memref<323584xi32, #tpu.memory_space<hbm>> -> memref<128xi32, #tpu.memory_space<hbm>>
        %dma_wait3A_79 = tpu.memref_slice %arg4[%multiple_of3A_77] : memref<323584xi32, #tpu.memory_space<hbm>> -> memref<128xi32, #tpu.memory_space<hbm>>
        tpu.wait_dma2 semaphore(%arg15 : memref<!tpu.dma_semaphore, #tpu.memory_space<semaphore_mem>>) src(%dma_wait3A_79 : memref<128xi32, #tpu.memory_space<hbm>>) dst(%arg8 : memref<128xi32, #tpu.memory_space<vmem>>)
        "tpu.region"() ({
          %run_scoped3A = tpu.sem_alloc : memref<!tpu.dma_semaphore, #tpu.memory_space<semaphore_mem>>
          %dma_start3A_110 = arith.constant 0 : i32
          %dma_start3A_111 = arith.constant 0 : i32
          %dma_start3A_112 = tpu.memref_slice %arg12[%dma_start3A_110, %dma_start3A_111] : memref<10240x128xf32, #tpu.memory_space<vmem_shared>> -> memref<10240x128xf32, #tpu.memory_space<vmem_shared>>
          tpu.enqueue_indirect_dma source(%arg10 : memref<128x128xf32, #tpu.memory_space<vmem>>) target(%dma_start3A_112 : memref<10240x128xf32, #tpu.memory_space<vmem_shared>>) offsets(%arg8 : memref<128xi32, #tpu.memory_space<vmem>>) semaphore(%run_scoped3A : memref<!tpu.dma_semaphore, #tpu.memory_space<semaphore_mem>>) {add = true}
          %dma_wait3A_113 = arith.constant 0 : i32
          %dma_wait3A_114 = arith.constant 0 : i32
          %dma_wait3A_115 = tpu.memref_slice %arg12[%dma_wait3A_113, %dma_wait3A_114] : memref<10240x128xf32, #tpu.memory_space<vmem_shared>> -> memref<10240x128xf32, #tpu.memory_space<vmem_shared>>
          tpu.wait_indirect_dma semaphore(%run_scoped3A : memref<!tpu.dma_semaphore, #tpu.memory_space<semaphore_mem>>) src(%arg10 : memref<128x128xf32, #tpu.memory_space<vmem>>) dst(%dma_wait3A_115 : memref<10240x128xf32, #tpu.memory_space<vmem_shared>>)
          tpu.yield
        }) : () -> ()
        %add3A_80 = arith.constant 2 : i32
        %add3A_81 = arith.addi %mul3A_51, %add3A_80 : i32
        %mul3A_82 = arith.constant 128 : i32
        %mul3A_83 = arith.muli %add3A_81, %mul3A_82 : i32
        %multiple_of3A_84 = tpu.assume_multiple %mul3A_83, 8 : i32
        %dma_start3A_85 = tpu.memref_slice %arg7[%multiple_of3A_84] : memref<15232xi32, #tpu.memory_space<vmem>> -> memref<128xi32, #tpu.memory_space<vmem>>
        %dma_start3A_86 = arith.constant 0 : i32
        %dma_start3A_87 = arith.constant 0 : i32
        %dma_start3A_88 = tpu.memref_slice %arg2[%dma_start3A_86, %dma_start3A_87] : memref<10240x128xf32, #tpu.memory_space<hbm>> -> memref<10240x128xf32, #tpu.memory_space<hbm>>
        tpu.enqueue_indirect_dma source(%dma_start3A_88 : memref<10240x128xf32, #tpu.memory_space<hbm>>) target(%arg10 : memref<128x128xf32, #tpu.memory_space<vmem>>) offsets(%dma_start3A_85 : memref<128xi32, #tpu.memory_space<vmem>>) semaphore(%arg13 : memref<!tpu.dma_semaphore, #tpu.memory_space<semaphore_mem>>)
        %mul3A_89 = arith.constant 128 : i32
        %mul3A_90 = arith.muli %add3A_81, %mul3A_89 : i32
        %add3A_91 = arith.addi %multiple_of3A_6, %mul3A_90 : i32
        %multiple_of3A_92 = tpu.assume_multiple %add3A_91, 8 : i32
        %dma_start3A_93 = tpu.memref_slice %arg4[%multiple_of3A_92] : memref<323584xi32, #tpu.memory_space<hbm>> -> memref<128xi32, #tpu.memory_space<hbm>>
        %dma_start3A_94 = tpu.memref_slice %arg4[%multiple_of3A_92] : memref<323584xi32, #tpu.memory_space<hbm>> -> memref<128xi32, #tpu.memory_space<hbm>>
        tpu.enqueue_dma source(%dma_start3A_94 : memref<128xi32, #tpu.memory_space<hbm>>) target(%arg8 : memref<128xi32, #tpu.memory_space<vmem>>) target_semaphore(%arg15 : memref<!tpu.dma_semaphore, #tpu.memory_space<semaphore_mem>>)
        %add3A_95 = arith.constant 1 : i32
        %add3A_96 = arith.addi %mul3A_51, %add3A_95 : i32
        %mul3A_97 = arith.constant 128 : i32
        %mul3A_98 = arith.muli %add3A_96, %mul3A_97 : i32
        %multiple_of3A_99 = tpu.assume_multiple %mul3A_98, 8 : i32
        %dma_wait3A_100 = tpu.memref_slice %arg7[%multiple_of3A_99] : memref<15232xi32, #tpu.memory_space<vmem>> -> memref<128xi32, #tpu.memory_space<vmem>>
        %dma_wait3A_101 = arith.constant 0 : i32
        %dma_wait3A_102 = arith.constant 0 : i32
        %dma_wait3A_103 = tpu.memref_slice %arg2[%dma_wait3A_101, %dma_wait3A_102] : memref<10240x128xf32, #tpu.memory_space<hbm>> -> memref<10240x128xf32, #tpu.memory_space<hbm>>
        tpu.wait_indirect_dma semaphore(%arg14 : memref<!tpu.dma_semaphore, #tpu.memory_space<semaphore_mem>>) src(%dma_wait3A_103 : memref<10240x128xf32, #tpu.memory_space<hbm>>) dst(%arg11 : memref<128x128xf32, #tpu.memory_space<vmem>>)
        %mul3A_104 = arith.constant 128 : i32
        %mul3A_105 = arith.muli %add3A_96, %mul3A_104 : i32
        %add3A_106 = arith.addi %multiple_of3A_6, %mul3A_105 : i32
        %multiple_of3A_107 = tpu.assume_multiple %add3A_106, 8 : i32
        %dma_wait3A_108 = tpu.memref_slice %arg4[%multiple_of3A_107] : memref<323584xi32, #tpu.memory_space<hbm>> -> memref<128xi32, #tpu.memory_space<hbm>>
        %dma_wait3A_109 = tpu.memref_slice %arg4[%multiple_of3A_107] : memref<323584xi32, #tpu.memory_space<hbm>> -> memref<128xi32, #tpu.memory_space<hbm>>
        tpu.wait_dma2 semaphore(%arg16 : memref<!tpu.dma_semaphore, #tpu.memory_space<semaphore_mem>>) src(%dma_wait3A_109 : memref<128xi32, #tpu.memory_space<hbm>>) dst(%arg9 : memref<128xi32, #tpu.memory_space<vmem>>)
        "tpu.region"() ({
          %run_scoped3A = tpu.sem_alloc : memref<!tpu.dma_semaphore, #tpu.memory_space<semaphore_mem>>
          %dma_start3A_110 = arith.constant 0 : i32
          %dma_start3A_111 = arith.constant 0 : i32
          %dma_start3A_112 = tpu.memref_slice %arg12[%dma_start3A_110, %dma_start3A_111] : memref<10240x128xf32, #tpu.memory_space<vmem_shared>> -> memref<10240x128xf32, #tpu.memory_space<vmem_shared>>
          tpu.enqueue_indirect_dma source(%arg11 : memref<128x128xf32, #tpu.memory_space<vmem>>) target(%dma_start3A_112 : memref<10240x128xf32, #tpu.memory_space<vmem_shared>>) offsets(%arg9 : memref<128xi32, #tpu.memory_space<vmem>>) semaphore(%run_scoped3A : memref<!tpu.dma_semaphore, #tpu.memory_space<semaphore_mem>>) {add = true}
          %dma_wait3A_113 = arith.constant 0 : i32
          %dma_wait3A_114 = arith.constant 0 : i32
          %dma_wait3A_115 = tpu.memref_slice %arg12[%dma_wait3A_113, %dma_wait3A_114] : memref<10240x128xf32, #tpu.memory_space<vmem_shared>> -> memref<10240x128xf32, #tpu.memory_space<vmem_shared>>
          tpu.wait_indirect_dma semaphore(%run_scoped3A : memref<!tpu.dma_semaphore, #tpu.memory_space<semaphore_mem>>) src(%arg11 : memref<128x128xf32, #tpu.memory_space<vmem>>) dst(%dma_wait3A_115 : memref<10240x128xf32, #tpu.memory_space<vmem_shared>>)
          tpu.yield
        }) : () -> ()
      }
      %scan3A_38 = arith.constant 19 : i32
      %multiple_of3A_39 = arith.constant 4864 : i32
      %multiple_of3A_40 = tpu.assume_multiple %multiple_of3A_39, 8 : i32
      %dma_wait3A = tpu.memref_slice %arg7[%multiple_of3A_40] : memref<15232xi32, #tpu.memory_space<vmem>> -> memref<128xi32, #tpu.memory_space<vmem>>
      %dma_wait3A_41 = arith.constant 0 : i32
      %dma_wait3A_42 = arith.constant 0 : i32
      %dma_wait3A_43 = tpu.memref_slice %arg2[%dma_wait3A_41, %dma_wait3A_42] : memref<10240x128xf32, #tpu.memory_space<hbm>> -> memref<10240x128xf32, #tpu.memory_space<hbm>>
      tpu.wait_indirect_dma semaphore(%arg13 : memref<!tpu.dma_semaphore, #tpu.memory_space<semaphore_mem>>) src(%dma_wait3A_43 : memref<10240x128xf32, #tpu.memory_space<hbm>>) dst(%arg10 : memref<128x128xf32, #tpu.memory_space<vmem>>)
      %add3A_44 = arith.constant 4864 : i32
      %add3A_45 = arith.addi %multiple_of3A_6, %add3A_44 : i32
      %multiple_of3A_46 = tpu.assume_multiple %add3A_45, 8 : i32
      %dma_wait3A_47 = tpu.memref_slice %arg4[%multiple_of3A_46] : memref<323584xi32, #tpu.memory_space<hbm>> -> memref<128xi32, #tpu.memory_space<hbm>>
      %dma_wait3A_48 = tpu.memref_slice %arg4[%multiple_of3A_46] : memref<323584xi32, #tpu.memory_space<hbm>> -> memref<128xi32, #tpu.memory_space<hbm>>
      tpu.wait_dma2 semaphore(%arg15 : memref<!tpu.dma_semaphore, #tpu.memory_space<semaphore_mem>>) src(%dma_wait3A_48 : memref<128xi32, #tpu.memory_space<hbm>>) dst(%arg8 : memref<128xi32, #tpu.memory_space<vmem>>)
      "tpu.region"() ({
        %run_scoped3A = tpu.sem_alloc : memref<!tpu.dma_semaphore, #tpu.memory_space<semaphore_mem>>
        %dma_start3A_49 = arith.constant 0 : i32
        %dma_start3A_50 = arith.constant 0 : i32
        %dma_start3A_51 = tpu.memref_slice %arg12[%dma_start3A_49, %dma_start3A_50] : memref<10240x128xf32, #tpu.memory_space<vmem_shared>> -> memref<10240x128xf32, #tpu.memory_space<vmem_shared>>
        tpu.enqueue_indirect_dma source(%arg10 : memref<128x128xf32, #tpu.memory_space<vmem>>) target(%dma_start3A_51 : memref<10240x128xf32, #tpu.memory_space<vmem_shared>>) offsets(%arg8 : memref<128xi32, #tpu.memory_space<vmem>>) semaphore(%run_scoped3A : memref<!tpu.dma_semaphore, #tpu.memory_space<semaphore_mem>>) {add = true}
        %dma_wait3A_52 = arith.constant 0 : i32
        %dma_wait3A_53 = arith.constant 0 : i32
        %dma_wait3A_54 = tpu.memref_slice %arg12[%dma_wait3A_52, %dma_wait3A_53] : memref<10240x128xf32, #tpu.memory_space<vmem_shared>> -> memref<10240x128xf32, #tpu.memory_space<vmem_shared>>
        tpu.wait_indirect_dma semaphore(%run_scoped3A : memref<!tpu.dma_semaphore, #tpu.memory_space<semaphore_mem>>) src(%arg10 : memref<128x128xf32, #tpu.memory_space<vmem>>) dst(%dma_wait3A_54 : memref<10240x128xf32, #tpu.memory_space<vmem_shared>>)
        tpu.yield
      }) : () -> ()
    } else {
    }
    %barrier3A_14 = arith.constant 0 : index
    tpu.barrier barrier_id(%barrier3A_14)
    %mul3A_15 = arith.constant 640 : i32
    %mul3A_16 = arith.muli %arg1, %mul3A_15 : i32
    %multiple_of3A_17 = tpu.assume_multiple %mul3A_16, 8 : i32
    %mul3A_18 = arith.constant 10240 : i32
    %mul3A_19 = arith.muli %arg0, %mul3A_18 : i32
    %mul3A_20 = arith.constant 640 : i32
    %mul3A_21 = arith.muli %arg1, %mul3A_20 : i32
    %add3A_22 = arith.addi %mul3A_19, %mul3A_21 : i32
    %multiple_of3A_23 = tpu.assume_multiple %add3A_22, 8 : i32
    "tpu.region"() ({
      %run_scoped3A = tpu.sem_alloc : memref<!tpu.dma_semaphore, #tpu.memory_space<semaphore_mem>>
      %dma_start3A = arith.constant 0 : i32
      %dma_start3A_24 = tpu.memref_slice %arg6[%multiple_of3A_23, %dma_start3A] : memref<20480x128xf32, #tpu.memory_space<hbm>> -> memref<640x128xf32, #tpu.memory_space<hbm>>
      %dma_start3A_25 = arith.constant 0 : i32
      %dma_start3A_26 = tpu.memref_slice %arg12[%multiple_of3A_17, %dma_start3A_25] : memref<10240x128xf32, #tpu.memory_space<vmem_shared>> -> memref<640x128xf32, #tpu.memory_space<vmem_shared>>
      tpu.enqueue_dma source(%dma_start3A_26 : memref<640x128xf32, #tpu.memory_space<vmem_shared>>) target(%dma_start3A_24 : memref<640x128xf32, #tpu.memory_space<hbm>>) target_semaphore(%run_scoped3A : memref<!tpu.dma_semaphore, #tpu.memory_space<semaphore_mem>>)
      %dma_wait3A = arith.constant 0 : i32
      %dma_wait3A_27 = tpu.memref_slice %arg6[%multiple_of3A_23, %dma_wait3A] : memref<20480x128xf32, #tpu.memory_space<hbm>> -> memref<640x128xf32, #tpu.memory_space<hbm>>
      %dma_wait3A_28 = arith.constant 0 : i32
      %dma_wait3A_29 = tpu.memref_slice %arg12[%multiple_of3A_17, %dma_wait3A_28] : memref<10240x128xf32, #tpu.memory_space<vmem_shared>> -> memref<640x128xf32, #tpu.memory_space<vmem_shared>>
      tpu.wait_dma2 semaphore(%run_scoped3A : memref<!tpu.dma_semaphore, #tpu.memory_space<semaphore_mem>>) src(%dma_wait3A_29 : memref<640x128xf32, #tpu.memory_space<vmem_shared>>) dst(%dma_wait3A_27 : memref<640x128xf32, #tpu.memory_space<hbm>>)
      tpu.yield
    }) : () -> ()
    return
  }
}

module attributes {stable_mosaic.version = 14 : i64} {
  func.func @_mm_bias_body(%arg0: i32, %arg1: memref<256x128xf32, #tpu.memory_space<vmem>>, %arg2: memref<128x128xf32, #tpu.memory_space<vmem>>, %arg3: memref<1x128xf32, #tpu.memory_space<vmem>>, %arg4: memref<256x128xf32, #tpu.memory_space<vmem>>) attributes {dimension_semantics = [#tpu.dimension_semantics<arbitrary>], iteration_bounds = array<i64: 40>, scalar_prefetch = 0 : i64, scratch_operands = 0 : i64, tpu.core_type = #tpu.core_type<tc>, window_params = [{transform_indices = @transform_0, window_bounds = array<i64: 256, 128>}, {pipeline_mode = #tpu.pipeline_mode<synchronous>, transform_indices = @transform_1, window_bounds = array<i64: 128, 128>}, {pipeline_mode = #tpu.pipeline_mode<synchronous>, transform_indices = @transform_2, window_bounds = array<i64: 1, 128>}, {transform_indices = @transform_3, window_bounds = array<i64: 256, 128>}]} {
    %get3A = arith.constant 0 : index
    %get3A_0 = arith.constant 0 : index
    %get3A_1 = vector.load %arg1[%get3A, %get3A_0] : memref<256x128xf32, #tpu.memory_space<vmem>>, vector<256x128xf32>
    %get3A_2 = arith.constant 0 : index
    %get3A_3 = arith.constant 0 : index
    %get3A_4 = vector.load %arg2[%get3A_2, %get3A_3] : memref<128x128xf32, #tpu.memory_space<vmem>>, vector<128x128xf32>
    %dot_general3A = arith.constant dense<0.000000e+00> : vector<256x128xf32>
    %dot_general3A_5 = tpu.matmul %get3A_1, %get3A_4, %dot_general3A {dimension_numbers = #tpu.dot_dimension_numbers<[1], [0], [0], [1], [0, 0, 1, 1], [], []>, transpose_lhs_hint = false} : vector<256x128xf32>, vector<128x128xf32>, vector<256x128xf32> -> vector<256x128xf32>
    %get3A_6 = arith.constant 0 : index
    %get3A_7 = arith.constant 0 : index
    %get3A_8 = vector.load %arg3[%get3A_6, %get3A_7] : memref<1x128xf32, #tpu.memory_space<vmem>>, vector<1x128xf32>
    %add3A = vector.broadcast %get3A_8 : vector<1x128xf32> to vector<256x128xf32>
    %add3A_9 = arith.addf %dot_general3A_5, %add3A : vector<256x128xf32>
    %swap3A = arith.constant 0 : index
    %swap3A_10 = arith.constant 0 : index
    %swap3A_11 = vector.load %arg4[%swap3A, %swap3A_10] : memref<256x128xf32, #tpu.memory_space<vmem>>, vector<256x128xf32>
    tpu.vector_store %arg4[%swap3A, %swap3A_10], %add3A_9 {strides = array<i32>} : memref<256x128xf32, #tpu.memory_space<vmem>>, vector<256x128xf32>,
    return
  }
  func.func @transform_0(%arg0: i32) -> (i32, i32) {
    %c0_i32 = arith.constant 0 : i32
    %c0_i32_0 = arith.constant 0 : i32
    return %arg0, %c0_i32 : i32, i32
  }
  func.func @transform_1(%arg0: i32) -> (i32, i32) {
    %c0_i32 = arith.constant 0 : i32
    %c0_i32_0 = arith.constant 0 : i32
    %c0_i32_1 = arith.constant 0 : i32
    return %c0_i32, %c0_i32_0 : i32, i32
  }
  func.func @transform_2(%arg0: i32) -> (i32, i32) {
    %c0_i32 = arith.constant 0 : i32
    %c0_i32_0 = arith.constant 0 : i32
    %c0_i32_1 = arith.constant 0 : i32
    return %c0_i32, %c0_i32_0 : i32, i32
  }
  func.func @transform_3(%arg0: i32) -> (i32, i32) {
    %c0_i32 = arith.constant 0 : i32
    %c0_i32_0 = arith.constant 0 : i32
    return %arg0, %c0_i32 : i32, i32
  }
}

module attributes {stable_mosaic.version = 14 : i64} {
  func.func @_layer2_body(%arg0: i32, %arg1: memref<256x128xf32, #tpu.memory_space<vmem>>, %arg2: memref<256x128xf32, #tpu.memory_space<vmem>>, %arg3: memref<256x1xf32, #tpu.memory_space<vmem>>, %arg4: memref<256x1xf32, #tpu.memory_space<vmem>>, %arg5: memref<256x128xf32, #tpu.memory_space<vmem>>, %arg6: memref<128x128xf32, #tpu.memory_space<vmem>>, %arg7: memref<1x128xf32, #tpu.memory_space<vmem>>, %arg8: memref<256x128xf32, #tpu.memory_space<vmem>>, %arg9: memref<256x1xf32, #tpu.memory_space<vmem>>) attributes {dimension_semantics = [#tpu.dimension_semantics<arbitrary>], iteration_bounds = array<i64: 40>, scalar_prefetch = 0 : i64, scratch_operands = 0 : i64, tpu.core_type = #tpu.core_type<tc>, window_params = [{transform_indices = @transform_0, window_bounds = array<i64: 256, 128>}, {transform_indices = @transform_1, window_bounds = array<i64: 256, 128>}, {transform_indices = @transform_2, window_bounds = array<i64: 256, 1>}, {transform_indices = @transform_3, window_bounds = array<i64: 256, 1>}, {transform_indices = @transform_4, window_bounds = array<i64: 256, 128>}, {pipeline_mode = #tpu.pipeline_mode<synchronous>, transform_indices = @transform_5, window_bounds = array<i64: 128, 128>}, {pipeline_mode = #tpu.pipeline_mode<synchronous>, transform_indices = @transform_6, window_bounds = array<i64: 1, 128>}, {transform_indices = @transform_7, window_bounds = array<i64: 256, 128>}, {transform_indices = @transform_8, window_bounds = array<i64: 256, 1>}]} {
    %get3A = arith.constant 0 : index
    %get3A_0 = arith.constant 0 : index
    %get3A_1 = vector.load %arg3[%get3A, %get3A_0] : memref<256x1xf32, #tpu.memory_space<vmem>>, vector<256x1xf32>
    %get3A_2 = arith.constant 0 : index
    %get3A_3 = arith.constant 0 : index
    %get3A_4 = vector.load %arg4[%get3A_2, %get3A_3] : memref<256x1xf32, #tpu.memory_space<vmem>>, vector<256x1xf32>
    %add3A = arith.addf %get3A_1, %get3A_4 : vector<256x1xf32>
    %max3A = arith.constant 1.000000e+00 : f32
    %max3A_5 = vector.broadcast %max3A : f32 to vector<256x1xf32>
    %max3A_6 = arith.maximumf %add3A, %max3A_5 : vector<256x1xf32>
    %get3A_7 = arith.constant 0 : index
    %get3A_8 = arith.constant 0 : index
    %get3A_9 = vector.load %arg1[%get3A_7, %get3A_8] : memref<256x128xf32, #tpu.memory_space<vmem>>, vector<256x128xf32>
    %get3A_10 = arith.constant 0 : index
    %get3A_11 = arith.constant 0 : index
    %get3A_12 = vector.load %arg2[%get3A_10, %get3A_11] : memref<256x128xf32, #tpu.memory_space<vmem>>, vector<256x128xf32>
    %add3A_13 = arith.addf %get3A_9, %get3A_12 : vector<256x128xf32>
    %div3A = vector.broadcast %max3A_6 : vector<256x1xf32> to vector<256x128xf32>
    %div3A_14 = arith.divf %add3A_13, %div3A : vector<256x128xf32>
    %get3A_15 = arith.constant 0 : index
    %get3A_16 = arith.constant 0 : index
    %get3A_17 = vector.load %arg5[%get3A_15, %get3A_16] : memref<256x128xf32, #tpu.memory_space<vmem>>, vector<256x128xf32>
    %add3A_18 = arith.addf %div3A_14, %get3A_17 : vector<256x128xf32>
    %max3A_19 = arith.constant 0.000000e+00 : f32
    %max3A_20 = vector.broadcast %max3A_19 : f32 to vector<256x128xf32>
    %max3A_21 = arith.maximumf %add3A_18, %max3A_20 : vector<256x128xf32>
    %get3A_22 = arith.constant 0 : index
    %get3A_23 = arith.constant 0 : index
    %get3A_24 = vector.load %arg6[%get3A_22, %get3A_23] : memref<128x128xf32, #tpu.memory_space<vmem>>, vector<128x128xf32>
    %dot_general3A = arith.constant dense<0.000000e+00> : vector<256x128xf32>
    %dot_general3A_25 = tpu.matmul %max3A_21, %get3A_24, %dot_general3A {dimension_numbers = #tpu.dot_dimension_numbers<[1], [0], [0], [1], [0, 0, 1, 1], [], []>, transpose_lhs_hint = false} : vector<256x128xf32>, vector<128x128xf32>, vector<256x128xf32> -> vector<256x128xf32>
    %get3A_26 = arith.constant 0 : index
    %get3A_27 = arith.constant 0 : index
    %get3A_28 = vector.load %arg7[%get3A_26, %get3A_27] : memref<1x128xf32, #tpu.memory_space<vmem>>, vector<1x128xf32>
    %add3A_29 = vector.broadcast %get3A_28 : vector<1x128xf32> to vector<256x128xf32>
    %add3A_30 = arith.addf %dot_general3A_25, %add3A_29 : vector<256x128xf32>
    %swap3A = arith.constant 0 : index
    %swap3A_31 = arith.constant 0 : index
    %swap3A_32 = vector.load %arg8[%swap3A, %swap3A_31] : memref<256x128xf32, #tpu.memory_space<vmem>>, vector<256x128xf32>
    tpu.vector_store %arg8[%swap3A, %swap3A_31], %add3A_30 {strides = array<i32>} : memref<256x128xf32, #tpu.memory_space<vmem>>, vector<256x128xf32>,
    %swap3A_33 = arith.constant 0 : index
    %swap3A_34 = arith.constant 0 : index
    %swap3A_35 = vector.load %arg9[%swap3A_33, %swap3A_34] : memref<256x1xf32, #tpu.memory_space<vmem>>, vector<256x1xf32>
    tpu.vector_store %arg9[%swap3A_33, %swap3A_34], %max3A_6 {strides = array<i32>} : memref<256x1xf32, #tpu.memory_space<vmem>>, vector<256x1xf32>,
    return
  }
  func.func @transform_0(%arg0: i32) -> (i32, i32) {
    %c0_i32 = arith.constant 0 : i32
    %c0_i32_0 = arith.constant 0 : i32
    return %arg0, %c0_i32 : i32, i32
  }
  func.func @transform_1(%arg0: i32) -> (i32, i32) {
    %c0_i32 = arith.constant 0 : i32
    %c0_i32_0 = arith.constant 0 : i32
    return %arg0, %c0_i32 : i32, i32
  }
  func.func @transform_2(%arg0: i32) -> (i32, i32) {
    %c0_i32 = arith.constant 0 : i32
    %c0_i32_0 = arith.constant 0 : i32
    return %arg0, %c0_i32 : i32, i32
  }
  func.func @transform_3(%arg0: i32) -> (i32, i32) {
    %c0_i32 = arith.constant 0 : i32
    %c0_i32_0 = arith.constant 0 : i32
    return %arg0, %c0_i32 : i32, i32
  }
  func.func @transform_4(%arg0: i32) -> (i32, i32) {
    %c0_i32 = arith.constant 0 : i32
    %c0_i32_0 = arith.constant 0 : i32
    return %arg0, %c0_i32 : i32, i32
  }
  func.func @transform_5(%arg0: i32) -> (i32, i32) {
    %c0_i32 = arith.constant 0 : i32
    %c0_i32_0 = arith.constant 0 : i32
    %c0_i32_1 = arith.constant 0 : i32
    return %c0_i32, %c0_i32_0 : i32, i32
  }
  func.func @transform_6(%arg0: i32) -> (i32, i32) {
    %c0_i32 = arith.constant 0 : i32
    %c0_i32_0 = arith.constant 0 : i32
    %c0_i32_1 = arith.constant 0 : i32
    return %c0_i32, %c0_i32_0 : i32, i32
  }
  func.func @transform_7(%arg0: i32) -> (i32, i32) {
    %c0_i32 = arith.constant 0 : i32
    %c0_i32_0 = arith.constant 0 : i32
    return %arg0, %c0_i32 : i32, i32
  }
  func.func @transform_8(%arg0: i32) -> (i32, i32) {
    %c0_i32 = arith.constant 0 : i32
    %c0_i32_0 = arith.constant 0 : i32
    return %arg0, %c0_i32 : i32, i32
  }
}

module attributes {stable_mosaic.version = 14 : i64} {
  func.func @_layer3_body(%arg0: i32, %arg1: memref<256x128xf32, #tpu.memory_space<vmem>>, %arg2: memref<256x128xf32, #tpu.memory_space<vmem>>, %arg3: memref<256x1xf32, #tpu.memory_space<vmem>>, %arg4: memref<256x128xf32, #tpu.memory_space<vmem>>, %arg5: memref<128x128xf32, #tpu.memory_space<vmem>>, %arg6: memref<1x128xf32, #tpu.memory_space<vmem>>, %arg7: memref<256x128xf32, #tpu.memory_space<vmem>>) attributes {dimension_semantics = [#tpu.dimension_semantics<arbitrary>], iteration_bounds = array<i64: 40>, scalar_prefetch = 0 : i64, scratch_operands = 0 : i64, tpu.core_type = #tpu.core_type<tc>, window_params = [{transform_indices = @transform_0, window_bounds = array<i64: 256, 128>}, {transform_indices = @transform_1, window_bounds = array<i64: 256, 128>}, {transform_indices = @transform_2, window_bounds = array<i64: 256, 1>}, {transform_indices = @transform_3, window_bounds = array<i64: 256, 128>}, {pipeline_mode = #tpu.pipeline_mode<synchronous>, transform_indices = @transform_4, window_bounds = array<i64: 128, 128>}, {pipeline_mode = #tpu.pipeline_mode<synchronous>, transform_indices = @transform_5, window_bounds = array<i64: 1, 128>}, {transform_indices = @transform_6, window_bounds = array<i64: 256, 128>}]} {
    %get3A = arith.constant 0 : index
    %get3A_0 = arith.constant 0 : index
    %get3A_1 = vector.load %arg1[%get3A, %get3A_0] : memref<256x128xf32, #tpu.memory_space<vmem>>, vector<256x128xf32>
    %get3A_2 = arith.constant 0 : index
    %get3A_3 = arith.constant 0 : index
    %get3A_4 = vector.load %arg2[%get3A_2, %get3A_3] : memref<256x128xf32, #tpu.memory_space<vmem>>, vector<256x128xf32>
    %add3A = arith.addf %get3A_1, %get3A_4 : vector<256x128xf32>
    %get3A_5 = arith.constant 0 : index
    %get3A_6 = arith.constant 0 : index
    %get3A_7 = vector.load %arg3[%get3A_5, %get3A_6] : memref<256x1xf32, #tpu.memory_space<vmem>>, vector<256x1xf32>
    %div3A = vector.broadcast %get3A_7 : vector<256x1xf32> to vector<256x128xf32>
    %div3A_8 = arith.divf %add3A, %div3A : vector<256x128xf32>
    %get3A_9 = arith.constant 0 : index
    %get3A_10 = arith.constant 0 : index
    %get3A_11 = vector.load %arg4[%get3A_9, %get3A_10] : memref<256x128xf32, #tpu.memory_space<vmem>>, vector<256x128xf32>
    %add3A_12 = arith.addf %div3A_8, %get3A_11 : vector<256x128xf32>
    %max3A = arith.constant 0.000000e+00 : f32
    %max3A_13 = vector.broadcast %max3A : f32 to vector<256x128xf32>
    %max3A_14 = arith.maximumf %add3A_12, %max3A_13 : vector<256x128xf32>
    %get3A_15 = arith.constant 0 : index
    %get3A_16 = arith.constant 0 : index
    %get3A_17 = vector.load %arg5[%get3A_15, %get3A_16] : memref<128x128xf32, #tpu.memory_space<vmem>>, vector<128x128xf32>
    %dot_general3A = arith.constant dense<0.000000e+00> : vector<256x128xf32>
    %dot_general3A_18 = tpu.matmul %max3A_14, %get3A_17, %dot_general3A {dimension_numbers = #tpu.dot_dimension_numbers<[1], [0], [0], [1], [0, 0, 1, 1], [], []>, transpose_lhs_hint = false} : vector<256x128xf32>, vector<128x128xf32>, vector<256x128xf32> -> vector<256x128xf32>
    %get3A_19 = arith.constant 0 : index
    %get3A_20 = arith.constant 0 : index
    %get3A_21 = vector.load %arg6[%get3A_19, %get3A_20] : memref<1x128xf32, #tpu.memory_space<vmem>>, vector<1x128xf32>
    %add3A_22 = vector.broadcast %get3A_21 : vector<1x128xf32> to vector<256x128xf32>
    %add3A_23 = arith.addf %dot_general3A_18, %add3A_22 : vector<256x128xf32>
    %swap3A = arith.constant 0 : index
    %swap3A_24 = arith.constant 0 : index
    %swap3A_25 = vector.load %arg7[%swap3A, %swap3A_24] : memref<256x128xf32, #tpu.memory_space<vmem>>, vector<256x128xf32>
    tpu.vector_store %arg7[%swap3A, %swap3A_24], %add3A_23 {strides = array<i32>} : memref<256x128xf32, #tpu.memory_space<vmem>>, vector<256x128xf32>,
    return
  }
  func.func @transform_0(%arg0: i32) -> (i32, i32) {
    %c0_i32 = arith.constant 0 : i32
    %c0_i32_0 = arith.constant 0 : i32
    return %arg0, %c0_i32 : i32, i32
  }
  func.func @transform_1(%arg0: i32) -> (i32, i32) {
    %c0_i32 = arith.constant 0 : i32
    %c0_i32_0 = arith.constant 0 : i32
    return %arg0, %c0_i32 : i32, i32
  }
  func.func @transform_2(%arg0: i32) -> (i32, i32) {
    %c0_i32 = arith.constant 0 : i32
    %c0_i32_0 = arith.constant 0 : i32
    return %arg0, %c0_i32 : i32, i32
  }
  func.func @transform_3(%arg0: i32) -> (i32, i32) {
    %c0_i32 = arith.constant 0 : i32
    %c0_i32_0 = arith.constant 0 : i32
    return %arg0, %c0_i32 : i32, i32
  }
  func.func @transform_4(%arg0: i32) -> (i32, i32) {
    %c0_i32 = arith.constant 0 : i32
    %c0_i32_0 = arith.constant 0 : i32
    %c0_i32_1 = arith.constant 0 : i32
    return %c0_i32, %c0_i32_0 : i32, i32
  }
  func.func @transform_5(%arg0: i32) -> (i32, i32) {
    %c0_i32 = arith.constant 0 : i32
    %c0_i32_0 = arith.constant 0 : i32
    %c0_i32_1 = arith.constant 0 : i32
    return %c0_i32, %c0_i32_0 : i32, i32
  }
  func.func @transform_6(%arg0: i32) -> (i32, i32) {
    %c0_i32 = arith.constant 0 : i32
    %c0_i32_0 = arith.constant 0 : i32
    return %arg0, %c0_i32 : i32, i32
  }
}

module attributes {stable_mosaic.version = 14 : i64} {
  func.func @_passa_body(%arg0: i32, %arg1: memref<256x128xf32, #tpu.memory_space<vmem>>, %arg2: memref<256x128xf32, #tpu.memory_space<vmem>>, %arg3: memref<256x1xf32, #tpu.memory_space<vmem>>, %arg4: memref<256x128xf32, #tpu.memory_space<vmem>>, %arg5: memref<128x1xf32, #tpu.memory_space<vmem>>, %arg6: memref<1x1xf32, #tpu.memory_space<vmem>>, %arg7: memref<256x1xi32, #tpu.memory_space<vmem>>, %arg8: memref<256x128xf32, #tpu.memory_space<vmem>>, %arg9: memref<256x1xf32, #tpu.memory_space<vmem>>, %arg10: memref<8x64xf32, #tpu.memory_space<vmem>>) attributes {dimension_semantics = [#tpu.dimension_semantics<arbitrary>], iteration_bounds = array<i64: 40>, scalar_prefetch = 0 : i64, scratch_operands = 0 : i64, tpu.core_type = #tpu.core_type<tc>, window_params = [{transform_indices = @transform_0, window_bounds = array<i64: 256, 128>}, {transform_indices = @transform_1, window_bounds = array<i64: 256, 128>}, {transform_indices = @transform_2, window_bounds = array<i64: 256, 1>}, {transform_indices = @transform_3, window_bounds = array<i64: 256, 128>}, {pipeline_mode = #tpu.pipeline_mode<synchronous>, transform_indices = @transform_4, window_bounds = array<i64: 128, 1>}, {pipeline_mode = #tpu.pipeline_mode<synchronous>, transform_indices = @transform_5, window_bounds = array<i64: 1, 1>}, {transform_indices = @transform_6, window_bounds = array<i64: 256, 1>}, {transform_indices = @transform_7, window_bounds = array<i64: 256, 128>}, {transform_indices = @transform_8, window_bounds = array<i64: 256, 1>}, {pipeline_mode = #tpu.pipeline_mode<synchronous>, transform_indices = @transform_9, window_bounds = array<i64: 8, 64>}]} {
    %eq3A = arith.constant 0 : i32
    %eq3A_0 = arith.cmpi eq, %arg0, %eq3A : i32
    %convert_element_type3A = arith.extui %eq3A_0 : i1 to i32
    %cond3A = arith.constant 0 : i32
    %cond3A_1 = arith.cmpi ne, %convert_element_type3A, %cond3A : i32
    scf.if %cond3A_1 {
      %broadcast_in_dim3A_50 = arith.constant -3.400000e+38 : f32
      %broadcast_in_dim3A_51 = vector.broadcast %broadcast_in_dim3A_50 : f32 to vector<8x64xf32>
      %swap3A_52 = arith.constant 0 : index
      %swap3A_53 = arith.constant 0 : index
      %swap3A_54 = vector.load %arg10[%swap3A_52, %swap3A_53] : memref<8x64xf32, #tpu.memory_space<vmem>>, vector<8x64xf32>
      tpu.vector_store %arg10[%swap3A_52, %swap3A_53], %broadcast_in_dim3A_51 {strides = array<i32>} : memref<8x64xf32, #tpu.memory_space<vmem>>, vector<8x64xf32>,
    } else {
    }
    %get3A = arith.constant 0 : index
    %get3A_2 = arith.constant 0 : index
    %get3A_3 = vector.load %arg1[%get3A, %get3A_2] : memref<256x128xf32, #tpu.memory_space<vmem>>, vector<256x128xf32>
    %get3A_4 = arith.constant 0 : index
    %get3A_5 = arith.constant 0 : index
    %get3A_6 = vector.load %arg2[%get3A_4, %get3A_5] : memref<256x128xf32, #tpu.memory_space<vmem>>, vector<256x128xf32>
    %add3A = arith.addf %get3A_3, %get3A_6 : vector<256x128xf32>
    %get3A_7 = arith.constant 0 : index
    %get3A_8 = arith.constant 0 : index
    %get3A_9 = vector.load %arg3[%get3A_7, %get3A_8] : memref<256x1xf32, #tpu.memory_space<vmem>>, vector<256x1xf32>
    %div3A = vector.broadcast %get3A_9 : vector<256x1xf32> to vector<256x128xf32>
    %div3A_10 = arith.divf %add3A, %div3A : vector<256x128xf32>
    %get3A_11 = arith.constant 0 : index
    %get3A_12 = arith.constant 0 : index
    %get3A_13 = vector.load %arg4[%get3A_11, %get3A_12] : memref<256x128xf32, #tpu.memory_space<vmem>>, vector<256x128xf32>
    %add3A_14 = arith.addf %div3A_10, %get3A_13 : vector<256x128xf32>
    %max3A = arith.constant 0.000000e+00 : f32
    %max3A_15 = vector.broadcast %max3A : f32 to vector<256x128xf32>
    %max3A_16 = arith.maximumf %add3A_14, %max3A_15 : vector<256x128xf32>
    %swap3A = arith.constant 0 : index
    %swap3A_17 = arith.constant 0 : index
    %swap3A_18 = vector.load %arg8[%swap3A, %swap3A_17] : memref<256x128xf32, #tpu.memory_space<vmem>>, vector<256x128xf32>
    tpu.vector_store %arg8[%swap3A, %swap3A_17], %max3A_16 {strides = array<i32>} : memref<256x128xf32, #tpu.memory_space<vmem>>, vector<256x128xf32>,
    %get3A_19 = arith.constant 0 : index
    %get3A_20 = arith.constant 0 : index
    %get3A_21 = vector.load %arg5[%get3A_19, %get3A_20] : memref<128x1xf32, #tpu.memory_space<vmem>>, vector<128x1xf32>
    %dot_general3A = arith.constant dense<0.000000e+00> : vector<256x1xf32>
    %dot_general3A_22 = tpu.matmul %max3A_16, %get3A_21, %dot_general3A {dimension_numbers = #tpu.dot_dimension_numbers<[1], [0], [0], [1], [0, 0, 1, 1], [], []>, transpose_lhs_hint = false} : vector<256x128xf32>, vector<128x1xf32>, vector<256x1xf32> -> vector<256x1xf32>
    %get3A_23 = arith.constant 0 : index
    %get3A_24 = arith.constant 0 : index
    %get3A_25 = vector.load %arg6[%get3A_23, %get3A_24] : memref<1x1xf32, #tpu.memory_space<vmem>>, vector<1x1xf32>
    %add3A_26 = vector.broadcast %get3A_25 : vector<1x1xf32> to vector<256x1xf32>
    %add3A_27 = arith.addf %dot_general3A_22, %add3A_26 : vector<256x1xf32>
    %swap3A_28 = arith.constant 0 : index
    %swap3A_29 = arith.constant 0 : index
    %swap3A_30 = vector.load %arg9[%swap3A_28, %swap3A_29] : memref<256x1xf32, #tpu.memory_space<vmem>>, vector<256x1xf32>
    tpu.vector_store %arg9[%swap3A_28, %swap3A_29], %add3A_27 {strides = array<i32>} : memref<256x1xf32, #tpu.memory_space<vmem>>, vector<256x1xf32>,
    %get3A_31 = arith.constant 0 : index
    %get3A_32 = arith.constant 0 : index
    %get3A_33 = vector.load %arg7[%get3A_31, %get3A_32] : memref<256x1xi32, #tpu.memory_space<vmem>>, vector<256x1xi32>
    %iota3A = tpu.iota {dimensions = array<i32: 1>} : vector<1x64xi32>
    %eq3A_34 = vector.broadcast %get3A_33 : vector<256x1xi32> to vector<256x64xi32>
    %eq3A_35 = vector.broadcast %iota3A : vector<1x64xi32> to vector<256x64xi32>
    %eq3A_36 = arith.cmpi eq, %eq3A_34, %eq3A_35 : vector<256x64xi32>
    %jit3A = arith.constant -3.400000e+38 : f32
    %broadcast_in_dim3A = vector.shape_cast %add3A_27 : vector<256x1xf32> to vector<256x1xf32>
    %broadcast_in_dim3A_37 = vector.broadcast %broadcast_in_dim3A : vector<256x1xf32> to vector<256x64xf32>
    %broadcast_in_dim3A_38 = vector.broadcast %jit3A : f32 to vector<256x64xf32>
    %select_n3A = arith.select %eq3A_36, %broadcast_in_dim3A_37, %broadcast_in_dim3A_38 : vector<256x64xi1>, vector<256x64xf32>
    %reduce_max3A = arith.constant dense<0xFF800000> : vector<64xf32>
    %reduce_max3A_39 = vector.multi_reduction <maximumf>, %select_n3A, %reduce_max3A [0] : vector<256x64xf32> to vector<64xf32>
    %broadcast_in_dim3A_40 = vector.shape_cast %reduce_max3A_39 : vector<64xf32> to vector<1x64xf32>
    %get3A_41 = arith.constant 0 : index
    %get3A_42 = arith.constant 0 : index
    %get3A_43 = vector.load %arg10[%get3A_41, %get3A_42] : memref<8x64xf32, #tpu.memory_space<vmem>>, vector<8x64xf32>
    %broadcast_in_dim3A_44 = vector.shape_cast %broadcast_in_dim3A_40 : vector<1x64xf32> to vector<1x64xf32>
    %broadcast_in_dim3A_45 = vector.broadcast %broadcast_in_dim3A_44 : vector<1x64xf32> to vector<8x64xf32>
    %max3A_46 = arith.maximumf %get3A_43, %broadcast_in_dim3A_45 : vector<8x64xf32>
    %swap3A_47 = arith.constant 0 : index
    %swap3A_48 = arith.constant 0 : index
    %swap3A_49 = vector.load %arg10[%swap3A_47, %swap3A_48] : memref<8x64xf32, #tpu.memory_space<vmem>>, vector<8x64xf32>
    tpu.vector_store %arg10[%swap3A_47, %swap3A_48], %max3A_46 {strides = array<i32>} : memref<8x64xf32, #tpu.memory_space<vmem>>, vector<8x64xf32>,
    return
  }
  func.func @transform_0(%arg0: i32) -> (i32, i32) {
    %c0_i32 = arith.constant 0 : i32
    %c0_i32_0 = arith.constant 0 : i32
    return %arg0, %c0_i32 : i32, i32
  }
  func.func @transform_1(%arg0: i32) -> (i32, i32) {
    %c0_i32 = arith.constant 0 : i32
    %c0_i32_0 = arith.constant 0 : i32
    return %arg0, %c0_i32 : i32, i32
  }
  func.func @transform_2(%arg0: i32) -> (i32, i32) {
    %c0_i32 = arith.constant 0 : i32
    %c0_i32_0 = arith.constant 0 : i32
    return %arg0, %c0_i32 : i32, i32
  }
  func.func @transform_3(%arg0: i32) -> (i32, i32) {
    %c0_i32 = arith.constant 0 : i32
    %c0_i32_0 = arith.constant 0 : i32
    return %arg0, %c0_i32 : i32, i32
  }
  func.func @transform_4(%arg0: i32) -> (i32, i32) {
    %c0_i32 = arith.constant 0 : i32
    %c0_i32_0 = arith.constant 0 : i32
    %c0_i32_1 = arith.constant 0 : i32
    return %c0_i32, %c0_i32_0 : i32, i32
  }
  func.func @transform_5(%arg0: i32) -> (i32, i32) {
    %c0_i32 = arith.constant 0 : i32
    %c0_i32_0 = arith.constant 0 : i32
    %c0_i32_1 = arith.constant 0 : i32
    return %c0_i32, %c0_i32_0 : i32, i32
  }
  func.func @transform_6(%arg0: i32) -> (i32, i32) {
    %c0_i32 = arith.constant 0 : i32
    %c0_i32_0 = arith.constant 0 : i32
    return %arg0, %c0_i32 : i32, i32
  }
  func.func @transform_7(%arg0: i32) -> (i32, i32) {
    %c0_i32 = arith.constant 0 : i32
    %c0_i32_0 = arith.constant 0 : i32
    return %arg0, %c0_i32 : i32, i32
  }
  func.func @transform_8(%arg0: i32) -> (i32, i32) {
    %c0_i32 = arith.constant 0 : i32
    %c0_i32_0 = arith.constant 0 : i32
    return %arg0, %c0_i32 : i32, i32
  }
  func.func @transform_9(%arg0: i32) -> (i32, i32) {
    %c0_i32 = arith.constant 0 : i32
    %c0_i32_0 = arith.constant 0 : i32
    %c0_i32_1 = arith.constant 0 : i32
    return %c0_i32, %c0_i32_0 : i32, i32
  }
}

module attributes {stable_mosaic.version = 14 : i64} {
  func.func @_passb_body(%arg0: i32, %arg1: memref<256x128xf32, #tpu.memory_space<vmem>>, %arg2: memref<256x1xf32, #tpu.memory_space<vmem>>, %arg3: memref<256x1xi32, #tpu.memory_space<vmem>>, %arg4: memref<1x256xi32, #tpu.memory_space<vmem>>, %arg5: memref<64x1xf32, #tpu.memory_space<vmem>>, %arg6: memref<128x64xf32, #tpu.memory_space<vmem>>, %arg7: memref<1x64xf32, #tpu.memory_space<vmem>>, %arg8: memref<64x1xf32, #tpu.memory_space<vmem>>, %arg9: memref<1x1xf32, #tpu.memory_space<vmem>>, %arg10: memref<128x64xf32, #tpu.memory_space<vmem>>, %arg11: memref<1x64xf32, #tpu.memory_space<vmem>>, %arg12: memref<64x1xf32, #tpu.memory_space<vmem>>, %arg13: memref<1x1xf32, #tpu.memory_space<vmem>>, %arg14: memref<256x1xf32, #tpu.memory_space<vmem>>, %arg15: memref<64x1xf32, #tpu.memory_space<vmem>>, %arg16: memref<64x1xf32, #tpu.memory_space<vmem>>, %arg17: memref<64x128xf32, #tpu.memory_space<vmem>>) attributes {dimension_semantics = [#tpu.dimension_semantics<arbitrary>], iteration_bounds = array<i64: 40>, scalar_prefetch = 0 : i64, scratch_operands = 2 : i64, tpu.core_type = #tpu.core_type<tc>, window_params = [{transform_indices = @transform_0, window_bounds = array<i64: 256, 128>}, {transform_indices = @transform_1, window_bounds = array<i64: 256, 1>}, {transform_indices = @transform_2, window_bounds = array<i64: 256, 1>}, {transform_indices = @transform_3, window_bounds = array<i64: 1, 256>}, {pipeline_mode = #tpu.pipeline_mode<synchronous>, transform_indices = @transform_4, window_bounds = array<i64: 64, 1>}, {pipeline_mode = #tpu.pipeline_mode<synchronous>, transform_indices = @transform_5, window_bounds = array<i64: 128, 64>}, {pipeline_mode = #tpu.pipeline_mode<synchronous>, transform_indices = @transform_6, window_bounds = array<i64: 1, 64>}, {pipeline_mode = #tpu.pipeline_mode<synchronous>, transform_indices = @transform_7, window_bounds = array<i64: 64, 1>}, {pipeline_mode = #tpu.pipeline_mode<synchronous>, transform_indices = @transform_8, window_bounds = array<i64: 1, 1>}, {pipeline_mode = #tpu.pipeline_mode<synchronous>, transform_indices = @transform_9, window_bounds = array<i64: 128, 64>}, {pipeline_mode = #tpu.pipeline_mode<synchronous>, transform_indices = @transform_10, window_bounds = array<i64: 1, 64>}, {pipeline_mode = #tpu.pipeline_mode<synchronous>, transform_indices = @transform_11, window_bounds = array<i64: 64, 1>}, {pipeline_mode = #tpu.pipeline_mode<synchronous>, transform_indices = @transform_12, window_bounds = array<i64: 1, 1>}, {transform_indices = @transform_13, window_bounds = array<i64: 256, 1>}, {pipeline_mode = #tpu.pipeline_mode<synchronous>, transform_indices = @transform_14, window_bounds = array<i64: 64, 1>}]} {
    %eq3A = arith.constant 0 : i32
    %eq3A_0 = arith.cmpi eq, %arg0, %eq3A : i32
    %convert_element_type3A = arith.extui %eq3A_0 : i1 to i32
    %cond3A = arith.constant 0 : i32
    %cond3A_1 = arith.cmpi ne, %convert_element_type3A, %cond3A : i32
    scf.if %cond3A_1 {
      %broadcast_in_dim3A_77 = arith.constant 0.000000e+00 : f32
      %broadcast_in_dim3A_78 = vector.broadcast %broadcast_in_dim3A_77 : f32 to vector<64x1xf32>
      %swap3A_79 = arith.constant 0 : index
      %swap3A_80 = arith.constant 0 : index
      %swap3A_81 = vector.load %arg16[%swap3A_79, %swap3A_80] : memref<64x1xf32, #tpu.memory_space<vmem>>, vector<64x1xf32>
      tpu.vector_store %arg16[%swap3A_79, %swap3A_80], %broadcast_in_dim3A_78 {strides = array<i32>} : memref<64x1xf32, #tpu.memory_space<vmem>>, vector<64x1xf32>,
      %broadcast_in_dim3A_82 = arith.constant 0.000000e+00 : f32
      %broadcast_in_dim3A_83 = vector.broadcast %broadcast_in_dim3A_82 : f32 to vector<64x128xf32>
      %swap3A_84 = arith.constant 0 : index
      %swap3A_85 = arith.constant 0 : index
      %swap3A_86 = vector.load %arg17[%swap3A_84, %swap3A_85] : memref<64x128xf32, #tpu.memory_space<vmem>>, vector<64x128xf32>
      tpu.vector_store %arg17[%swap3A_84, %swap3A_85], %broadcast_in_dim3A_83 {strides = array<i32>} : memref<64x128xf32, #tpu.memory_space<vmem>>, vector<64x128xf32>,
      %broadcast_in_dim3A_87 = arith.constant 0.000000e+00 : f32
      %broadcast_in_dim3A_88 = vector.broadcast %broadcast_in_dim3A_87 : f32 to vector<64x1xf32>
      %swap3A_89 = arith.constant 0 : index
      %swap3A_90 = arith.constant 0 : index
      %swap3A_91 = vector.load %arg15[%swap3A_89, %swap3A_90] : memref<64x1xf32, #tpu.memory_space<vmem>>, vector<64x1xf32>
      tpu.vector_store %arg15[%swap3A_89, %swap3A_90], %broadcast_in_dim3A_88 {strides = array<i32>} : memref<64x1xf32, #tpu.memory_space<vmem>>, vector<64x1xf32>,
    } else {
    }
    %get3A = arith.constant 0 : index
    %get3A_2 = arith.constant 0 : index
    %get3A_3 = vector.load %arg1[%get3A, %get3A_2] : memref<256x128xf32, #tpu.memory_space<vmem>>, vector<256x128xf32>
    %get3A_4 = arith.constant 0 : index
    %get3A_5 = arith.constant 0 : index
    %get3A_6 = vector.load %arg3[%get3A_4, %get3A_5] : memref<256x1xi32, #tpu.memory_space<vmem>>, vector<256x1xi32>
    %iota3A = tpu.iota {dimensions = array<i32: 1>} : vector<1x64xi32>
    %eq3A_7 = vector.broadcast %get3A_6 : vector<256x1xi32> to vector<256x64xi32>
    %eq3A_8 = vector.broadcast %iota3A : vector<1x64xi32> to vector<256x64xi32>
    %eq3A_9 = arith.cmpi eq, %eq3A_7, %eq3A_8 : vector<256x64xi32>
    %convert_element_type3A_10 = arith.extui %eq3A_9 : vector<256x64xi1> to vector<256x64xi32>
    %convert_element_type3A_11 = arith.sitofp %convert_element_type3A_10 : vector<256x64xi32> to vector<256x64xf32>
    %iota3A_12 = tpu.iota {dimensions = array<i32: 0>} : vector<64x1xi32>
    %get3A_13 = arith.constant 0 : index
    %get3A_14 = arith.constant 0 : index
    %get3A_15 = vector.load %arg4[%get3A_13, %get3A_14] : memref<1x256xi32, #tpu.memory_space<vmem>>, vector<1x256xi32>
    %eq3A_16 = vector.broadcast %iota3A_12 : vector<64x1xi32> to vector<64x256xi32>
    %eq3A_17 = vector.broadcast %get3A_15 : vector<1x256xi32> to vector<64x256xi32>
    %eq3A_18 = arith.cmpi eq, %eq3A_16, %eq3A_17 : vector<64x256xi32>
    %convert_element_type3A_19 = arith.extui %eq3A_18 : vector<64x256xi1> to vector<64x256xi32>
    %convert_element_type3A_20 = arith.sitofp %convert_element_type3A_19 : vector<64x256xi32> to vector<64x256xf32>
    %get3A_21 = arith.constant 0 : index
    %get3A_22 = arith.constant 0 : index
    %get3A_23 = vector.load %arg5[%get3A_21, %get3A_22] : memref<64x1xf32, #tpu.memory_space<vmem>>, vector<64x1xf32>
    %dot_general3A = arith.constant dense<0.000000e+00> : vector<256x1xf32>
    %dot_general3A_24 = tpu.matmul %convert_element_type3A_11, %get3A_23, %dot_general3A {dimension_numbers = #tpu.dot_dimension_numbers<[1], [0], [0], [1], [0, 0, 1, 1], [], []>, precision = #tpu.contract_precision<fp32>, transpose_lhs_hint = false} : vector<256x64xf32>, vector<64x1xf32>, vector<256x1xf32> -> vector<256x1xf32>
    %lt3A = arith.constant 64 : i32
    %lt3A_25 = vector.broadcast %lt3A : i32 to vector<256x1xi32>
    %lt3A_26 = arith.cmpi slt, %get3A_6, %lt3A_25 : vector<256x1xi32>
    %get3A_27 = arith.constant 0 : index
    %get3A_28 = arith.constant 0 : index
    %get3A_29 = vector.load %arg2[%get3A_27, %get3A_28] : memref<256x1xf32, #tpu.memory_space<vmem>>, vector<256x1xf32>
    %sub3A = arith.subf %get3A_29, %dot_general3A_24 : vector<256x1xf32>
    %exp3A = math.exp %sub3A : vector<256x1xf32>
    %jit3A = arith.constant 0.000000e+00 : f32
    %broadcast_in_dim3A = vector.broadcast %jit3A : f32 to vector<256x1xf32>
    %select_n3A = arith.select %lt3A_26, %exp3A, %broadcast_in_dim3A : vector<256x1xi1>, vector<256x1xf32>
    %get3A_30 = arith.constant 0 : index
    %get3A_31 = arith.constant 0 : index
    %get3A_32 = vector.load %arg16[%get3A_30, %get3A_31] : memref<64x1xf32, #tpu.memory_space<vmem>>, vector<64x1xf32>
    %dot_general3A_33 = arith.constant dense<0.000000e+00> : vector<64x1xf32>
    %dot_general3A_34 = tpu.matmul %convert_element_type3A_20, %select_n3A, %dot_general3A_33 {dimension_numbers = #tpu.dot_dimension_numbers<[1], [0], [0], [1], [0, 0, 1, 1], [], []>, precision = #tpu.contract_precision<fp32>, transpose_lhs_hint = false} : vector<64x256xf32>, vector<256x1xf32>, vector<64x1xf32> -> vector<64x1xf32>
    %add3A = arith.addf %get3A_32, %dot_general3A_34 : vector<64x1xf32>
    %swap3A = arith.constant 0 : index
    %swap3A_35 = arith.constant 0 : index
    %swap3A_36 = vector.load %arg16[%swap3A, %swap3A_35] : memref<64x1xf32, #tpu.memory_space<vmem>>, vector<64x1xf32>
    tpu.vector_store %arg16[%swap3A, %swap3A_35], %add3A {strides = array<i32>} : memref<64x1xf32, #tpu.memory_space<vmem>>, vector<64x1xf32>,
    %get3A_37 = arith.constant 0 : index
    %get3A_38 = arith.constant 0 : index
    %get3A_39 = vector.load %arg17[%get3A_37, %get3A_38] : memref<64x128xf32, #tpu.memory_space<vmem>>, vector<64x128xf32>
    %mul3A = vector.broadcast %select_n3A : vector<256x1xf32> to vector<256x128xf32>
    %mul3A_40 = arith.mulf %get3A_3, %mul3A : vector<256x128xf32>
    %dot_general3A_41 = arith.constant dense<0.000000e+00> : vector<64x128xf32>
    %dot_general3A_42 = tpu.matmul %convert_element_type3A_20, %mul3A_40, %dot_general3A_41 {dimension_numbers = #tpu.dot_dimension_numbers<[1], [0], [0], [1], [0, 0, 1, 1], [], []>, precision = #tpu.contract_precision<fp32>, transpose_lhs_hint = false} : vector<64x256xf32>, vector<256x128xf32>, vector<64x128xf32> -> vector<64x128xf32>
    %add3A_43 = arith.addf %get3A_39, %dot_general3A_42 : vector<64x128xf32>
    %swap3A_44 = arith.constant 0 : index
    %swap3A_45 = arith.constant 0 : index
    %swap3A_46 = vector.load %arg17[%swap3A_44, %swap3A_45] : memref<64x128xf32, #tpu.memory_space<vmem>>, vector<64x128xf32>
    tpu.vector_store %arg17[%swap3A_44, %swap3A_45], %add3A_43 {strides = array<i32>} : memref<64x128xf32, #tpu.memory_space<vmem>>, vector<64x128xf32>,
    %get3A_47 = arith.constant 0 : index
    %get3A_48 = arith.constant 0 : index
    %get3A_49 = vector.load %arg6[%get3A_47, %get3A_48] : memref<128x64xf32, #tpu.memory_space<vmem>>, vector<128x64xf32>
    %dot_general3A_50 = arith.constant dense<0.000000e+00> : vector<256x64xf32>
    %dot_general3A_51 = tpu.matmul %get3A_3, %get3A_49, %dot_general3A_50 {dimension_numbers = #tpu.dot_dimension_numbers<[1], [0], [0], [1], [0, 0, 1, 1], [], []>, transpose_lhs_hint = false} : vector<256x128xf32>, vector<128x64xf32>, vector<256x64xf32> -> vector<256x64xf32>
    %get3A_52 = arith.constant 0 : index
    %get3A_53 = arith.constant 0 : index
    %get3A_54 = vector.load %arg7[%get3A_52, %get3A_53] : memref<1x64xf32, #tpu.memory_space<vmem>>, vector<1x64xf32>
    %add3A_55 = vector.broadcast %get3A_54 : vector<1x64xf32> to vector<256x64xf32>
    %add3A_56 = arith.addf %dot_general3A_51, %add3A_55 : vector<256x64xf32>
    %max3A = arith.constant 0.000000e+00 : f32
    %max3A_57 = vector.broadcast %max3A : f32 to vector<256x64xf32>
    %max3A_58 = arith.maximumf %add3A_56, %max3A_57 : vector<256x64xf32>
    %get3A_59 = arith.constant 0 : index
    %get3A_60 = arith.constant 0 : index
    %get3A_61 = vector.load %arg8[%get3A_59, %get3A_60] : memref<64x1xf32, #tpu.memory_space<vmem>>, vector<64x1xf32>
    %dot_general3A_62 = arith.constant dense<0.000000e+00> : vector<256x1xf32>
    %dot_general3A_63 = tpu.matmul %max3A_58, %get3A_61, %dot_general3A_62 {dimension_numbers = #tpu.dot_dimension_numbers<[1], [0], [0], [1], [0, 0, 1, 1], [], []>, transpose_lhs_hint = false} : vector<256x64xf32>, vector<64x1xf32>, vector<256x1xf32> -> vector<256x1xf32>
    %get3A_64 = arith.constant 0 : index
    %get3A_65 = arith.constant 0 : index
    %get3A_66 = vector.load %arg9[%get3A_64, %get3A_65] : memref<1x1xf32, #tpu.memory_space<vmem>>, vector<1x1xf32>
    %add3A_67 = vector.broadcast %get3A_66 : vector<1x1xf32> to vector<256x1xf32>
    %add3A_68 = arith.addf %dot_general3A_63, %add3A_67 : vector<256x1xf32>
    %swap3A_69 = arith.constant 0 : index
    %swap3A_70 = arith.constant 0 : index
    %swap3A_71 = vector.load %arg14[%swap3A_69, %swap3A_70] : memref<256x1xf32, #tpu.memory_space<vmem>>, vector<256x1xf32>
    tpu.vector_store %arg14[%swap3A_69, %swap3A_70], %add3A_68 {strides = array<i32>} : memref<256x1xf32, #tpu.memory_space<vmem>>, vector<256x1xf32>,
    %eq3A_72 = arith.constant 39 : i32
    %eq3A_73 = arith.cmpi eq, %arg0, %eq3A_72 : i32
    %convert_element_type3A_74 = arith.extui %eq3A_73 : i1 to i32
    %cond3A_75 = arith.constant 0 : i32
    %cond3A_76 = arith.cmpi ne, %convert_element_type3A_74, %cond3A_75 : i32
    scf.if %cond3A_76 {
      %get3A_77 = arith.constant 0 : index
      %get3A_78 = arith.constant 0 : index
      %get3A_79 = vector.load %arg16[%get3A_77, %get3A_78] : memref<64x1xf32, #tpu.memory_space<vmem>>, vector<64x1xf32>
      %gt3A = arith.constant 0.000000e+00 : f32
      %gt3A_80 = vector.broadcast %gt3A : f32 to vector<64x1xf32>
      %gt3A_81 = arith.cmpf ogt, %get3A_79, %gt3A_80 : vector<64x1xf32>
      %get3A_82 = arith.constant 0 : index
      %get3A_83 = arith.constant 0 : index
      %get3A_84 = vector.load %arg17[%get3A_82, %get3A_83] : memref<64x128xf32, #tpu.memory_space<vmem>>, vector<64x128xf32>
      %div3A = vector.broadcast %get3A_79 : vector<64x1xf32> to vector<64x128xf32>
      %div3A_85 = arith.divf %get3A_84, %div3A : vector<64x128xf32>
      %jit3A_86 = arith.constant 0.000000e+00 : f32
      %broadcast_in_dim3A_87 = vector.shape_cast %gt3A_81 : vector<64x1xi1> to vector<64x1xi1>
      %broadcast_in_dim3A_88 = vector.broadcast %broadcast_in_dim3A_87 : vector<64x1xi1> to vector<64x128xi1>
      %broadcast_in_dim3A_89 = vector.broadcast %jit3A_86 : f32 to vector<64x128xf32>
      %select_n3A_90 = arith.select %broadcast_in_dim3A_88, %div3A_85, %broadcast_in_dim3A_89 : vector<64x128xi1>, vector<64x128xf32>
      %get3A_91 = arith.constant 0 : index
      %get3A_92 = arith.constant 0 : index
      %get3A_93 = vector.load %arg10[%get3A_91, %get3A_92] : memref<128x64xf32, #tpu.memory_space<vmem>>, vector<128x64xf32>
      %dot_general3A_94 = arith.constant dense<0.000000e+00> : vector<64x64xf32>
      %dot_general3A_95 = tpu.matmul %select_n3A_90, %get3A_93, %dot_general3A_94 {dimension_numbers = #tpu.dot_dimension_numbers<[1], [0], [0], [1], [0, 0, 1, 1], [], []>, transpose_lhs_hint = false} : vector<64x128xf32>, vector<128x64xf32>, vector<64x64xf32> -> vector<64x64xf32>
      %get3A_96 = arith.constant 0 : index
      %get3A_97 = arith.constant 0 : index
      %get3A_98 = vector.load %arg11[%get3A_96, %get3A_97] : memref<1x64xf32, #tpu.memory_space<vmem>>, vector<1x64xf32>
      %add3A_99 = vector.broadcast %get3A_98 : vector<1x64xf32> to vector<64x64xf32>
      %add3A_100 = arith.addf %dot_general3A_95, %add3A_99 : vector<64x64xf32>
      %max3A_101 = arith.constant 0.000000e+00 : f32
      %max3A_102 = vector.broadcast %max3A_101 : f32 to vector<64x64xf32>
      %max3A_103 = arith.maximumf %add3A_100, %max3A_102 : vector<64x64xf32>
      %get3A_104 = arith.constant 0 : index
      %get3A_105 = arith.constant 0 : index
      %get3A_106 = vector.load %arg12[%get3A_104, %get3A_105] : memref<64x1xf32, #tpu.memory_space<vmem>>, vector<64x1xf32>
      %dot_general3A_107 = arith.constant dense<0.000000e+00> : vector<64x1xf32>
      %dot_general3A_108 = tpu.matmul %max3A_103, %get3A_106, %dot_general3A_107 {dimension_numbers = #tpu.dot_dimension_numbers<[1], [0], [0], [1], [0, 0, 1, 1], [], []>, transpose_lhs_hint = false} : vector<64x64xf32>, vector<64x1xf32>, vector<64x1xf32> -> vector<64x1xf32>
      %get3A_109 = arith.constant 0 : index
      %get3A_110 = arith.constant 0 : index
      %get3A_111 = vector.load %arg13[%get3A_109, %get3A_110] : memref<1x1xf32, #tpu.memory_space<vmem>>, vector<1x1xf32>
      %add3A_112 = vector.broadcast %get3A_111 : vector<1x1xf32> to vector<64x1xf32>
      %add3A_113 = arith.addf %dot_general3A_108, %add3A_112 : vector<64x1xf32>
      %swap3A_114 = arith.constant 0 : index
      %swap3A_115 = arith.constant 0 : index
      %swap3A_116 = vector.load %arg15[%swap3A_114, %swap3A_115] : memref<64x1xf32, #tpu.memory_space<vmem>>, vector<64x1xf32>
      tpu.vector_store %arg15[%swap3A_114, %swap3A_115], %add3A_113 {strides = array<i32>} : memref<64x1xf32, #tpu.memory_space<vmem>>, vector<64x1xf32>,
    } else {
    }
    return
  }
  func.func @transform_0(%arg0: i32) -> (i32, i32) {
    %c0_i32 = arith.constant 0 : i32
    %c0_i32_0 = arith.constant 0 : i32
    return %arg0, %c0_i32 : i32, i32
  }
  func.func @transform_1(%arg0: i32) -> (i32, i32) {
    %c0_i32 = arith.constant 0 : i32
    %c0_i32_0 = arith.constant 0 : i32
    return %arg0, %c0_i32 : i32, i32
  }
  func.func @transform_2(%arg0: i32) -> (i32, i32) {
    %c0_i32 = arith.constant 0 : i32
    %c0_i32_0 = arith.constant 0 : i32
    return %arg0, %c0_i32 : i32, i32
  }
  func.func @transform_3(%arg0: i32) -> (i32, i32) {
    %c0_i32 = arith.constant 0 : i32
    %c0_i32_0 = arith.constant 0 : i32
    return %c0_i32, %arg0 : i32, i32
  }
  func.func @transform_4(%arg0: i32) -> (i32, i32) {
    %c0_i32 = arith.constant 0 : i32
    %c0_i32_0 = arith.constant 0 : i32
    %c0_i32_1 = arith.constant 0 : i32
    return %c0_i32, %c0_i32_0 : i32, i32
  }
  func.func @transform_5(%arg0: i32) -> (i32, i32) {
    %c0_i32 = arith.constant 0 : i32
    %c0_i32_0 = arith.constant 0 : i32
    %c0_i32_1 = arith.constant 0 : i32
    return %c0_i32, %c0_i32_0 : i32, i32
  }
  func.func @transform_6(%arg0: i32) -> (i32, i32) {
    %c0_i32 = arith.constant 0 : i32
    %c0_i32_0 = arith.constant 0 : i32
    %c0_i32_1 = arith.constant 0 : i32
    return %c0_i32, %c0_i32_0 : i32, i32
  }
  func.func @transform_7(%arg0: i32) -> (i32, i32) {
    %c0_i32 = arith.constant 0 : i32
    %c0_i32_0 = arith.constant 0 : i32
    %c0_i32_1 = arith.constant 0 : i32
    return %c0_i32, %c0_i32_0 : i32, i32
  }
  func.func @transform_8(%arg0: i32) -> (i32, i32) {
    %c0_i32 = arith.constant 0 : i32
    %c0_i32_0 = arith.constant 0 : i32
    %c0_i32_1 = arith.constant 0 : i32
    return %c0_i32, %c0_i32_0 : i32, i32
  }
  func.func @transform_9(%arg0: i32) -> (i32, i32) {
    %c0_i32 = arith.constant 0 : i32
    %c0_i32_0 = arith.constant 0 : i32
    %c0_i32_1 = arith.constant 0 : i32
    return %c0_i32, %c0_i32_0 : i32, i32
  }
  func.func @transform_10(%arg0: i32) -> (i32, i32) {
    %c0_i32 = arith.constant 0 : i32
    %c0_i32_0 = arith.constant 0 : i32
    %c0_i32_1 = arith.constant 0 : i32
    return %c0_i32, %c0_i32_0 : i32, i32
  }
  func.func @transform_11(%arg0: i32) -> (i32, i32) {
    %c0_i32 = arith.constant 0 : i32
    %c0_i32_0 = arith.constant 0 : i32
    %c0_i32_1 = arith.constant 0 : i32
    return %c0_i32, %c0_i32_0 : i32, i32
  }
  func.func @transform_12(%arg0: i32) -> (i32, i32) {
    %c0_i32 = arith.constant 0 : i32
    %c0_i32_0 = arith.constant 0 : i32
    %c0_i32_1 = arith.constant 0 : i32
    return %c0_i32, %c0_i32_0 : i32, i32
  }
  func.func @transform_13(%arg0: i32) -> (i32, i32) {
    %c0_i32 = arith.constant 0 : i32
    %c0_i32_0 = arith.constant 0 : i32
    return %arg0, %c0_i32 : i32, i32
  }
  func.func @transform_14(%arg0: i32) -> (i32, i32) {
    %c0_i32 = arith.constant 0 : i32
    %c0_i32_0 = arith.constant 0 : i32
    %c0_i32_1 = arith.constant 0 : i32
    return %c0_i32, %c0_i32_0 : i32, i32
  }
}

</mosaic_0001>

<sc_bundles>
// kernel: kernel.10.cloned.1.call-start
scs
__scs_entry_jumppad:
0x0: {  	(pc) =	sbr.rel $0x88, $3  }
0x1: {  	(tag) =	ssettag $0x0;
	lr =	simm.s32 $0x1  }
0x2: {  	[smem:$0x3F8E] =	sst lr;
	_ =	strace $0xD0000000  }
0x3: {  	_ = 	snop  }
0x4: {  	_ = 	snop  }
0x5: {  	_ = 	snop  }
0x6: {  	_ = 	snop  }
0x7: {  	_ = 	snop  }
__scs_overlays_trampoline_lowered:
0x8: {  	[smem:$0x3F9D] =	sst s0  }
0x9: {  	[smem:$0x3F9E] =	sst s1  }
0xa: {  	[smem:$0x3F9F] =	sst s2  }
0xb: {  	[smem:$0x3FA0] =	sst s3  }
0xc: {  	[smem:$0x3FA1] =	sst s4  }
0xd: {  	[smem:$0x3FA2] =	sst s5  }
0xe: {  	[smem:$0x3FA3] =	sst s6  }
0xf: {  	[smem:$0x3FA4] =	sst s7  }
0x10: {  	[smem:$0x3FA5] =	sst s8  }
0x11: {  	[smem:$0x3FA6] =	sst s9;
	s0 =	simm.s32 @!p0 $0x0  }
0x12: {  	s1 =	sld [smem:$0x3F8C];
	s0 =	simm.s32 @p0 $0x1  }
0x13: {  	[smem:$0x3FA7] =	sst s0;
	s0 =	simm.s32 @!p1 $0x0  }
0x14: {  	s2 =	sld [smem:$0x3F8B];
	s0 =	simm.s32 @p1 $0x1  }
0x15: {  	[smem:$0x3FA8] =	sst s0;
	s0 =	simm.s32 @!p2 $0x0  }
0x16: {  	s3 =	sld [smem:$0x3FDB];
	s0 =	simm.s32 @p2 $0x1  }
0x17: {  	s4 =	simm.s32 $0x1BF5;
	[smem:$0x3FAA] =	sst s0  }
0x18: {  	s0 =	sld [smem:$0x3F8D];
	_ =	swait.ge [sflag:s4], $0x0  }
0x19: {  	s7 =	sld [smem:$0x3F8E]  }
0x1a: {  	s8 =	sadd.s32 $0xFFFFE003, lr  }
0x1b: {  	s9 =	sadd.s32 $0xFFFFFEF7, lr;
	s5 =	simm.s32 $0xFFFFFFFF;
	p2 =	slt.u32 s8, $0xFFFFF086  }
0x1c: {  	p1 =	slt.u32 s9, $0xF7A;
	s5 =	simm.s32 @!p2 $0x0  }
0x1d: {  	s5 =	simm.s32 @p1 $0x1;
	p0 =	seq.s32 s7, s2  }
0x1e: {  	s7 =	smul.u32 @!p0 $0xF7A, s2;
	p2 =	seq.s32 @!p0 s5, $0x0  }
0x1f: {  	s9 =	smul.u32 $0xF7A, s1;
	s8 =	simm.s32 @!p0 $0x1BF5;
	p2 =	por !p2, p0  }
0x20: {  	[sflag:s8] =	ssyncset.s32 @!p0 $0xFFFFF086;
	s6 =	sadd.s32 @!p0 s3, s7;
	s7 =	simm.s32 @!p0 $0x108  }
0x21: {  	s3 =	sadd.s32 s3, s9;
	s6 =	sadd.s32 @!p0 $0x88, s6;
	s7 =	simm.s32 @p2 $0x1082  }
0x22: {  	[simem:s7], [sflag:s8] =	dma.local @!p0 [hbm:s6], $0xF7A  }
0x23: {  	s9 =	sor.u32 $0xD0000000, s2;
	s6 =	simm.s32 $0x108;
	_ =	swait.ge @!p0 [sflag:s8], $0x0  }
0x24: {  	s3 =	sadd.s32 $0x88, s3;
	s6 =	simm.s32 @!p1 $0x1082;
	[sflag:s4] =	ssyncset.s32 $0xFFFFF086  }
0x25: {  	[simem:s6], [sflag:s4] =	dma.local [hbm:s3], $0xF7A  }
0x26: {  	[smem:$0x3F8E] =	sst s1;
	(tag) =	ssettag s2;
	_ =	strace s9  }
0x27: {  	s1 =	sld [smem:$0x3F9E]  }
0x28: {  	s2 =	sld [smem:$0x3F9F]  }
0x29: {  	s4 =	sld [smem:$0x3FA1]  }
0x2a: {  	p0 =	seq.s32 s5, $0x0;
	s5 =	sld [smem:$0x3FA2]  }
0x2b: {  	s6 =	sld [smem:$0x3FA3]  }
0x2c: {  	s7 =	sld [smem:$0x3FA4]  }
0x2d: {  	s3 =	simm.s32 $0x108;
	s8 =	sld [smem:$0x3FA5]  }
0x2e: {  	s3 =	simm.s32 @!p0 $0x1082;
	s9 =	sld [smem:$0x3FA6]  }
0x2f: {  	lr =	sadd.s32 s0, s3;
	s0 =	sld [smem:$0x3F9D]  }
0x30: {  	s3 =	sld [smem:$0x3FA0]  }
0x31: {  	[smem:$0x3FA9] =	sst s10  }
0x32: {  	s10 =	sld [smem:$0x3FA7];
	_ =	sdelay $0x3  }
0x33: {  	p0 =	seq.s32 s10, $0x1;
	s10 =	sld [smem:$0x3FA9];
	_ =	sdelay $0x3  }
0x34: {  	[smem:$0x3FA9] =	sst s10  }
0x35: {  	s10 =	sld [smem:$0x3FA8];
	_ =	sdelay $0x3  }
0x36: {  	p1 =	seq.s32 s10, $0x1;
	s10 =	sld [smem:$0x3FA9];
	_ =	sdelay $0x3  }
0x37: {  	[smem:$0x3FA9] =	sst s10  }
0x38: {  	s10 =	sld [smem:$0x3FAA]  }
0x39: {  	_ = 	snop;
	(pc) =	sbr.ind lr, $3  }
0x3a: {  	_ = 	snop  }
0x3b: {  	_ = 	snop  }
0x3c: {  	p2 =	seq.s32 s10, $0x1;
	s10 =	sld [smem:$0x3FA9]  }
0x3d: {  	_ =	shalt  }
0x3e: {  	_ =	shalt  }
0x3f: {  	_ =	shalt  }
0x40: {  	_ =	shalt  }
0x41: {  	_ =	shalt  }
0x42: {  	_ =	shalt  }
0x43: {  	_ =	shalt  }
0x44: {  	_ =	shalt  }
0x45: {  	_ =	shalt  }
0x46: {  	_ =	shalt  }
0x47: {  	_ =	shalt  }
0x48: {  	_ =	shalt  }
0x49: {  	_ =	shalt  }
0x4a: {  	_ =	shalt  }
0x4b: {  	_ =	shalt  }
0x4c: {  	_ =	shalt  }
0x4d: {  	_ =	shalt  }
0x4e: {  	_ =	shalt  }
0x4f: {  	_ =	shalt  }
0x50: {  	_ =	shalt  }
0x51: {  	_ =	shalt  }
0x52: {  	_ =	shalt  }
0x53: {  	_ =	shalt  }
0x54: {  	_ =	shalt  }
0x55: {  	_ =	shalt  }
0x56: {  	_ =	shalt  }
0x57: {  	_ =	shalt  }
0x58: {  	_ =	shalt  }
0x59: {  	_ =	shalt  }
0x5a: {  	_ =	shalt  }
0x5b: {  	_ =	shalt  }
0x5c: {  	_ =	shalt  }
0x5d: {  	_ =	shalt  }
0x5e: {  	_ =	shalt  }
0x5f: {  	_ =	shalt  }
0x60: {  	_ =	shalt  }
0x61: {  	_ =	shalt  }
0x62: {  	_ =	shalt  }
0x63: {  	_ =	shalt  }
0x64: {  	_ =	shalt  }
0x65: {  	_ =	shalt  }
0x66: {  	_ =	shalt  }
0x67: {  	_ =	shalt  }
0x68: {  	_ =	shalt  }
0x69: {  	_ =	shalt  }
0x6a: {  	_ =	shalt  }
0x6b: {  	_ =	shalt  }
0x6c: {  	_ =	shalt  }
0x6d: {  	_ =	shalt  }
0x6e: {  	_ =	shalt  }
0x6f: {  	_ =	shalt  }
0x70: {  	_ =	shalt  }
0x71: {  	_ =	shalt  }
0x72: {  	_ =	shalt  }
0x73: {  	_ =	shalt  }
0x74: {  	_ =	shalt  }
0x75: {  	_ =	shalt  }
0x76: {  	_ =	shalt  }
0x77: {  	_ =	shalt  }
0x78: {  	_ =	shalt  }
0x79: {  	_ =	shalt  }
0x7a: {  	_ =	shalt  }
0x7b: {  	_ =	shalt  }
0x7c: {  	_ =	shalt  }
0x7d: {  	_ =	shalt  }
0x7e: {  	_ =	shalt  }
0x7f: {  	_ =	shalt  }
0x80: {  	_ =	shalt  }
0x81: {  	_ =	shalt  }
0x82: {  	_ =	shalt  }
0x83: {  	_ =	shalt  }
0x84: {  	_ =	shalt  }
0x85: {  	_ =	shalt  }
0x86: {  	_ =	shalt  }
0x87: {  	_ =	shalt  }
.Lfunc_end0:
.L_simem_size_0:
called_computation_lowered:
.L_overlay_start_0:
0x88: {  	s2 =	sld [smem:$0x3FD9]  }
0x89: {  	s3 =	sld [smem:$0x3FFE];
	_ =	sdelay $0x1  }
0x8a: {  	s1 =	srdreg.scid  }
0x8b: {  	s0 =	sand.u32 $0x1, s1  }
0x8c: {  	s14 =	sshll.u32 s0, $0xA;
	s2 =	sadd.s32 s3, s2  }
0x8d: {  	s2 =	sadd.s32 s2, s14  }
0x8e: {  	[smem:$0x3FB5] =	sst s2  }
0x8f: {  	_ = 	snop  }
0x90: {  	s2 =	sld [smem:$0x3FD0];
	_ =	sdelay $0x2  }
0x91: {  	s15 =	simm.s32 $0xA;
	s4 =	simm.s32 $0x10  }
0x92: {  	[smem:s4], [sflag:s15] =	dma.local [hbm:s2], $0x1  }
0x93: {  	_ =	swait.eq [sflag:s15], $0x1  }
0x94: {  	[sflag:s15] =	ssyncset.done $0x0  }
0x95: {  	[sflag:s15] =	ssyncadd.s32 $0xFFFFFFFF  }
0x96: {  	s16 =	sld [smem:$0x11];
	(tm) =	ssettm $0x1  }
0x97: {  	s17 =	sld [smem:$0x3FFB];
	_ =	sdelay $0x3  }
0x98: {  	_ =	strace s17  }
0x99: {  	s3 =	sld [smem:$0x3FFC];
	_ =	sdelay $0x3  }
0x9a: {  	_ =	strace s3  }
0x9b: {  	s3 =	sld [smem:$0x3FFD];
	_ =	sdelay $0x3  }
0x9c: {  	_ =	strace s3  }
0x9d: {  	_ =	strace $0x8FFFFFFF  }
0x9e: {  	s18 =	sld [smem:$0x3FDB];
	_ =	sdelay $0x1  }
0x9f: {  	s19 =	simm.s32 $_scs_section_size  }
0xa0: {  	s5 =	simm.s32 $_size__tile_overlayer_lowered;
	s6 =	simm.s32 $_tile_overlayer_lowered  }
0xa1: {  	s22 =	simm.s32 $0x1BFF;
	s21 =	sshll.u32 s6, $0x1;
	s3 =	sadd.s32 s19, s18  }
0xa2: {  	s7 =	simm.s32 $0x0;
	s20 =	sshll.u32 s5, $0x1;
	s5 =	sadd.s32 s21, s3  }
0xa3: {  	[timem:s7], [sflag:s22] =	dma.local [hbm:s5], s20  }
0xa4: {  	_ =	swait.ge [sflag:s22], s20  }
0xa5: {  	s4 =	ssub.s32 $0x0, s20;
	[sflag:s22] =	ssyncset.done $0x0  }
0xa6: {  	[sflag:s22] =	ssyncadd.s32 s4;
	_ =	sdelay $0x1  }
0xa7: {  	s23 =	simm.s32 $0x1B8B  }
0xa8: {  	_ =	swait.ge [sflag:s23], $0x1  }
0xa9: {  	[sflag:s23] =	ssyncset.done $0x0  }
0xaa: {  	s25 =	simm.s32 $0x1B8E;
	s24 =	sld [smem:$0x3FFE];
	[sflag:s23] =	ssyncadd.s32 $0xFFFFFFFF  }
0xab: {  	s26 =	simm.s32 $execute0_lowered;
	[smem:$0x3FD2] =	sst s25  }
0xac: {  	s5 =	sshll.u32 s26, $0x1;
	_ =	strace $0x80000046;
	[dreg:$0x1] =	wrdreg $0xFFFFFFFF  }
0xad: {  	s28 =	simm.s32 $_size_execute0_lowered;
	s3 =	sadd.s32 s3, s5;
	[dreg:$0x0] =	wrdreg $0x0  }
0xae: {  	s5 =	sshll.u32 s28, $0x1;
	[dreg:$0x2] =	wrdreg s3  }
0xaf: {  	[dreg:$0x3] =	wrdreg s5  }
0xb0: {  	[dreg:$0x4] =	wrdreg $0xC0  }
0xb1: {  	_ =	task [dreg:s7], $0x5FFFF  }
0xb2: {  	[dreg:$0x1] =	wrdreg $0xFFFFFFFF  }
0xb3: {  	[dreg:$0x0] =	wrdreg $0x60  }
0xb4: {  	[dreg:$0x2] =	wrdreg s24  }
0xb5: {  	[dreg:$0x3] =	wrdreg s16  }
0xb6: {  	[dreg:$0x4] =	wrdreg $0xBC800  }
0xb7: {  	[dreg:$0x5] =	wrdreg $0x1FD000  }
0xb8: {  	[dreg:$0x6] =	wrdreg $0x9  }
0xb9: {  	_ =	task.clear_ibuf [dreg:s7], $0x7FFFF;
	_ =	strace $0x90000046  }
0xba: {  	s29 =	simm.s32 $0x9;
	_ =	strace $0x80000048  }
0xbb: {  	_ =	swait.ge [sflag:s29], $0x1  }
0xbc: {  	[sflag:s29] =	ssyncadd.s32 $0xFFFFFFFF  }
0xbd: {  	_ =	strace $0x90000048  }
0xbe: {  	_ =	sfence  }
0xbf: {  	s30 =	sld [smem:$0x0];
	_ =	sdelay $0x2  }
0xc0: {  	s31 =	sshll.u32 s1, $0xD;
	s1 =	sshrl.u32 s1, $0x2  }
0xc1: {  	s3 =	sand.u32 $0x4000, s31;
	s1 =	sadd.s32 s1, s30  }
0xc2: {  	s0 =	sor.u32 s3, s0;
	s1 =	sshll.u32 s1, $0x11  }
0xc3: {  	s0 =	sor.u32 s1, s0  }
0xc4: {  	s0 =	sadd.s32 $0x8F2B, s0  }
0xc5: {  	[sflag:s0] =	ssyncadd.remote.s32 $0x1  }
0xc6: {  	_ =	sfence.sel $0xFFFF  }
0xc7: {  	[dreg:$0x0] =	wrdreg $0xFFFFFFFF;
	(pc) =	sbr.abs _section_cstart, $3  }
0xc8: {  	[dreg:$0x1] =	wrdreg $0xFFFFFFFF  }
0xc9: {  	_ =	task.clear_ibuf [dreg:s7], $0x2FFFF;
	_ =	strace $0x9FFFFFFF  }
0xca: {  	(tm) =	ssettm $0x7FFFFFFF  }
0xcb: {  	_ =	shalt  }
tec
execute0_lowered:
.L_overlay_start_1:
0x0: {  	(tag) =	ssettag $0x1  }
0x1: {  	s0 =	rddreg [dreg:$0x0]  }
0x2: {  	s3 =	rddreg [dreg:$0x2]  }
0x3: {  	s1 =	srdreg.scid;
	s16 =	stileid.u32  }
0x4: {  	s4 =	rddreg [dreg:$0x3];
	s5 =	simm.s32 $0x0;
	s28 =	simm.s32 $0x3  }
0x5: {  	s29 =	simm.s32 $0x1FC80;
	s30 =	simm.s32 $0x2;
	s2 =	smul.u32 $0x280, s16  }
0x6: {  	s31 =	simm.s32 $0x4;
	s1 =	sand.u32 $0x1, s1;
	s14 =	smul.u32 $0x50000, s16  }
0x7: {  	[smem:$0x7FF] =	sst s5;
	s6 =	sadd.s32 $0x18600, s0;
	s20 =	smul.u32 $0x1380, s16  }
0x8: {  	s10 =	sadd.s32 $0xE800, s0;
	s11 =	sadd.s32 $0x4A00, s0;
	s24 =	smul.u32 $0x270, s16  }
0x9: {  	s15 =	sadd.s32 $0x40600, s0;
	s18 =	sshll.u32 s16, $0x6;
	s7 =	smul.u32 $0x2800, s1  }
0xa: {  	_ =	strace $0x80000047;
	[dreg:$0x5] =	wrdreg s15;
	s17 =	ssub.s32 $0x2, s1  }
0xb: {  	s15 =	smul.u32 $0x3B80, s16;
	p0 =	seq.s32 s1, $0x1;
	s13 =	sshrl.u32 s17, $0x1  }
0xc: {  	s19 =	sshrl.u32 s14, $0x2;
	s14 =	sshrl.u32 s20, $0x3;
	s20 =	simm.s32 $0x5  }
0xd: {  	s8 =	sadd.s32 s2, s7;
	s13 =	ssub.s32 s17, s13;
	s2 =	sadd.s32 s2, s4  }
0xe: {  	s21 =	sshrl.u32 s15, $0x3;
	s14 =	sadd.s32 $0x7700, s14;
	s17 =	smul.u32 $0x770, s16  }
0xf: {  	s9 =	sshll.u32 s8, $0x4;
	s8 =	sshrl.u32 s8, $0x3;
	s22 =	sadd.s32 s10, s21  }
0x10: {  	s1 =	sadd.s32 s11, s21;
	s23 =	sadd.s32 s10, s14;
	s25 =	sadd.s32 s11, s14  }
0x11: {  	s16 =	smax.u32 s13, $0x1;
	s21 =	simm.s32 $0x80;
	[dreg:$0x6] =	wrdreg s22  }
0x12: {  	s12 =	sadd.s32 s9, s0;
	s0 =	sadd.s32 s8, s0;
	[dreg:$0x7] =	wrdreg s1  }
0x13: {  	s8 =	sor.u32 $0x1C05, s18;
	s9 =	sadd.s32 s19, s3;
	[dreg:$0x8] =	wrdreg s23  }
.Ltmp0:
0x14: {  	[dreg:$0x9] =	wrdreg s25;
	s26 =	sadd.s32 s17, s11;
	(pc) =	sbr.rel .LBB2_1-.Ltmp0, $4  }
0x15: {  	s1 =	sadd.s32 s24, s11;
	s19 =	sshrl.u32 s2, $0x3;
	s22 =	simm.s32 $0x3C80  }
0x16: {  	s23 =	simm.s32 $0x3B80;
	s24 =	simm.s32 $0x7C80;
	s25 =	simm.s32 $0x3C00  }
0x17: {  	s2 =	simm.s32 $0x0;
	s14 =	sadd.s32 $0x42E00, s12;
	s15 =	sadd.s32 $0x92E00, s0  }
0x18: {  	v0 =	vimm.f32 $1.000000000e+00;
	s17 =	sadd.s32 $0x20, s26;
	s18 =	sadd.s32 $0x7720, s1;
	s26 =	simm.s32 $0x1  }
.LBB2_7:
0x19: {  	s7 =	sadd.s32 $0x1380, s11;
	[sflag:s20] =	ssyncadd.s32 $0xFFFFFF80  }
0x1a: {  	[tilespmem:s24], [sflag:$0x2] =	stream.indirect.gather [hbm4b:s6+s21], $0x80, s7, s21, $0xb8;
	[tilespmem:$0x1FF80] =	vst v63  }
0x1b: {  	s12 =	sadd.s32 $0xFFFFFFF0, s1  }
0x1c: {  	[tilespmem:s25], [sflag:$0x4] =	stream.linear.gather [hbm4b:s12+s5], $0x80, $0x38;
	[tilespmem:$0x1FF80] =	vst v63  }
0x1d: {  	_ =	swait.ge [sflag:s26], $0x4000  }
0x1e: {  	[sflag:s26] =	ssyncset.done $0x0  }
0x1f: {  	[sflag:s26] =	ssyncadd.s32 $0xFFFFC000  }
0x20: {  	_ =	swait.ge [sflag:s28], $0x80  }
0x21: {  	[sflag:s28] =	ssyncset.done $0x0  }
0x22: {  	[sflag:s28] =	ssyncadd.s32 $0xFFFFFF80  }
0x23: {  	[spmem:s3] =	stream.indirect.scatter.add.f32 [tilespmem:s22], [sflag:$0x5], $0x80, s23, s21, $0xb8;
	[tilespmem:$0x1FF80] =	vst v63  }
0x24: {  	_ =	swait.ge [sflag:s20], $0x4000  }
0x25: {  	[sflag:s20] =	ssyncset.done $0x0  }
0x26: {  	[sflag:s20] =	ssyncadd.s32 $0xFFFFC000  }
0x27: {  	[spmem:s4] =	stream.indirect.scatter.add.f32 [tilespmem:s29], [sflag:$0x5], $0x1, s23, s21, $0xb8;
	[tilespmem:$0x1FF80] =	vst v63  }
0x28: {  	_ =	swait.ge [sflag:s20], $0x80  }
0x29: {  	[sflag:s20] =	ssyncset.done $0x0  }
0x2a: {  	s13 =	sadd.s32 $0x1400, s11;
	[sflag:s20] =	ssyncadd.s32 $0xFFFFFF80  }
0x2b: {  	[tilespmem:s22], [sflag:$0x1] =	stream.indirect.gather [hbm4b:s6+s21], $0x80, s13, s21, $0xb8;
	[tilespmem:$0x1FF80] =	vst v63  }
0x2c: {  	_ = 	snop  }
0x2d: {  	[tilespmem:s23], [sflag:$0x3] =	stream.linear.gather [hbm4b:s1+s5], $0x80, $0x38;
	[tilespmem:$0x1FF80] =	vst v63  }
0x2e: {  	_ =	swait.ge [sflag:s30], $0x4000  }
0x2f: {  	[sflag:s30] =	ssyncset.done $0x0  }
0x30: {  	[sflag:s30] =	ssyncadd.s32 $0xFFFFC000  }
0x31: {  	_ =	swait.ge [sflag:s31], $0x80  }
0x32: {  	[sflag:s31] =	ssyncset.done $0x0  }
0x33: {  	[sflag:s31] =	ssyncadd.s32 $0xFFFFFF80  }
0x34: {  	[spmem:s3] =	stream.indirect.scatter.add.f32 [tilespmem:s24], [sflag:$0x5], $0x80, s25, s21, $0xb8;
	[tilespmem:$0x1FF80] =	vst v63  }
0x35: {  	_ =	swait.ge [sflag:s20], $0x4000  }
0x36: {  	[sflag:s20] =	ssyncset.done $0x0  }
0x37: {  	[sflag:s20] =	ssyncadd.s32 $0xFFFFC000  }
0x38: {  	[spmem:s4] =	stream.indirect.scatter.add.f32 [tilespmem:s29], [sflag:$0x5], $0x1, s25, s21, $0xb8;
	[tilespmem:$0x1FF80] =	vst v63  }
0x39: {  	_ =	swait.ge [sflag:s20], $0x80  }
0x3a: {  	[sflag:s20] =	ssyncset.done $0x0  }
0x3b: {  	[sflag:s20] =	ssyncadd.s32 $0xFFFFFF80  }
.LBB2_8:
0x3c: {  	_ =	swait.ge [sflag:s26], $0x4000  }
0x3d: {  	[sflag:s26] =	ssyncset.done $0x0  }
0x3e: {  	[sflag:s26] =	ssyncadd.s32 $0xFFFFC000  }
0x3f: {  	_ =	swait.ge [sflag:s28], $0x80  }
0x40: {  	[sflag:s28] =	ssyncset.done $0x0  }
0x41: {  	[sflag:s28] =	ssyncadd.s32 $0xFFFFFF80  }
0x42: {  	[spmem:s3] =	stream.indirect.scatter.add.f32 [tilespmem:s22], [sflag:$0x5], $0x80, s23, s21, $0xb8;
	[tilespmem:$0x1FF80] =	vst v63  }
0x43: {  	_ =	swait.ge [sflag:s20], $0x4000  }
0x44: {  	[sflag:s20] =	ssyncset.done $0x0  }
0x45: {  	[sflag:s20] =	ssyncadd.s32 $0xFFFFC000  }
0x46: {  	[spmem:s4] =	stream.indirect.scatter.add.f32 [tilespmem:s29], [sflag:$0x5], $0x1, s23, s21, $0xb8;
	[tilespmem:$0x1FF80] =	vst v63  }
0x47: {  	_ =	swait.ge [sflag:s20], $0x80  }
0x48: {  	[sflag:s20] =	ssyncset.done $0x0  }
0x49: {  	[sflag:s20] =	ssyncadd.s32 $0xFFFFFF80  }
0x4a: {  	[bflag:$0x0] =	sbarrier.arrive $0xFFFF  }
0x4b: {  	[hbm:s14], [sflag:s8] =	dma.local [spmem:s0], $0x2800  }
0x4c: {  	s2 =	sadd.s32 $0x1, s2;
	_ =	swait.ge [sflag:s20], $0x2800  }
0x4d: {  	p1 =	sne.s32 s2, s16;
	[sflag:s20] =	ssyncset.done $0x0  }
.Ltmp1:
0x4e: {  	[sflag:s20] =	ssyncadd.s32 $0xFFFFD800;
	(pc) =	sbr.rel @!p1 .LBB2_9-.Ltmp1, $4  }
0x4f: {  	[hbm:s15], [sflag:s8] =	dma.local [spmem:s19], $0x50  }
0x50: {  	_ =	swait.ge [sflag:s20], $0x50  }
0x51: {  	[sflag:s20] =	ssyncset.done $0x0  }
0x52: {  	[sflag:s20] =	ssyncadd.s32 $0xFFFFFFB0  }
.LBB2_1:
0x53: {  	s0 =	rddreg [dreg:$0x1]  }
0x54: {  	[spmem:s19], [sflag:s8] =	dma.local [hbm:s0], $0x50  }
0x55: {  	_ =	swait.ge [sflag:s20], $0x50  }
0x56: {  	[sflag:s20] =	ssyncset.done $0x0  }
0x57: {  	[sflag:s20] =	ssyncadd.s32 $0xFFFFFFB0  }
0x58: {  	[tilespmem:$0x1FC80] =	vst v0  }
0x59: {  	[tilespmem:$0x1FC90] =	vst v0  }
0x5a: {  	[tilespmem:$0x1FCA0] =	vst v0  }
0x5b: {  	[tilespmem:$0x1FCB0] =	vst v0  }
0x5c: {  	[tilespmem:$0x1FCC0] =	vst v0  }
0x5d: {  	[tilespmem:$0x1FCD0] =	vst v0  }
0x5e: {  	[tilespmem:$0x1FCE0] =	vst v0  }
0x5f: {  	s0 =	sshrl.u32 s9, $0x3;
	s1 =	rddreg [dreg:$0x5];
	[tilespmem:$0x1FCF0] =	vst v0  }
0x60: {  	[spmem:s0], [sflag:s8] =	dma.local [hbm:s1], $0x2800  }
.Ltmp2:
0x61: {  	_ =	swait.ge [sflag:s20], $0x2800;
	(pc) =	sbr.rel @!p0 .LBB2_2-.Ltmp2, $3  }
0x62: {  	[sflag:s20] =	ssyncset.done $0x0  }
0x63: {  	[sflag:s20] =	ssyncadd.s32 $0xFFFFD800  }
0x64: {  	[bflag:$0x0] =	sbarrier.arrive $0xFFFF;
	_ =	sdelay $0x1  }
0x65: {  	s1 =	rddreg [dreg:$0x8]  }
0x66: {  	[tilespmem:s5], [sflag:$0x5] =	stream.linear.gather [hbm4b:s1+s5], $0x1380, $0x38;
	[tilespmem:$0x1FF80] =	vst v63  }
0x67: {  	_ =	swait.ge [sflag:s20], $0x1380  }
0x68: {  	[sflag:s20] =	ssyncset.done $0x0  }
0x69: {  	[sflag:s20] =	ssyncadd.s32 $0xFFFFEC80  }
0x6a: {  	[tilespmem:s22], [sflag:$0x1] =	stream.indirect.gather [hbm4b:s6+s21], $0x80, s5, s21, $0xb8;
	[tilespmem:$0x1FF80] =	vst v63  }
0x6b: {  	s10 =	rddreg [dreg:$0x9]  }
0x6c: {  	[tilespmem:s23], [sflag:$0x3] =	stream.linear.gather [hbm4b:s10+s5], $0x80, $0x38;
	[tilespmem:$0x1FF80] =	vst v63  }
0x6d: {  	s11 =	simm.s32 $0x80  }
0x6e: {  	[tilespmem:s24], [sflag:$0x2] =	stream.indirect.gather [hbm4b:s6+s21], $0x80, s11, s21, $0xb8;
	[tilespmem:$0x1FF80] =	vst v63  }
0x6f: {  	s12 =	sadd.s32 $0xFFFFFFF0, s18  }
0x70: {  	[tilespmem:s25], [sflag:$0x4] =	stream.linear.gather [hbm4b:s12+s5], $0x80, $0x38;
	[tilespmem:$0x1FF80] =	vst v63  }
0x71: {  	_ =	swait.ge [sflag:s26], $0x4000  }
0x72: {  	[sflag:s26] =	ssyncset.done $0x0  }
0x73: {  	[sflag:s26] =	ssyncadd.s32 $0xFFFFC000  }
0x74: {  	_ =	swait.ge [sflag:s28], $0x80  }
0x75: {  	[sflag:s28] =	ssyncset.done $0x0  }
0x76: {  	[sflag:s28] =	ssyncadd.s32 $0xFFFFFF80  }
0x77: {  	[spmem:s3] =	stream.indirect.scatter.add.f32 [tilespmem:s22], [sflag:$0x5], $0x80, s23, s21, $0xb8;
	[tilespmem:$0x1FF80] =	vst v63  }
0x78: {  	_ =	swait.ge [sflag:s20], $0x4000  }
0x79: {  	[sflag:s20] =	ssyncset.done $0x0  }
0x7a: {  	[sflag:s20] =	ssyncadd.s32 $0xFFFFC000  }
0x7b: {  	[spmem:s4] =	stream.indirect.scatter.add.f32 [tilespmem:s29], [sflag:$0x5], $0x1, s23, s21, $0xb8;
	[tilespmem:$0x1FF80] =	vst v63  }
0x7c: {  	_ =	swait.ge [sflag:s20], $0x80  }
0x7d: {  	[sflag:s20] =	ssyncset.done $0x0  }
0x7e: {  	s13 =	simm.s32 $0x100;
	[sflag:s20] =	ssyncadd.s32 $0xFFFFFF80  }
0x7f: {  	[tilespmem:s22], [sflag:$0x1] =	stream.indirect.gather [hbm4b:s6+s21], $0x80, s13, s21, $0xb8;
	[tilespmem:$0x1FF80] =	vst v63  }
0x80: {  	_ = 	snop  }
0x81: {  	[tilespmem:s23], [sflag:$0x3] =	stream.linear.gather [hbm4b:s18+s5], $0x80, $0x38;
	[tilespmem:$0x1FF80] =	vst v63  }
0x82: {  	_ =	swait.ge [sflag:s30], $0x4000  }
0x83: {  	[sflag:s30] =	ssyncset.done $0x0  }
0x84: {  	[sflag:s30] =	ssyncadd.s32 $0xFFFFC000  }
0x85: {  	_ =	swait.ge [sflag:s31], $0x80  }
0x86: {  	[sflag:s31] =	ssyncset.done $0x0  }
0x87: {  	[sflag:s31] =	ssyncadd.s32 $0xFFFFFF80  }
0x88: {  	[spmem:s3] =	stream.indirect.scatter.add.f32 [tilespmem:s24], [sflag:$0x5], $0x80, s25, s21, $0xb8;
	[tilespmem:$0x1FF80] =	vst v63  }
0x89: {  	_ =	swait.ge [sflag:s20], $0x4000  }
0x8a: {  	[sflag:s20] =	ssyncset.done $0x0  }
0x8b: {  	[sflag:s20] =	ssyncadd.s32 $0xFFFFC000  }
0x8c: {  	[spmem:s4] =	stream.indirect.scatter.add.f32 [tilespmem:s29], [sflag:$0x5], $0x1, s25, s21, $0xb8;
	[tilespmem:$0x1FF80] =	vst v63  }
0x8d: {  	s1 =	sadd.s32 $0x20, s18;
	_ =	swait.ge [sflag:s20], $0x80  }
0x8e: {  	s11 =	simm.s32 $0xFFFFEE00;
	s13 =	simm.s32 $0xFFFFBC00;
	[sflag:s20] =	ssyncset.done $0x0  }
.LBB2_6:
0x8f: {  	s7 =	sadd.s32 $0x1380, s11  }
0x90: {  	[sflag:s20] =	ssyncadd.s32 $0xFFFFFF80;
	s12 =	smov.u32 s13;
	s10 =	sadd.s32 $0x400, s13  }
0x91: {  	[tilespmem:s24], [sflag:$0x2] =	stream.indirect.gather [hbm4b:s6+s21], $0x80, s7, s21, $0xb8;
	[tilespmem:$0x1FF80] =	vst v63  }
0x92: {  	p1 =	sne.s32 s13, $0xFFFFFC00;
	s7 =	sadd.s32 $0xFFFFFFF0, s1  }
0x93: {  	[tilespmem:s25], [sflag:$0x4] =	stream.linear.gather [hbm4b:s7+s5], $0x80, $0x38;
	[tilespmem:$0x1FF80] =	vst v63  }
0x94: {  	_ =	swait.ge [sflag:s26], $0x4000  }
0x95: {  	[sflag:s26] =	ssyncset.done $0x0  }
0x96: {  	[sflag:s26] =	ssyncadd.s32 $0xFFFFC000  }
0x97: {  	_ =	swait.ge [sflag:s28], $0x80  }
0x98: {  	[sflag:s28] =	ssyncset.done $0x0  }
0x99: {  	[sflag:s28] =	ssyncadd.s32 $0xFFFFFF80  }
0x9a: {  	[spmem:s3] =	stream.indirect.scatter.add.f32 [tilespmem:s22], [sflag:$0x5], $0x80, s23, s21, $0xb8;
	[tilespmem:$0x1FF80] =	vst v63  }
0x9b: {  	_ =	swait.ge [sflag:s20], $0x4000  }
0x9c: {  	[sflag:s20] =	ssyncset.done $0x0  }
0x9d: {  	[sflag:s20] =	ssyncadd.s32 $0xFFFFC000  }
0x9e: {  	[spmem:s4] =	stream.indirect.scatter.add.f32 [tilespmem:s29], [sflag:$0x5], $0x1, s23, s21, $0xb8;
	[tilespmem:$0x1FF80] =	vst v63  }
0x9f: {  	_ =	swait.ge [sflag:s20], $0x80  }
0xa0: {  	[sflag:s20] =	ssyncset.done $0x0  }
0xa1: {  	s7 =	sadd.s32 $0x1400, s11;
	[sflag:s20] =	ssyncadd.s32 $0xFFFFFF80  }
0xa2: {  	[tilespmem:s22], [sflag:$0x1] =	stream.indirect.gather [hbm4b:s6+s21], $0x80, s7, s21, $0xb8;
	[tilespmem:$0x1FF80] =	vst v63  }
0xa3: {  	_ = 	snop  }
0xa4: {  	[tilespmem:s23], [sflag:$0x3] =	stream.linear.gather [hbm4b:s1+s5], $0x80, $0x38;
	[tilespmem:$0x1FF80] =	vst v63  }
0xa5: {  	_ =	swait.ge [sflag:s30], $0x4000  }
0xa6: {  	[sflag:s30] =	ssyncset.done $0x0  }
0xa7: {  	[sflag:s30] =	ssyncadd.s32 $0xFFFFC000  }
0xa8: {  	_ =	swait.ge [sflag:s31], $0x80  }
0xa9: {  	[sflag:s31] =	ssyncset.done $0x0  }
0xaa: {  	[sflag:s31] =	ssyncadd.s32 $0xFFFFFF80  }
0xab: {  	[spmem:s3] =	stream.indirect.scatter.add.f32 [tilespmem:s24], [sflag:$0x5], $0x80, s25, s21, $0xb8;
	[tilespmem:$0x1FF80] =	vst v63  }
0xac: {  	_ =	swait.ge [sflag:s20], $0x4000  }
.Ltmp3:
0xad: {  	[sflag:s20] =	ssyncset.done $0x0;
	(pc) =	sbr.rel @p1 .LBB2_6-.Ltmp3, $4  }
0xae: {  	[sflag:s20] =	ssyncadd.s32 $0xFFFFC000  }
0xaf: {  	[spmem:s4] =	stream.indirect.scatter.add.f32 [tilespmem:s29], [sflag:$0x5], $0x1, s25, s21, $0xb8;
	[tilespmem:$0x1FF80] =	vst v63  }
0xb0: {  	s13 =	smov.u32 s10;
	_ =	swait.ge [sflag:s20], $0x80  }
0xb1: {  	s11 =	sshra.s32 s12, $0x2;
	s1 =	sadd.s32 $0x20, s1;
	[sflag:s20] =	ssyncset.done $0x0  }
.Ltmp4:
0xb2: {  	_ = 	snop;
	(pc) =	sbr.rel .LBB2_7-.Ltmp4, $1  }
0xb3: {  	_ =	sdelay $0x3  }
.LBB2_2:
0xb4: {  	s1 =	rddreg [dreg:$0x6]  }
0xb5: {  	[tilespmem:s5], [sflag:$0x5] =	stream.linear.gather [hbm4b:s1+s5], $0x3B80, $0x38;
	[tilespmem:$0x1FF80] =	vst v63  }
0xb6: {  	_ =	swait.ge [sflag:s20], $0x3B80  }
0xb7: {  	[sflag:s20] =	ssyncset.done $0x0  }
0xb8: {  	[sflag:s20] =	ssyncadd.s32 $0xFFFFC480  }
0xb9: {  	[tilespmem:s22], [sflag:$0x1] =	stream.indirect.gather [hbm4b:s6+s21], $0x80, s5, s21, $0xb8;
	[tilespmem:$0x1FF80] =	vst v63  }
0xba: {  	s10 =	rddreg [dreg:$0x7]  }
0xbb: {  	[tilespmem:s23], [sflag:$0x3] =	stream.linear.gather [hbm4b:s10+s5], $0x80, $0x38;
	[tilespmem:$0x1FF80] =	vst v63  }
0xbc: {  	s11 =	simm.s32 $0x80  }
0xbd: {  	[tilespmem:s24], [sflag:$0x2] =	stream.indirect.gather [hbm4b:s6+s21], $0x80, s11, s21, $0xb8;
	[tilespmem:$0x1FF80] =	vst v63  }
0xbe: {  	s12 =	sadd.s32 $0xFFFFFFF0, s17  }
0xbf: {  	[tilespmem:s25], [sflag:$0x4] =	stream.linear.gather [hbm4b:s12+s5], $0x80, $0x38;
	[tilespmem:$0x1FF80] =	vst v63  }
0xc0: {  	_ =	swait.ge [sflag:s26], $0x4000  }
0xc1: {  	[sflag:s26] =	ssyncset.done $0x0  }
0xc2: {  	[sflag:s26] =	ssyncadd.s32 $0xFFFFC000  }
0xc3: {  	_ =	swait.ge [sflag:s28], $0x80  }
0xc4: {  	[sflag:s28] =	ssyncset.done $0x0  }
0xc5: {  	[sflag:s28] =	ssyncadd.s32 $0xFFFFFF80  }
0xc6: {  	[spmem:s3] =	stream.indirect.scatter.add.f32 [tilespmem:s22], [sflag:$0x5], $0x80, s23, s21, $0xb8;
	[tilespmem:$0x1FF80] =	vst v63  }
0xc7: {  	_ =	swait.ge [sflag:s20], $0x4000  }
0xc8: {  	[sflag:s20] =	ssyncset.done $0x0  }
0xc9: {  	[sflag:s20] =	ssyncadd.s32 $0xFFFFC000  }
0xca: {  	[spmem:s4] =	stream.indirect.scatter.add.f32 [tilespmem:s29], [sflag:$0x5], $0x1, s23, s21, $0xb8;
	[tilespmem:$0x1FF80] =	vst v63  }
0xcb: {  	_ =	swait.ge [sflag:s20], $0x80  }
0xcc: {  	[sflag:s20] =	ssyncset.done $0x0  }
0xcd: {  	s13 =	simm.s32 $0x100;
	[sflag:s20] =	ssyncadd.s32 $0xFFFFFF80  }
0xce: {  	[tilespmem:s22], [sflag:$0x1] =	stream.indirect.gather [hbm4b:s6+s21], $0x80, s13, s21, $0xb8;
	[tilespmem:$0x1FF80] =	vst v63  }
0xcf: {  	_ = 	snop  }
0xd0: {  	[tilespmem:s23], [sflag:$0x3] =	stream.linear.gather [hbm4b:s17+s5], $0x80, $0x38;
	[tilespmem:$0x1FF80] =	vst v63  }
0xd1: {  	_ =	swait.ge [sflag:s30], $0x4000  }
0xd2: {  	[sflag:s30] =	ssyncset.done $0x0  }
0xd3: {  	[sflag:s30] =	ssyncadd.s32 $0xFFFFC000  }
0xd4: {  	_ =	swait.ge [sflag:s31], $0x80  }
0xd5: {  	[sflag:s31] =	ssyncset.done $0x0  }
0xd6: {  	[sflag:s31] =	ssyncadd.s32 $0xFFFFFF80  }
0xd7: {  	[spmem:s3] =	stream.indirect.scatter.add.f32 [tilespmem:s24], [sflag:$0x5], $0x80, s25, s21, $0xb8;
	[tilespmem:$0x1FF80] =	vst v63  }
0xd8: {  	_ =	swait.ge [sflag:s20], $0x4000  }
0xd9: {  	[sflag:s20] =	ssyncset.done $0x0  }
0xda: {  	[sflag:s20] =	ssyncadd.s32 $0xFFFFC000  }
0xdb: {  	[spmem:s4] =	stream.indirect.scatter.add.f32 [tilespmem:s29], [sflag:$0x5], $0x1, s25, s21, $0xb8;
	[tilespmem:$0x1FF80] =	vst v63  }
0xdc: {  	s1 =	sadd.s32 $0x20, s17;
	_ =	swait.ge [sflag:s20], $0x80  }
0xdd: {  	s10 =	simm.s32 $0xFFFF1C00;
	s11 =	simm.s32 $0xFFFFC600;
	[sflag:s20] =	ssyncset.done $0x0  }
.LBB2_3:
0xde: {  	s7 =	sadd.s32 $0x3B80, s11  }
0xdf: {  	[sflag:s20] =	ssyncadd.s32 $0xFFFFFF80;
	s12 =	smov.u32 s10;
	s13 =	sadd.s32 $0x400, s10  }
0xe0: {  	[tilespmem:s24], [sflag:$0x2] =	stream.indirect.gather [hbm4b:s6+s21], $0x80, s7, s21, $0xb8;
	[tilespmem:$0x1FF80] =	vst v63  }
0xe1: {  	p1 =	seq.s32 s10, $0xFFFFFC00;
	s7 =	sadd.s32 $0xFFFFFFF0, s1  }
0xe2: {  	[tilespmem:s25], [sflag:$0x4] =	stream.linear.gather [hbm4b:s7+s5], $0x80, $0x38;
	[tilespmem:$0x1FF80] =	vst v63  }
0xe3: {  	_ =	swait.ge [sflag:s26], $0x4000  }
0xe4: {  	[sflag:s26] =	ssyncset.done $0x0  }
0xe5: {  	[sflag:s26] =	ssyncadd.s32 $0xFFFFC000  }
0xe6: {  	_ =	swait.ge [sflag:s28], $0x80  }
0xe7: {  	[sflag:s28] =	ssyncset.done $0x0  }
0xe8: {  	[sflag:s28] =	ssyncadd.s32 $0xFFFFFF80  }
0xe9: {  	[spmem:s3] =	stream.indirect.scatter.add.f32 [tilespmem:s22], [sflag:$0x5], $0x80, s23, s21, $0xb8;
	[tilespmem:$0x1FF80] =	vst v63  }
0xea: {  	_ =	swait.ge [sflag:s20], $0x4000  }
0xeb: {  	[sflag:s20] =	ssyncset.done $0x0  }
0xec: {  	[sflag:s20] =	ssyncadd.s32 $0xFFFFC000  }
0xed: {  	[spmem:s4] =	stream.indirect.scatter.add.f32 [tilespmem:s29], [sflag:$0x5], $0x1, s23, s21, $0xb8;
	[tilespmem:$0x1FF80] =	vst v63  }
0xee: {  	_ =	swait.ge [sflag:s20], $0x80  }
0xef: {  	[sflag:s20] =	ssyncset.done $0x0  }
0xf0: {  	s7 =	sadd.s32 $0x3C00, s11;
	[sflag:s20] =	ssyncadd.s32 $0xFFFFFF80  }
0xf1: {  	[tilespmem:s22], [sflag:$0x1] =	stream.indirect.gather [hbm4b:s6+s21], $0x80, s7, s21, $0xb8;
	[tilespmem:$0x1FF80] =	vst v63  }
0xf2: {  	_ = 	snop  }
0xf3: {  	[tilespmem:s23], [sflag:$0x3] =	stream.linear.gather [hbm4b:s1+s5], $0x80, $0x38;
	[tilespmem:$0x1FF80] =	vst v63  }
0xf4: {  	_ =	swait.ge [sflag:s30], $0x4000  }
0xf5: {  	[sflag:s30] =	ssyncset.done $0x0  }
0xf6: {  	[sflag:s30] =	ssyncadd.s32 $0xFFFFC000  }
0xf7: {  	_ =	swait.ge [sflag:s31], $0x80  }
0xf8: {  	[sflag:s31] =	ssyncset.done $0x0  }
0xf9: {  	[sflag:s31] =	ssyncadd.s32 $0xFFFFFF80  }
0xfa: {  	[spmem:s3] =	stream.indirect.scatter.add.f32 [tilespmem:s24], [sflag:$0x5], $0x80, s25, s21, $0xb8;
	[tilespmem:$0x1FF80] =	vst v63  }
0xfb: {  	_ =	swait.ge [sflag:s20], $0x4000  }
.Ltmp5:
0xfc: {  	[sflag:s20] =	ssyncset.done $0x0;
	(pc) =	sbr.rel @!p1 .LBB2_3-.Ltmp5, $4  }
0xfd: {  	[sflag:s20] =	ssyncadd.s32 $0xFFFFC000  }
0xfe: {  	[spmem:s4] =	stream.indirect.scatter.add.f32 [tilespmem:s29], [sflag:$0x5], $0x1, s25, s21, $0xb8;
	[tilespmem:$0x1FF80] =	vst v63  }
0xff: {  	s10 =	smov.u32 s13;
	_ =	swait.ge [sflag:s20], $0x80  }
0x100: {  	s11 =	sshra.s32 s12, $0x2;
	s1 =	sadd.s32 $0x20, s1;
	[sflag:s20] =	ssyncset.done $0x0  }
0x101: {  	s7 =	sadd.s32 $0x3B80, s11;
	[sflag:s20] =	ssyncadd.s32 $0xFFFFFF80  }
0x102: {  	[tilespmem:s24], [sflag:$0x2] =	stream.indirect.gather [hbm4b:s6+s21], $0x80, s7, s21, $0xb8;
	[tilespmem:$0x1FF80] =	vst v63  }
0x103: {  	s12 =	sadd.s32 $0xFFFFFFF0, s1  }
0x104: {  	[tilespmem:s25], [sflag:$0x4] =	stream.linear.gather [hbm4b:s12+s5], $0x80, $0x38;
	[tilespmem:$0x1FF80] =	vst v63  }
0x105: {  	_ =	swait.ge [sflag:s26], $0x4000  }
0x106: {  	[sflag:s26] =	ssyncset.done $0x0  }
0x107: {  	[sflag:s26] =	ssyncadd.s32 $0xFFFFC000  }
0x108: {  	_ =	swait.ge [sflag:s28], $0x80  }
0x109: {  	[sflag:s28] =	ssyncset.done $0x0  }
0x10a: {  	[sflag:s28] =	ssyncadd.s32 $0xFFFFFF80  }
0x10b: {  	[spmem:s3] =	stream.indirect.scatter.add.f32 [tilespmem:s22], [sflag:$0x5], $0x80, s23, s21, $0xb8;
	[tilespmem:$0x1FF80] =	vst v63  }
0x10c: {  	_ =	swait.ge [sflag:s20], $0x4000  }
0x10d: {  	[sflag:s20] =	ssyncset.done $0x0  }
0x10e: {  	[sflag:s20] =	ssyncadd.s32 $0xFFFFC000  }
0x10f: {  	[spmem:s4] =	stream.indirect.scatter.add.f32 [tilespmem:s29], [sflag:$0x5], $0x1, s23, s21, $0xb8;
	[tilespmem:$0x1FF80] =	vst v63  }
0x110: {  	_ =	swait.ge [sflag:s20], $0x80  }
0x111: {  	[sflag:s20] =	ssyncset.done $0x0  }
0x112: {  	s13 =	sadd.s32 $0x3C00, s11;
	[sflag:s20] =	ssyncadd.s32 $0xFFFFFF80  }
0x113: {  	[tilespmem:s22], [sflag:$0x1] =	stream.indirect.gather [hbm4b:s6+s21], $0x80, s13, s21, $0xb8;
	[tilespmem:$0x1FF80] =	vst v63  }
0x114: {  	_ = 	snop  }
0x115: {  	[tilespmem:s23], [sflag:$0x3] =	stream.linear.gather [hbm4b:s1+s5], $0x80, $0x38;
	[tilespmem:$0x1FF80] =	vst v63  }
0x116: {  	_ =	swait.ge [sflag:s30], $0x4000  }
0x117: {  	[sflag:s30] =	ssyncset.done $0x0  }
0x118: {  	[sflag:s30] =	ssyncadd.s32 $0xFFFFC000  }
0x119: {  	_ =	swait.ge [sflag:s31], $0x80  }
0x11a: {  	[sflag:s31] =	ssyncset.done $0x0  }
0x11b: {  	[sflag:s31] =	ssyncadd.s32 $0xFFFFFF80  }
0x11c: {  	[spmem:s3] =	stream.indirect.scatter.add.f32 [tilespmem:s24], [sflag:$0x5], $0x80, s25, s21, $0xb8;
	[tilespmem:$0x1FF80] =	vst v63  }
0x11d: {  	_ =	swait.ge [sflag:s20], $0x4000  }
0x11e: {  	[sflag:s20] =	ssyncset.done $0x0  }
.Ltmp6:
0x11f: {  	[sflag:s20] =	ssyncadd.s32 $0xFFFFC000;
	(pc) =	sbr.rel .LBB2_8-.Ltmp6, $4  }
0x120: {  	[spmem:s4] =	stream.indirect.scatter.add.f32 [tilespmem:s29], [sflag:$0x5], $0x1, s25, s21, $0xb8;
	[tilespmem:$0x1FF80] =	vst v63  }
0x121: {  	_ =	swait.ge [sflag:s20], $0x80  }
0x122: {  	[sflag:s20] =	ssyncset.done $0x0  }
0x123: {  	[sflag:s20] =	ssyncadd.s32 $0xFFFFFF80  }
.LBB2_9:
0x124: {  	_ =	sfence.sel $0x180000  }
0x125: {  	[bflag:$0x0] =	sbarrier.arrive $0xFFFF  }
0x126: {  	_ =	strace $0x90000047  }
0x127: {  	s0 =	stileid.u32;
	[bflag:$0x2] =	sbarrier.arrive $0xFFFF  }
0x128: {  	p0 =	sne.s32 s0, $0x0;
	s0 =	rddreg [dreg:$0x4]  }
0x129: {  	s0 =	sadd.s32 @!p0 $0x100000, s0  }
0x12a: {  	[sflag:s0] =	ssyncadd.tile.s32 @!p0 $0x1;
	_ =	shalt  }
.Lfunc_end2:
_tile_overlayer_lowered:
.L_overlay_start_2:
0x12b: {  	(tag) =	ssettag $0x2  }
0x12c: {  	s0 =	rddreg [dreg:$0x0];
	s2 =	stileid.u32  }
0x12d: {  	s1 =	rddreg [dreg:$0x1];
	p0 =	sne.s32 s2, $0x0  }
0x12e: {  	s3 =	rddreg [dreg:$0x2];
	[bflag:$0x3] =	sbarrier.arrive $0xFFFF;
	s2 =	simm.s32 @!p0 $0x1C05  }
0x12f: {  	[timem:s3], [sflag:s2] =	dma.local @!p0 [hbm:s0], s1  }
0x130: {  	s0 =	simm.s32 @!p0 $0x5  }
0x131: {  	_ =	swait.ge @!p0 [sflag:s0], s1  }
0x132: {  	s1 =	ssub.s32 @!p0 $0x0, s1;
	[sflag:s0] =	ssyncset.done @!p0 $0x0  }
0x133: {  	[sflag:s0] =	ssyncadd.s32 @!p0 s1  }
0x134: {  	[bflag:$0x3] =	sbarrier.arrive $0xFFFF  }
0x135: {  	_ =	shalt  }

// kernel: kernel.13.cloned.1.call-start
scs
__scs_entry_jumppad:
0x0: {  	(pc) =	sbr.rel $0x88, $3  }
0x1: {  	(tag) =	ssettag $0x0;
	lr =	simm.s32 $0x1  }
0x2: {  	[smem:$0x3F8E] =	sst lr;
	_ =	strace $0xD0000000  }
0x3: {  	_ = 	snop  }
0x4: {  	_ = 	snop  }
0x5: {  	_ = 	snop  }
0x6: {  	_ = 	snop  }
0x7: {  	_ = 	snop  }
__scs_overlays_trampoline_lowered:
0x8: {  	[smem:$0x3F9D] =	sst s0  }
0x9: {  	[smem:$0x3F9E] =	sst s1  }
0xa: {  	[smem:$0x3F9F] =	sst s2  }
0xb: {  	[smem:$0x3FA0] =	sst s3  }
0xc: {  	[smem:$0x3FA1] =	sst s4  }
0xd: {  	[smem:$0x3FA2] =	sst s5  }
0xe: {  	[smem:$0x3FA3] =	sst s6  }
0xf: {  	[smem:$0x3FA4] =	sst s7  }
0x10: {  	[smem:$0x3FA5] =	sst s8  }
0x11: {  	[smem:$0x3FA6] =	sst s9;
	s0 =	simm.s32 @!p0 $0x0  }
0x12: {  	s1 =	sld [smem:$0x3F8C];
	s0 =	simm.s32 @p0 $0x1  }
0x13: {  	[smem:$0x3FA7] =	sst s0;
	s0 =	simm.s32 @!p1 $0x0  }
0x14: {  	s2 =	sld [smem:$0x3F8B];
	s0 =	simm.s32 @p1 $0x1  }
0x15: {  	[smem:$0x3FA8] =	sst s0;
	s0 =	simm.s32 @!p2 $0x0  }
0x16: {  	s3 =	sld [smem:$0x3FDB];
	s0 =	simm.s32 @p2 $0x1  }
0x17: {  	s4 =	simm.s32 $0x1BF5;
	[smem:$0x3FAA] =	sst s0  }
0x18: {  	s0 =	sld [smem:$0x3F8D];
	_ =	swait.ge [sflag:s4], $0x0  }
0x19: {  	s7 =	sld [smem:$0x3F8E]  }
0x1a: {  	s8 =	sadd.s32 $0xFFFFE003, lr  }
0x1b: {  	s9 =	sadd.s32 $0xFFFFFEF7, lr;
	s5 =	simm.s32 $0xFFFFFFFF;
	p2 =	slt.u32 s8, $0xFFFFF086  }
0x1c: {  	p1 =	slt.u32 s9, $0xF7A;
	s5 =	simm.s32 @!p2 $0x0  }
0x1d: {  	s5 =	simm.s32 @p1 $0x1;
	p0 =	seq.s32 s7, s2  }
0x1e: {  	s7 =	smul.u32 @!p0 $0xF7A, s2;
	p2 =	seq.s32 @!p0 s5, $0x0  }
0x1f: {  	s9 =	smul.u32 $0xF7A, s1;
	s8 =	simm.s32 @!p0 $0x1BF5;
	p2 =	por !p2, p0  }
0x20: {  	[sflag:s8] =	ssyncset.s32 @!p0 $0xFFFFF086;
	s6 =	sadd.s32 @!p0 s3, s7;
	s7 =	simm.s32 @!p0 $0x108  }
0x21: {  	s3 =	sadd.s32 s3, s9;
	s6 =	sadd.s32 @!p0 $0x88, s6;
	s7 =	simm.s32 @p2 $0x1082  }
0x22: {  	[simem:s7], [sflag:s8] =	dma.local @!p0 [hbm:s6], $0xF7A  }
0x23: {  	s9 =	sor.u32 $0xD0000000, s2;
	s6 =	simm.s32 $0x108;
	_ =	swait.ge @!p0 [sflag:s8], $0x0  }
0x24: {  	s3 =	sadd.s32 $0x88, s3;
	s6 =	simm.s32 @!p1 $0x1082;
	[sflag:s4] =	ssyncset.s32 $0xFFFFF086  }
0x25: {  	[simem:s6], [sflag:s4] =	dma.local [hbm:s3], $0xF7A  }
0x26: {  	[smem:$0x3F8E] =	sst s1;
	(tag) =	ssettag s2;
	_ =	strace s9  }
0x27: {  	s1 =	sld [smem:$0x3F9E]  }
0x28: {  	s2 =	sld [smem:$0x3F9F]  }
0x29: {  	s4 =	sld [smem:$0x3FA1]  }
0x2a: {  	p0 =	seq.s32 s5, $0x0;
	s5 =	sld [smem:$0x3FA2]  }
0x2b: {  	s6 =	sld [smem:$0x3FA3]  }
0x2c: {  	s7 =	sld [smem:$0x3FA4]  }
0x2d: {  	s3 =	simm.s32 $0x108;
	s8 =	sld [smem:$0x3FA5]  }
0x2e: {  	s3 =	simm.s32 @!p0 $0x1082;
	s9 =	sld [smem:$0x3FA6]  }
0x2f: {  	lr =	sadd.s32 s0, s3;
	s0 =	sld [smem:$0x3F9D]  }
0x30: {  	s3 =	sld [smem:$0x3FA0]  }
0x31: {  	[smem:$0x3FA9] =	sst s10  }
0x32: {  	s10 =	sld [smem:$0x3FA7];
	_ =	sdelay $0x3  }
0x33: {  	p0 =	seq.s32 s10, $0x1;
	s10 =	sld [smem:$0x3FA9];
	_ =	sdelay $0x3  }
0x34: {  	[smem:$0x3FA9] =	sst s10  }
0x35: {  	s10 =	sld [smem:$0x3FA8];
	_ =	sdelay $0x3  }
0x36: {  	p1 =	seq.s32 s10, $0x1;
	s10 =	sld [smem:$0x3FA9];
	_ =	sdelay $0x3  }
0x37: {  	[smem:$0x3FA9] =	sst s10  }
0x38: {  	s10 =	sld [smem:$0x3FAA]  }
0x39: {  	_ = 	snop;
	(pc) =	sbr.ind lr, $3  }
0x3a: {  	_ = 	snop  }
0x3b: {  	_ = 	snop  }
0x3c: {  	p2 =	seq.s32 s10, $0x1;
	s10 =	sld [smem:$0x3FA9]  }
0x3d: {  	_ =	shalt  }
0x3e: {  	_ =	shalt  }
0x3f: {  	_ =	shalt  }
0x40: {  	_ =	shalt  }
0x41: {  	_ =	shalt  }
0x42: {  	_ =	shalt  }
0x43: {  	_ =	shalt  }
0x44: {  	_ =	shalt  }
0x45: {  	_ =	shalt  }
0x46: {  	_ =	shalt  }
0x47: {  	_ =	shalt  }
0x48: {  	_ =	shalt  }
0x49: {  	_ =	shalt  }
0x4a: {  	_ =	shalt  }
0x4b: {  	_ =	shalt  }
0x4c: {  	_ =	shalt  }
0x4d: {  	_ =	shalt  }
0x4e: {  	_ =	shalt  }
0x4f: {  	_ =	shalt  }
0x50: {  	_ =	shalt  }
0x51: {  	_ =	shalt  }
0x52: {  	_ =	shalt  }
0x53: {  	_ =	shalt  }
0x54: {  	_ =	shalt  }
0x55: {  	_ =	shalt  }
0x56: {  	_ =	shalt  }
0x57: {  	_ =	shalt  }
0x58: {  	_ =	shalt  }
0x59: {  	_ =	shalt  }
0x5a: {  	_ =	shalt  }
0x5b: {  	_ =	shalt  }
0x5c: {  	_ =	shalt  }
0x5d: {  	_ =	shalt  }
0x5e: {  	_ =	shalt  }
0x5f: {  	_ =	shalt  }
0x60: {  	_ =	shalt  }
0x61: {  	_ =	shalt  }
0x62: {  	_ =	shalt  }
0x63: {  	_ =	shalt  }
0x64: {  	_ =	shalt  }
0x65: {  	_ =	shalt  }
0x66: {  	_ =	shalt  }
0x67: {  	_ =	shalt  }
0x68: {  	_ =	shalt  }
0x69: {  	_ =	shalt  }
0x6a: {  	_ =	shalt  }
0x6b: {  	_ =	shalt  }
0x6c: {  	_ =	shalt  }
0x6d: {  	_ =	shalt  }
0x6e: {  	_ =	shalt  }
0x6f: {  	_ =	shalt  }
0x70: {  	_ =	shalt  }
0x71: {  	_ =	shalt  }
0x72: {  	_ =	shalt  }
0x73: {  	_ =	shalt  }
0x74: {  	_ =	shalt  }
0x75: {  	_ =	shalt  }
0x76: {  	_ =	shalt  }
0x77: {  	_ =	shalt  }
0x78: {  	_ =	shalt  }
0x79: {  	_ =	shalt  }
0x7a: {  	_ =	shalt  }
0x7b: {  	_ =	shalt  }
0x7c: {  	_ =	shalt  }
0x7d: {  	_ =	shalt  }
0x7e: {  	_ =	shalt  }
0x7f: {  	_ =	shalt  }
0x80: {  	_ =	shalt  }
0x81: {  	_ =	shalt  }
0x82: {  	_ =	shalt  }
0x83: {  	_ =	shalt  }
0x84: {  	_ =	shalt  }
0x85: {  	_ =	shalt  }
0x86: {  	_ =	shalt  }
0x87: {  	_ =	shalt  }
.Lfunc_end0:
.L_simem_size_0:
called_computation.1_lowered:
.L_overlay_start_0:
0x88: {  	s2 =	sld [smem:$0x3FD9]  }
0x89: {  	s3 =	sld [smem:$0x3FFE];
	_ =	sdelay $0x1  }
0x8a: {  	s1 =	srdreg.scid  }
0x8b: {  	s0 =	sand.u32 $0x1, s1  }
0x8c: {  	s16 =	sshll.u32 s0, $0xA;
	s2 =	sadd.s32 s3, s2  }
0x8d: {  	s2 =	sadd.s32 s2, s16  }
0x8e: {  	[smem:$0x3FB5] =	sst s2  }
0x8f: {  	_ = 	snop  }
0x90: {  	(tm) =	ssettm $0x1  }
0x91: {  	s17 =	sld [smem:$0x3FFB];
	_ =	sdelay $0x3  }
0x92: {  	_ =	strace s17  }
0x93: {  	s2 =	sld [smem:$0x3FFC];
	_ =	sdelay $0x3  }
0x94: {  	_ =	strace s2  }
0x95: {  	s2 =	sld [smem:$0x3FFD];
	_ =	sdelay $0x3  }
0x96: {  	_ =	strace s2  }
0x97: {  	_ =	strace $0x8FFFFFFF  }
0x98: {  	s18 =	sld [smem:$0x3FDB];
	_ =	sdelay $0x1  }
0x99: {  	s19 =	simm.s32 $_scs_section_size  }
0x9a: {  	s4 =	simm.s32 $_size__tile_overlayer_lowered;
	s5 =	simm.s32 $_tile_overlayer_lowered  }
0x9b: {  	s22 =	simm.s32 $0x1BFF;
	s21 =	sshll.u32 s5, $0x1;
	s2 =	sadd.s32 s19, s18  }
0x9c: {  	s6 =	simm.s32 $0x0;
	s20 =	sshll.u32 s4, $0x1;
	s4 =	sadd.s32 s21, s2  }
0x9d: {  	[timem:s6], [sflag:s22] =	dma.local [hbm:s4], s20  }
0x9e: {  	_ =	swait.ge [sflag:s22], s20  }
0x9f: {  	s3 =	ssub.s32 $0x0, s20;
	[sflag:s22] =	ssyncset.done $0x0  }
0xa0: {  	[sflag:s22] =	ssyncadd.s32 s3;
	_ =	sdelay $0x1  }
0xa1: {  	s23 =	simm.s32 $0x1B8B  }
0xa2: {  	_ =	swait.ge [sflag:s23], $0x1  }
0xa3: {  	[sflag:s23] =	ssyncset.done $0x0  }
0xa4: {  	s25 =	simm.s32 $0x1B8E;
	s24 =	sld [smem:$0x3FFE];
	[sflag:s23] =	ssyncadd.s32 $0xFFFFFFFF  }
0xa5: {  	s26 =	simm.s32 $execute0_lowered;
	[smem:$0x3FD2] =	sst s25  }
0xa6: {  	s4 =	sshll.u32 s26, $0x1;
	_ =	strace $0x80000049;
	[dreg:$0x1] =	wrdreg $0xFFFFFFFF  }
0xa7: {  	s28 =	simm.s32 $_size_execute0_lowered;
	s2 =	sadd.s32 s2, s4;
	[dreg:$0x0] =	wrdreg $0x0  }
0xa8: {  	s4 =	sshll.u32 s28, $0x1;
	[dreg:$0x2] =	wrdreg s2  }
0xa9: {  	[dreg:$0x3] =	wrdreg s4  }
0xaa: {  	[dreg:$0x4] =	wrdreg $0xC0  }
0xab: {  	_ =	task [dreg:s6], $0x5FFFF  }
0xac: {  	[dreg:$0x1] =	wrdreg $0xFFFFFFFF  }
0xad: {  	[dreg:$0x0] =	wrdreg $0x60  }
0xae: {  	[dreg:$0x2] =	wrdreg s24  }
0xaf: {  	[dreg:$0x3] =	wrdreg $0xBC800  }
0xb0: {  	[dreg:$0x4] =	wrdreg $0x9  }
0xb1: {  	_ =	task.clear_ibuf [dreg:s6], $0x5FFFF;
	_ =	strace $0x90000049  }
0xb2: {  	s29 =	simm.s32 $0x9;
	_ =	strace $0x8000004B  }
0xb3: {  	_ =	swait.ge [sflag:s29], $0x1  }
0xb4: {  	[sflag:s29] =	ssyncadd.s32 $0xFFFFFFFF  }
0xb5: {  	_ =	strace $0x9000004B  }
0xb6: {  	_ =	sfence  }
0xb7: {  	s30 =	sld [smem:$0x0];
	_ =	sdelay $0x2  }
0xb8: {  	s31 =	sshll.u32 s1, $0xD;
	s1 =	sshrl.u32 s1, $0x2  }
0xb9: {  	s3 =	sand.u32 $0x4000, s31;
	s1 =	sadd.s32 s1, s30  }
0xba: {  	s0 =	sor.u32 s3, s0;
	s1 =	sshll.u32 s1, $0x11  }
0xbb: {  	s0 =	sor.u32 s1, s0  }
0xbc: {  	s0 =	sadd.s32 $0x8F2B, s0  }
0xbd: {  	[sflag:s0] =	ssyncadd.remote.s32 $0x1  }
0xbe: {  	_ =	sfence.sel $0xFFFF  }
0xbf: {  	[dreg:$0x0] =	wrdreg $0xFFFFFFFF;
	(pc) =	sbr.abs _section_cstart, $3  }
0xc0: {  	[dreg:$0x1] =	wrdreg $0xFFFFFFFF  }
0xc1: {  	_ =	task.clear_ibuf [dreg:s6], $0x2FFFF;
	_ =	strace $0x9FFFFFFF  }
0xc2: {  	(tm) =	ssettm $0x7FFFFFFF  }
0xc3: {  	_ =	shalt  }
tec
execute0_lowered:
.L_overlay_start_1:
0x0: {  	(tag) =	ssettag $0x1  }
0x1: {  	s6 =	rddreg [dreg:$0x0]  }
0x2: {  	s1 =	rddreg [dreg:$0x1];
	s3 =	simm.s32 $0x0;
	s4 =	srdreg.scid  }
0x3: {  	s0 =	stileid.u32;
	s18 =	simm.s32 $0x3C80;
	s19 =	simm.s32 $0x3B80  }
0x4: {  	s20 =	simm.s32 $0x7C80;
	s21 =	simm.s32 $0x3C00;
	s8 =	smul.u32 $0x2800, s0  }
0x5: {  	s22 =	simm.s32 $0x1;
	[smem:$0x7FF] =	sst s3;
	s13 =	smul.u32 $0x50000, s0  }
0x6: {  	s7 =	sand.u32 $0x1, s4;
	s4 =	sadd.s32 $0x18600, s6;
	s24 =	smul.u32 $0x3B80, s0  }
0x7: {  	s9 =	sadd.s32 $0xE800, s6;
	s12 =	sadd.s32 $0x4A00, s6;
	s28 =	smul.u32 $0x1380, s0  }
0x8: {  	s5 =	sadd.s32 $0x40600, s6;
	s26 =	sshll.u32 s0, $0x6;
	s30 =	smul.u32 $0x770, s0  }
0x9: {  	s17 =	smul.u32 $0x270, s0;
	_ =	strace $0x8000004A;
	s11 =	ssub.s32 $0x2, s7  }
0xa: {  	s10 =	smul.u32 $0x28000, s7;
	p0 =	seq.s32 s7, $0x1;
	s23 =	sshrl.u32 s11, $0x1  }
0xb: {  	s25 =	sshrl.u32 s13, $0x2;
	s29 =	sshrl.u32 s28, $0x3;
	s13 =	sadd.s32 s30, s12  }
0xc: {  	s31 =	sadd.s32 s17, s12;
	s17 =	simm.s32 $0x80;
	s8 =	sadd.s32 s8, s10  }
0xd: {  	s15 =	ssub.s32 s11, s23;
	s16 =	sadd.s32 s25, s1;
	s10 =	sadd.s32 $0x7700, s29  }
0xe: {  	s13 =	sadd.s32 $0x20, s13;
	s23 =	simm.s32 $0x3;
	s25 =	simm.s32 $0x4  }
.Ltmp0:
0xf: {  	s14 =	sadd.s32 s8, s6;
	s6 =	sor.u32 $0x1C05, s26;
	(pc) =	sbr.rel .LBB2_1-.Ltmp0, $4  }
0x10: {  	s8 =	sshrl.u32 s24, $0x3;
	s24 =	simm.s32 $0x2;
	s26 =	simm.s32 $0x0  }
0x11: {  	s7 =	sadd.s32 s9, s8;
	s8 =	sadd.s32 s12, s8;
	s9 =	sadd.s32 s9, s10  }
0x12: {  	s10 =	sadd.s32 s12, s10;
	s11 =	sadd.s32 $0x6AE00, s14;
	s12 =	smax.u32 s15, $0x1  }
0x13: {  	s14 =	sadd.s32 $0x7720, s31;
	s15 =	sshrl.u32 s16, $0x3;
	s16 =	simm.s32 $0x5  }
.LBB2_7:
0x14: {  	s0 =	sadd.s32 $0x1380, s29;
	[sflag:s16] =	ssyncadd.s32 $0xFFFFC000  }
0x15: {  	[tilespmem:s20], [sflag:$0x2] =	stream.indirect.gather [hbm4b:s4+s17], $0x80, s0, s17, $0xb8;
	[tilespmem:$0x1FC80] =	vst v63  }
0x16: {  	s30 =	sadd.s32 $0xFFFFFFF0, s28  }
0x17: {  	[tilespmem:s21], [sflag:$0x4] =	stream.linear.gather [hbm4b:s30+s3], $0x80, $0x38;
	[tilespmem:$0x1FC80] =	vst v63  }
0x18: {  	_ =	swait.ge [sflag:s22], $0x4000  }
0x19: {  	[sflag:s22] =	ssyncset.done $0x0  }
0x1a: {  	[sflag:s22] =	ssyncadd.s32 $0xFFFFC000  }
0x1b: {  	_ =	swait.ge [sflag:s23], $0x80  }
0x1c: {  	[sflag:s23] =	ssyncset.done $0x0  }
0x1d: {  	[sflag:s23] =	ssyncadd.s32 $0xFFFFFF80  }
0x1e: {  	[spmem:s1] =	stream.indirect.scatter.add.f32 [tilespmem:s18], [sflag:$0x5], $0x80, s19, s17, $0xb8;
	[tilespmem:$0x1FC80] =	vst v63  }
0x1f: {  	_ =	swait.ge [sflag:s16], $0x4000  }
0x20: {  	[sflag:s16] =	ssyncset.done $0x0  }
0x21: {  	s31 =	sadd.s32 $0x1400, s29;
	[sflag:s16] =	ssyncadd.s32 $0xFFFFC000  }
0x22: {  	[tilespmem:s18], [sflag:$0x1] =	stream.indirect.gather [hbm4b:s4+s17], $0x80, s31, s17, $0xb8;
	[tilespmem:$0x1FC80] =	vst v63  }
0x23: {  	_ = 	snop  }
0x24: {  	[tilespmem:s19], [sflag:$0x3] =	stream.linear.gather [hbm4b:s28+s3], $0x80, $0x38;
	[tilespmem:$0x1FC80] =	vst v63  }
0x25: {  	_ =	swait.ge [sflag:s24], $0x4000  }
0x26: {  	[sflag:s24] =	ssyncset.done $0x0  }
0x27: {  	[sflag:s24] =	ssyncadd.s32 $0xFFFFC000  }
0x28: {  	_ =	swait.ge [sflag:s25], $0x80  }
0x29: {  	[sflag:s25] =	ssyncset.done $0x0  }
0x2a: {  	[sflag:s25] =	ssyncadd.s32 $0xFFFFFF80  }
0x2b: {  	[spmem:s1] =	stream.indirect.scatter.add.f32 [tilespmem:s20], [sflag:$0x5], $0x80, s21, s17, $0xb8;
	[tilespmem:$0x1FC80] =	vst v63  }
0x2c: {  	_ =	swait.ge [sflag:s16], $0x4000  }
0x2d: {  	[sflag:s16] =	ssyncset.done $0x0  }
0x2e: {  	[sflag:s16] =	ssyncadd.s32 $0xFFFFC000  }
.LBB2_8:
0x2f: {  	_ =	swait.ge [sflag:s22], $0x4000  }
0x30: {  	[sflag:s22] =	ssyncset.done $0x0  }
0x31: {  	[sflag:s22] =	ssyncadd.s32 $0xFFFFC000  }
0x32: {  	_ =	swait.ge [sflag:s23], $0x80  }
0x33: {  	[sflag:s23] =	ssyncset.done $0x0  }
0x34: {  	[sflag:s23] =	ssyncadd.s32 $0xFFFFFF80  }
0x35: {  	[spmem:s1] =	stream.indirect.scatter.add.f32 [tilespmem:s18], [sflag:$0x5], $0x80, s19, s17, $0xb8;
	[tilespmem:$0x1FC80] =	vst v63  }
0x36: {  	_ =	swait.ge [sflag:s16], $0x4000  }
0x37: {  	s26 =	sadd.s32 $0x1, s26;
	[sflag:s16] =	ssyncset.done $0x0  }
0x38: {  	p1 =	sne.s32 s26, s12;
	[sflag:s16] =	ssyncadd.s32 $0xFFFFC000  }
.Ltmp1:
0x39: {  	[bflag:$0x0] =	sbarrier.arrive $0xFFFF;
	(pc) =	sbr.rel @!p1 .LBB2_9-.Ltmp1, $4  }
0x3a: {  	[hbm:s11], [sflag:s6] =	dma.local [spmem:s15], $0x2800  }
0x3b: {  	_ =	swait.ge [sflag:s16], $0x2800  }
0x3c: {  	[sflag:s16] =	ssyncset.done $0x0  }
0x3d: {  	[sflag:s16] =	ssyncadd.s32 $0xFFFFD800  }
.LBB2_1:
0x3e: {  	[spmem:s15], [sflag:s6] =	dma.local [hbm:s5], $0x2800  }
.Ltmp2:
0x3f: {  	_ =	swait.ge [sflag:s16], $0x2800;
	(pc) =	sbr.rel @!p0 .LBB2_2-.Ltmp2, $3  }
0x40: {  	[sflag:s16] =	ssyncset.done $0x0  }
0x41: {  	[sflag:s16] =	ssyncadd.s32 $0xFFFFD800  }
0x42: {  	[bflag:$0x0] =	sbarrier.arrive $0xFFFF;
	_ =	sdelay $0x1  }
0x43: {  	[tilespmem:s3], [sflag:$0x5] =	stream.linear.gather [hbm4b:s9+s3], $0x1380, $0x38;
	[tilespmem:$0x1FC80] =	vst v63  }
0x44: {  	_ =	swait.ge [sflag:s16], $0x1380  }
0x45: {  	[sflag:s16] =	ssyncset.done $0x0  }
0x46: {  	[sflag:s16] =	ssyncadd.s32 $0xFFFFEC80  }
0x47: {  	[tilespmem:s18], [sflag:$0x1] =	stream.indirect.gather [hbm4b:s4+s17], $0x80, s3, s17, $0xb8;
	[tilespmem:$0x1FC80] =	vst v63  }
0x48: {  	_ = 	snop  }
0x49: {  	[tilespmem:s19], [sflag:$0x3] =	stream.linear.gather [hbm4b:s10+s3], $0x80, $0x38;
	[tilespmem:$0x1FC80] =	vst v63  }
0x4a: {  	s0 =	simm.s32 $0x80  }
0x4b: {  	[tilespmem:s20], [sflag:$0x2] =	stream.indirect.gather [hbm4b:s4+s17], $0x80, s0, s17, $0xb8;
	[tilespmem:$0x1FC80] =	vst v63  }
0x4c: {  	s2 =	sadd.s32 $0xFFFFFFF0, s14  }
0x4d: {  	[tilespmem:s21], [sflag:$0x4] =	stream.linear.gather [hbm4b:s2+s3], $0x80, $0x38;
	[tilespmem:$0x1FC80] =	vst v63  }
0x4e: {  	_ =	swait.ge [sflag:s22], $0x4000  }
0x4f: {  	[sflag:s22] =	ssyncset.done $0x0  }
0x50: {  	[sflag:s22] =	ssyncadd.s32 $0xFFFFC000  }
0x51: {  	_ =	swait.ge [sflag:s23], $0x80  }
0x52: {  	[sflag:s23] =	ssyncset.done $0x0  }
0x53: {  	[sflag:s23] =	ssyncadd.s32 $0xFFFFFF80  }
0x54: {  	[spmem:s1] =	stream.indirect.scatter.add.f32 [tilespmem:s18], [sflag:$0x5], $0x80, s19, s17, $0xb8;
	[tilespmem:$0x1FC80] =	vst v63  }
0x55: {  	_ =	swait.ge [sflag:s16], $0x4000  }
0x56: {  	[sflag:s16] =	ssyncset.done $0x0  }
0x57: {  	s31 =	simm.s32 $0x100;
	[sflag:s16] =	ssyncadd.s32 $0xFFFFC000  }
0x58: {  	[tilespmem:s18], [sflag:$0x1] =	stream.indirect.gather [hbm4b:s4+s17], $0x80, s31, s17, $0xb8;
	[tilespmem:$0x1FC80] =	vst v63  }
0x59: {  	_ = 	snop  }
0x5a: {  	[tilespmem:s19], [sflag:$0x3] =	stream.linear.gather [hbm4b:s14+s3], $0x80, $0x38;
	[tilespmem:$0x1FC80] =	vst v63  }
0x5b: {  	_ =	swait.ge [sflag:s24], $0x4000  }
0x5c: {  	[sflag:s24] =	ssyncset.done $0x0  }
0x5d: {  	[sflag:s24] =	ssyncadd.s32 $0xFFFFC000  }
0x5e: {  	_ =	swait.ge [sflag:s25], $0x80  }
0x5f: {  	[sflag:s25] =	ssyncset.done $0x0  }
0x60: {  	[sflag:s25] =	ssyncadd.s32 $0xFFFFFF80  }
0x61: {  	[spmem:s1] =	stream.indirect.scatter.add.f32 [tilespmem:s20], [sflag:$0x5], $0x80, s21, s17, $0xb8;
	[tilespmem:$0x1FC80] =	vst v63  }
0x62: {  	s30 =	simm.s32 $0xFFFFBC00;
	_ =	swait.ge [sflag:s16], $0x4000  }
0x63: {  	s29 =	simm.s32 $0xFFFFEE00;
	s28 =	sadd.s32 $0x20, s14;
	[sflag:s16] =	ssyncset.done $0x0  }
.LBB2_6:
0x64: {  	s0 =	sadd.s32 $0x1380, s29  }
0x65: {  	[sflag:s16] =	ssyncadd.s32 $0xFFFFC000;
	s2 =	smov.u32 s30;
	s31 =	sadd.s32 $0x400, s30  }
0x66: {  	[tilespmem:s20], [sflag:$0x2] =	stream.indirect.gather [hbm4b:s4+s17], $0x80, s0, s17, $0xb8;
	[tilespmem:$0x1FC80] =	vst v63  }
0x67: {  	p1 =	sne.s32 s30, $0xFFFFFC00;
	s0 =	sadd.s32 $0xFFFFFFF0, s28  }
0x68: {  	[tilespmem:s21], [sflag:$0x4] =	stream.linear.gather [hbm4b:s0+s3], $0x80, $0x38;
	[tilespmem:$0x1FC80] =	vst v63  }
0x69: {  	_ =	swait.ge [sflag:s22], $0x4000  }
0x6a: {  	[sflag:s22] =	ssyncset.done $0x0  }
0x6b: {  	[sflag:s22] =	ssyncadd.s32 $0xFFFFC000  }
0x6c: {  	_ =	swait.ge [sflag:s23], $0x80  }
0x6d: {  	[sflag:s23] =	ssyncset.done $0x0  }
0x6e: {  	[sflag:s23] =	ssyncadd.s32 $0xFFFFFF80  }
0x6f: {  	[spmem:s1] =	stream.indirect.scatter.add.f32 [tilespmem:s18], [sflag:$0x5], $0x80, s19, s17, $0xb8;
	[tilespmem:$0x1FC80] =	vst v63  }
0x70: {  	_ =	swait.ge [sflag:s16], $0x4000  }
0x71: {  	[sflag:s16] =	ssyncset.done $0x0  }
0x72: {  	s0 =	sadd.s32 $0x1400, s29;
	[sflag:s16] =	ssyncadd.s32 $0xFFFFC000  }
0x73: {  	[tilespmem:s18], [sflag:$0x1] =	stream.indirect.gather [hbm4b:s4+s17], $0x80, s0, s17, $0xb8;
	[tilespmem:$0x1FC80] =	vst v63  }
0x74: {  	_ = 	snop  }
0x75: {  	[tilespmem:s19], [sflag:$0x3] =	stream.linear.gather [hbm4b:s28+s3], $0x80, $0x38;
	[tilespmem:$0x1FC80] =	vst v63  }
0x76: {  	_ =	swait.ge [sflag:s24], $0x4000  }
0x77: {  	[sflag:s24] =	ssyncset.done $0x0  }
0x78: {  	[sflag:s24] =	ssyncadd.s32 $0xFFFFC000  }
0x79: {  	_ =	swait.ge [sflag:s25], $0x80  }
.Ltmp3:
0x7a: {  	[sflag:s25] =	ssyncset.done $0x0;
	(pc) =	sbr.rel @p1 .LBB2_6-.Ltmp3, $4  }
0x7b: {  	[sflag:s25] =	ssyncadd.s32 $0xFFFFFF80  }
0x7c: {  	[spmem:s1] =	stream.indirect.scatter.add.f32 [tilespmem:s20], [sflag:$0x5], $0x80, s21, s17, $0xb8;
	[tilespmem:$0x1FC80] =	vst v63  }
0x7d: {  	s30 =	smov.u32 s31;
	_ =	swait.ge [sflag:s16], $0x4000  }
0x7e: {  	s29 =	sshra.s32 s2, $0x2;
	s28 =	sadd.s32 $0x20, s28;
	[sflag:s16] =	ssyncset.done $0x0  }
.Ltmp4:
0x7f: {  	_ = 	snop;
	(pc) =	sbr.rel .LBB2_7-.Ltmp4, $1  }
0x80: {  	_ =	sdelay $0x3  }
.LBB2_2:
0x81: {  	[tilespmem:s3], [sflag:$0x5] =	stream.linear.gather [hbm4b:s7+s3], $0x3B80, $0x38;
	[tilespmem:$0x1FC80] =	vst v63  }
0x82: {  	_ =	swait.ge [sflag:s16], $0x3B80  }
0x83: {  	[sflag:s16] =	ssyncset.done $0x0  }
0x84: {  	[sflag:s16] =	ssyncadd.s32 $0xFFFFC480  }
0x85: {  	[tilespmem:s18], [sflag:$0x1] =	stream.indirect.gather [hbm4b:s4+s17], $0x80, s3, s17, $0xb8;
	[tilespmem:$0x1FC80] =	vst v63  }
0x86: {  	_ = 	snop  }
0x87: {  	[tilespmem:s19], [sflag:$0x3] =	stream.linear.gather [hbm4b:s8+s3], $0x80, $0x38;
	[tilespmem:$0x1FC80] =	vst v63  }
0x88: {  	s28 =	simm.s32 $0x80  }
0x89: {  	[tilespmem:s20], [sflag:$0x2] =	stream.indirect.gather [hbm4b:s4+s17], $0x80, s28, s17, $0xb8;
	[tilespmem:$0x1FC80] =	vst v63  }
0x8a: {  	s28 =	sadd.s32 $0xFFFFFFF0, s13  }
0x8b: {  	[tilespmem:s21], [sflag:$0x4] =	stream.linear.gather [hbm4b:s28+s3], $0x80, $0x38;
	[tilespmem:$0x1FC80] =	vst v63  }
0x8c: {  	_ =	swait.ge [sflag:s22], $0x4000  }
0x8d: {  	[sflag:s22] =	ssyncset.done $0x0  }
0x8e: {  	[sflag:s22] =	ssyncadd.s32 $0xFFFFC000  }
0x8f: {  	_ =	swait.ge [sflag:s23], $0x80  }
0x90: {  	[sflag:s23] =	ssyncset.done $0x0  }
0x91: {  	[sflag:s23] =	ssyncadd.s32 $0xFFFFFF80  }
0x92: {  	[spmem:s1] =	stream.indirect.scatter.add.f32 [tilespmem:s18], [sflag:$0x5], $0x80, s19, s17, $0xb8;
	[tilespmem:$0x1FC80] =	vst v63  }
0x93: {  	_ =	swait.ge [sflag:s16], $0x4000  }
0x94: {  	[sflag:s16] =	ssyncset.done $0x0  }
0x95: {  	s28 =	simm.s32 $0x100;
	[sflag:s16] =	ssyncadd.s32 $0xFFFFC000  }
0x96: {  	[tilespmem:s18], [sflag:$0x1] =	stream.indirect.gather [hbm4b:s4+s17], $0x80, s28, s17, $0xb8;
	[tilespmem:$0x1FC80] =	vst v63  }
0x97: {  	_ = 	snop  }
0x98: {  	[tilespmem:s19], [sflag:$0x3] =	stream.linear.gather [hbm4b:s13+s3], $0x80, $0x38;
	[tilespmem:$0x1FC80] =	vst v63  }
0x99: {  	_ =	swait.ge [sflag:s24], $0x4000  }
0x9a: {  	[sflag:s24] =	ssyncset.done $0x0  }
0x9b: {  	[sflag:s24] =	ssyncadd.s32 $0xFFFFC000  }
0x9c: {  	_ =	swait.ge [sflag:s25], $0x80  }
0x9d: {  	[sflag:s25] =	ssyncset.done $0x0  }
0x9e: {  	[sflag:s25] =	ssyncadd.s32 $0xFFFFFF80  }
0x9f: {  	[spmem:s1] =	stream.indirect.scatter.add.f32 [tilespmem:s20], [sflag:$0x5], $0x80, s21, s17, $0xb8;
	[tilespmem:$0x1FC80] =	vst v63  }
0xa0: {  	s30 =	simm.s32 $0xFFFF1C00;
	_ =	swait.ge [sflag:s16], $0x4000  }
0xa1: {  	s29 =	simm.s32 $0xFFFFC600;
	s28 =	sadd.s32 $0x20, s13;
	[sflag:s16] =	ssyncset.done $0x0  }
.LBB2_3:
0xa2: {  	s31 =	sadd.s32 $0x3B80, s29  }
0xa3: {  	[sflag:s16] =	ssyncadd.s32 $0xFFFFC000;
	s0 =	smov.u32 s30;
	s2 =	sadd.s32 $0x400, s30  }
0xa4: {  	[tilespmem:s20], [sflag:$0x2] =	stream.indirect.gather [hbm4b:s4+s17], $0x80, s31, s17, $0xb8;
	[tilespmem:$0x1FC80] =	vst v63  }
0xa5: {  	p1 =	seq.s32 s30, $0xFFFFFC00;
	s30 =	sadd.s32 $0xFFFFFFF0, s28  }
0xa6: {  	[tilespmem:s21], [sflag:$0x4] =	stream.linear.gather [hbm4b:s30+s3], $0x80, $0x38;
	[tilespmem:$0x1FC80] =	vst v63  }
0xa7: {  	_ =	swait.ge [sflag:s22], $0x4000  }
0xa8: {  	[sflag:s22] =	ssyncset.done $0x0  }
0xa9: {  	[sflag:s22] =	ssyncadd.s32 $0xFFFFC000  }
0xaa: {  	_ =	swait.ge [sflag:s23], $0x80  }
0xab: {  	[sflag:s23] =	ssyncset.done $0x0  }
0xac: {  	[sflag:s23] =	ssyncadd.s32 $0xFFFFFF80  }
0xad: {  	[spmem:s1] =	stream.indirect.scatter.add.f32 [tilespmem:s18], [sflag:$0x5], $0x80, s19, s17, $0xb8;
	[tilespmem:$0x1FC80] =	vst v63  }
0xae: {  	_ =	swait.ge [sflag:s16], $0x4000  }
0xaf: {  	[sflag:s16] =	ssyncset.done $0x0  }
0xb0: {  	s29 =	sadd.s32 $0x3C00, s29;
	[sflag:s16] =	ssyncadd.s32 $0xFFFFC000  }
0xb1: {  	[tilespmem:s18], [sflag:$0x1] =	stream.indirect.gather [hbm4b:s4+s17], $0x80, s29, s17, $0xb8;
	[tilespmem:$0x1FC80] =	vst v63  }
0xb2: {  	_ = 	snop  }
0xb3: {  	[tilespmem:s19], [sflag:$0x3] =	stream.linear.gather [hbm4b:s28+s3], $0x80, $0x38;
	[tilespmem:$0x1FC80] =	vst v63  }
0xb4: {  	_ =	swait.ge [sflag:s24], $0x4000  }
0xb5: {  	[sflag:s24] =	ssyncset.done $0x0  }
0xb6: {  	[sflag:s24] =	ssyncadd.s32 $0xFFFFC000  }
0xb7: {  	_ =	swait.ge [sflag:s25], $0x80  }
.Ltmp5:
0xb8: {  	[sflag:s25] =	ssyncset.done $0x0;
	(pc) =	sbr.rel @!p1 .LBB2_3-.Ltmp5, $4  }
0xb9: {  	[sflag:s25] =	ssyncadd.s32 $0xFFFFFF80  }
0xba: {  	[spmem:s1] =	stream.indirect.scatter.add.f32 [tilespmem:s20], [sflag:$0x5], $0x80, s21, s17, $0xb8;
	[tilespmem:$0x1FC80] =	vst v63  }
0xbb: {  	s30 =	smov.u32 s2;
	_ =	swait.ge [sflag:s16], $0x4000  }
0xbc: {  	s29 =	sshra.s32 s0, $0x2;
	s28 =	sadd.s32 $0x20, s28;
	[sflag:s16] =	ssyncset.done $0x0  }
0xbd: {  	s0 =	sadd.s32 $0x3B80, s29;
	[sflag:s16] =	ssyncadd.s32 $0xFFFFC000  }
0xbe: {  	[tilespmem:s20], [sflag:$0x2] =	stream.indirect.gather [hbm4b:s4+s17], $0x80, s0, s17, $0xb8;
	[tilespmem:$0x1FC80] =	vst v63  }
0xbf: {  	s30 =	sadd.s32 $0xFFFFFFF0, s28  }
0xc0: {  	[tilespmem:s21], [sflag:$0x4] =	stream.linear.gather [hbm4b:s30+s3], $0x80, $0x38;
	[tilespmem:$0x1FC80] =	vst v63  }
0xc1: {  	_ =	swait.ge [sflag:s22], $0x4000  }
0xc2: {  	[sflag:s22] =	ssyncset.done $0x0  }
0xc3: {  	[sflag:s22] =	ssyncadd.s32 $0xFFFFC000  }
0xc4: {  	_ =	swait.ge [sflag:s23], $0x80  }
0xc5: {  	[sflag:s23] =	ssyncset.done $0x0  }
0xc6: {  	[sflag:s23] =	ssyncadd.s32 $0xFFFFFF80  }
0xc7: {  	[spmem:s1] =	stream.indirect.scatter.add.f32 [tilespmem:s18], [sflag:$0x5], $0x80, s19, s17, $0xb8;
	[tilespmem:$0x1FC80] =	vst v63  }
0xc8: {  	_ =	swait.ge [sflag:s16], $0x4000  }
0xc9: {  	[sflag:s16] =	ssyncset.done $0x0  }
0xca: {  	s31 =	sadd.s32 $0x3C00, s29;
	[sflag:s16] =	ssyncadd.s32 $0xFFFFC000  }
0xcb: {  	[tilespmem:s18], [sflag:$0x1] =	stream.indirect.gather [hbm4b:s4+s17], $0x80, s31, s17, $0xb8;
	[tilespmem:$0x1FC80] =	vst v63  }
0xcc: {  	_ = 	snop  }
0xcd: {  	[tilespmem:s19], [sflag:$0x3] =	stream.linear.gather [hbm4b:s28+s3], $0x80, $0x38;
	[tilespmem:$0x1FC80] =	vst v63  }
0xce: {  	_ =	swait.ge [sflag:s24], $0x4000  }
0xcf: {  	[sflag:s24] =	ssyncset.done $0x0  }
0xd0: {  	[sflag:s24] =	ssyncadd.s32 $0xFFFFC000  }
0xd1: {  	_ =	swait.ge [sflag:s25], $0x80  }
0xd2: {  	[sflag:s25] =	ssyncset.done $0x0  }
.Ltmp6:
0xd3: {  	[sflag:s25] =	ssyncadd.s32 $0xFFFFFF80;
	(pc) =	sbr.rel .LBB2_8-.Ltmp6, $4  }
0xd4: {  	[spmem:s1] =	stream.indirect.scatter.add.f32 [tilespmem:s20], [sflag:$0x5], $0x80, s21, s17, $0xb8;
	[tilespmem:$0x1FC80] =	vst v63  }
0xd5: {  	_ =	swait.ge [sflag:s16], $0x4000  }
0xd6: {  	[sflag:s16] =	ssyncset.done $0x0  }
0xd7: {  	[sflag:s16] =	ssyncadd.s32 $0xFFFFC000  }
.LBB2_9:
0xd8: {  	_ =	sfence.sel $0x180000  }
0xd9: {  	[bflag:$0x0] =	sbarrier.arrive $0xFFFF  }
0xda: {  	_ =	strace $0x9000004A  }
0xdb: {  	s0 =	stileid.u32;
	[bflag:$0x2] =	sbarrier.arrive $0xFFFF  }
0xdc: {  	p0 =	sne.s32 s0, $0x0;
	s0 =	rddreg [dreg:$0x2]  }
0xdd: {  	s0 =	sadd.s32 @!p0 $0x100000, s0  }
0xde: {  	[sflag:s0] =	ssyncadd.tile.s32 @!p0 $0x1;
	_ =	shalt  }
.Lfunc_end2:
_tile_overlayer_lowered:
.L_overlay_start_2:
0xdf: {  	(tag) =	ssettag $0x2  }
0xe0: {  	s0 =	rddreg [dreg:$0x0];
	s2 =	stileid.u32  }
0xe1: {  	s1 =	rddreg [dreg:$0x1];
	p0 =	sne.s32 s2, $0x0  }
0xe2: {  	s3 =	rddreg [dreg:$0x2];
	[bflag:$0x3] =	sbarrier.arrive $0xFFFF;
	s2 =	simm.s32 @!p0 $0x1C05  }
0xe3: {  	[timem:s3], [sflag:s2] =	dma.local @!p0 [hbm:s0], s1  }
0xe4: {  	s0 =	simm.s32 @!p0 $0x5  }
0xe5: {  	_ =	swait.ge @!p0 [sflag:s0], s1  }
0xe6: {  	s1 =	ssub.s32 @!p0 $0x0, s1;
	[sflag:s0] =	ssyncset.done @!p0 $0x0  }
0xe7: {  	[sflag:s0] =	ssyncadd.s32 @!p0 s1  }
0xe8: {  	[bflag:$0x3] =	sbarrier.arrive $0xFFFF  }
0xe9: {  	_ =	shalt  }

// kernel: kernel.16.cloned.1.call-start
scs
__scs_entry_jumppad:
0x0: {  	(pc) =	sbr.rel $0x88, $3  }
0x1: {  	(tag) =	ssettag $0x0;
	lr =	simm.s32 $0x1  }
0x2: {  	[smem:$0x3F8E] =	sst lr;
	_ =	strace $0xD0000000  }
0x3: {  	_ = 	snop  }
0x4: {  	_ = 	snop  }
0x5: {  	_ = 	snop  }
0x6: {  	_ = 	snop  }
0x7: {  	_ = 	snop  }
__scs_overlays_trampoline_lowered:
0x8: {  	[smem:$0x3F9D] =	sst s0  }
0x9: {  	[smem:$0x3F9E] =	sst s1  }
0xa: {  	[smem:$0x3F9F] =	sst s2  }
0xb: {  	[smem:$0x3FA0] =	sst s3  }
0xc: {  	[smem:$0x3FA1] =	sst s4  }
0xd: {  	[smem:$0x3FA2] =	sst s5  }
0xe: {  	[smem:$0x3FA3] =	sst s6  }
0xf: {  	[smem:$0x3FA4] =	sst s7  }
0x10: {  	[smem:$0x3FA5] =	sst s8  }
0x11: {  	[smem:$0x3FA6] =	sst s9;
	s0 =	simm.s32 @!p0 $0x0  }
0x12: {  	s1 =	sld [smem:$0x3F8C];
	s0 =	simm.s32 @p0 $0x1  }
0x13: {  	[smem:$0x3FA7] =	sst s0;
	s0 =	simm.s32 @!p1 $0x0  }
0x14: {  	s2 =	sld [smem:$0x3F8B];
	s0 =	simm.s32 @p1 $0x1  }
0x15: {  	[smem:$0x3FA8] =	sst s0;
	s0 =	simm.s32 @!p2 $0x0  }
0x16: {  	s3 =	sld [smem:$0x3FDB];
	s0 =	simm.s32 @p2 $0x1  }
0x17: {  	s4 =	simm.s32 $0x1BF5;
	[smem:$0x3FAA] =	sst s0  }
0x18: {  	s0 =	sld [smem:$0x3F8D];
	_ =	swait.ge [sflag:s4], $0x0  }
0x19: {  	s7 =	sld [smem:$0x3F8E]  }
0x1a: {  	s8 =	sadd.s32 $0xFFFFE003, lr  }
0x1b: {  	s9 =	sadd.s32 $0xFFFFFEF7, lr;
	s5 =	simm.s32 $0xFFFFFFFF;
	p2 =	slt.u32 s8, $0xFFFFF086  }
0x1c: {  	p1 =	slt.u32 s9, $0xF7A;
	s5 =	simm.s32 @!p2 $0x0  }
0x1d: {  	s5 =	simm.s32 @p1 $0x1;
	p0 =	seq.s32 s7, s2  }
0x1e: {  	s7 =	smul.u32 @!p0 $0xF7A, s2;
	p2 =	seq.s32 @!p0 s5, $0x0  }
0x1f: {  	s9 =	smul.u32 $0xF7A, s1;
	s8 =	simm.s32 @!p0 $0x1BF5;
	p2 =	por !p2, p0  }
0x20: {  	[sflag:s8] =	ssyncset.s32 @!p0 $0xFFFFF086;
	s6 =	sadd.s32 @!p0 s3, s7;
	s7 =	simm.s32 @!p0 $0x108  }
0x21: {  	s3 =	sadd.s32 s3, s9;
	s6 =	sadd.s32 @!p0 $0x88, s6;
	s7 =	simm.s32 @p2 $0x1082  }
0x22: {  	[simem:s7], [sflag:s8] =	dma.local @!p0 [hbm:s6], $0xF7A  }
0x23: {  	s9 =	sor.u32 $0xD0000000, s2;
	s6 =	simm.s32 $0x108;
	_ =	swait.ge @!p0 [sflag:s8], $0x0  }
0x24: {  	s3 =	sadd.s32 $0x88, s3;
	s6 =	simm.s32 @!p1 $0x1082;
	[sflag:s4] =	ssyncset.s32 $0xFFFFF086  }
0x25: {  	[simem:s6], [sflag:s4] =	dma.local [hbm:s3], $0xF7A  }
0x26: {  	[smem:$0x3F8E] =	sst s1;
	(tag) =	ssettag s2;
	_ =	strace s9  }
0x27: {  	s1 =	sld [smem:$0x3F9E]  }
0x28: {  	s2 =	sld [smem:$0x3F9F]  }
0x29: {  	s4 =	sld [smem:$0x3FA1]  }
0x2a: {  	p0 =	seq.s32 s5, $0x0;
	s5 =	sld [smem:$0x3FA2]  }
0x2b: {  	s6 =	sld [smem:$0x3FA3]  }
0x2c: {  	s7 =	sld [smem:$0x3FA4]  }
0x2d: {  	s3 =	simm.s32 $0x108;
	s8 =	sld [smem:$0x3FA5]  }
0x2e: {  	s3 =	simm.s32 @!p0 $0x1082;
	s9 =	sld [smem:$0x3FA6]  }
0x2f: {  	lr =	sadd.s32 s0, s3;
	s0 =	sld [smem:$0x3F9D]  }
0x30: {  	s3 =	sld [smem:$0x3FA0]  }
0x31: {  	[smem:$0x3FA9] =	sst s10  }
0x32: {  	s10 =	sld [smem:$0x3FA7];
	_ =	sdelay $0x3  }
0x33: {  	p0 =	seq.s32 s10, $0x1;
	s10 =	sld [smem:$0x3FA9];
	_ =	sdelay $0x3  }
0x34: {  	[smem:$0x3FA9] =	sst s10  }
0x35: {  	s10 =	sld [smem:$0x3FA8];
	_ =	sdelay $0x3  }
0x36: {  	p1 =	seq.s32 s10, $0x1;
	s10 =	sld [smem:$0x3FA9];
	_ =	sdelay $0x3  }
0x37: {  	[smem:$0x3FA9] =	sst s10  }
0x38: {  	s10 =	sld [smem:$0x3FAA]  }
0x39: {  	_ = 	snop;
	(pc) =	sbr.ind lr, $3  }
0x3a: {  	_ = 	snop  }
0x3b: {  	_ = 	snop  }
0x3c: {  	p2 =	seq.s32 s10, $0x1;
	s10 =	sld [smem:$0x3FA9]  }
0x3d: {  	_ =	shalt  }
0x3e: {  	_ =	shalt  }
0x3f: {  	_ =	shalt  }
0x40: {  	_ =	shalt  }
0x41: {  	_ =	shalt  }
0x42: {  	_ =	shalt  }
0x43: {  	_ =	shalt  }
0x44: {  	_ =	shalt  }
0x45: {  	_ =	shalt  }
0x46: {  	_ =	shalt  }
0x47: {  	_ =	shalt  }
0x48: {  	_ =	shalt  }
0x49: {  	_ =	shalt  }
0x4a: {  	_ =	shalt  }
0x4b: {  	_ =	shalt  }
0x4c: {  	_ =	shalt  }
0x4d: {  	_ =	shalt  }
0x4e: {  	_ =	shalt  }
0x4f: {  	_ =	shalt  }
0x50: {  	_ =	shalt  }
0x51: {  	_ =	shalt  }
0x52: {  	_ =	shalt  }
0x53: {  	_ =	shalt  }
0x54: {  	_ =	shalt  }
0x55: {  	_ =	shalt  }
0x56: {  	_ =	shalt  }
0x57: {  	_ =	shalt  }
0x58: {  	_ =	shalt  }
0x59: {  	_ =	shalt  }
0x5a: {  	_ =	shalt  }
0x5b: {  	_ =	shalt  }
0x5c: {  	_ =	shalt  }
0x5d: {  	_ =	shalt  }
0x5e: {  	_ =	shalt  }
0x5f: {  	_ =	shalt  }
0x60: {  	_ =	shalt  }
0x61: {  	_ =	shalt  }
0x62: {  	_ =	shalt  }
0x63: {  	_ =	shalt  }
0x64: {  	_ =	shalt  }
0x65: {  	_ =	shalt  }
0x66: {  	_ =	shalt  }
0x67: {  	_ =	shalt  }
0x68: {  	_ =	shalt  }
0x69: {  	_ =	shalt  }
0x6a: {  	_ =	shalt  }
0x6b: {  	_ =	shalt  }
0x6c: {  	_ =	shalt  }
0x6d: {  	_ =	shalt  }
0x6e: {  	_ =	shalt  }
0x6f: {  	_ =	shalt  }
0x70: {  	_ =	shalt  }
0x71: {  	_ =	shalt  }
0x72: {  	_ =	shalt  }
0x73: {  	_ =	shalt  }
0x74: {  	_ =	shalt  }
0x75: {  	_ =	shalt  }
0x76: {  	_ =	shalt  }
0x77: {  	_ =	shalt  }
0x78: {  	_ =	shalt  }
0x79: {  	_ =	shalt  }
0x7a: {  	_ =	shalt  }
0x7b: {  	_ =	shalt  }
0x7c: {  	_ =	shalt  }
0x7d: {  	_ =	shalt  }
0x7e: {  	_ =	shalt  }
0x7f: {  	_ =	shalt  }
0x80: {  	_ =	shalt  }
0x81: {  	_ =	shalt  }
0x82: {  	_ =	shalt  }
0x83: {  	_ =	shalt  }
0x84: {  	_ =	shalt  }
0x85: {  	_ =	shalt  }
0x86: {  	_ =	shalt  }
0x87: {  	_ =	shalt  }
.Lfunc_end0:
.L_simem_size_0:
called_computation.2_lowered:
.L_overlay_start_0:
0x88: {  	s2 =	sld [smem:$0x3FD9]  }
0x89: {  	s3 =	sld [smem:$0x3FFE];
	_ =	sdelay $0x1  }
0x8a: {  	s1 =	srdreg.scid  }
0x8b: {  	s0 =	sand.u32 $0x1, s1  }
0x8c: {  	s16 =	sshll.u32 s0, $0xA;
	s2 =	sadd.s32 s3, s2  }
0x8d: {  	s2 =	sadd.s32 s2, s16  }
0x8e: {  	[smem:$0x3FB5] =	sst s2  }
0x8f: {  	_ = 	snop  }
0x90: {  	(tm) =	ssettm $0x1  }
0x91: {  	s17 =	sld [smem:$0x3FFB];
	_ =	sdelay $0x3  }
0x92: {  	_ =	strace s17  }
0x93: {  	s2 =	sld [smem:$0x3FFC];
	_ =	sdelay $0x3  }
0x94: {  	_ =	strace s2  }
0x95: {  	s2 =	sld [smem:$0x3FFD];
	_ =	sdelay $0x3  }
0x96: {  	_ =	strace s2  }
0x97: {  	_ =	strace $0x8FFFFFFF  }
0x98: {  	s18 =	sld [smem:$0x3FDB];
	_ =	sdelay $0x1  }
0x99: {  	s19 =	simm.s32 $_scs_section_size  }
0x9a: {  	s4 =	simm.s32 $_size__tile_overlayer_lowered;
	s5 =	simm.s32 $_tile_overlayer_lowered  }
0x9b: {  	s22 =	simm.s32 $0x1BFF;
	s21 =	sshll.u32 s5, $0x1;
	s2 =	sadd.s32 s19, s18  }
0x9c: {  	s6 =	simm.s32 $0x0;
	s20 =	sshll.u32 s4, $0x1;
	s4 =	sadd.s32 s21, s2  }
0x9d: {  	[timem:s6], [sflag:s22] =	dma.local [hbm:s4], s20  }
0x9e: {  	_ =	swait.ge [sflag:s22], s20  }
0x9f: {  	s3 =	ssub.s32 $0x0, s20;
	[sflag:s22] =	ssyncset.done $0x0  }
0xa0: {  	[sflag:s22] =	ssyncadd.s32 s3;
	_ =	sdelay $0x1  }
0xa1: {  	s23 =	simm.s32 $0x1B8B  }
0xa2: {  	_ =	swait.ge [sflag:s23], $0x1  }
0xa3: {  	[sflag:s23] =	ssyncset.done $0x0  }
0xa4: {  	s25 =	simm.s32 $0x1B8E;
	s24 =	sld [smem:$0x3FFE];
	[sflag:s23] =	ssyncadd.s32 $0xFFFFFFFF  }
0xa5: {  	s26 =	simm.s32 $execute0_lowered;
	[smem:$0x3FD2] =	sst s25  }
0xa6: {  	s4 =	sshll.u32 s26, $0x1;
	_ =	strace $0x8000004C;
	[dreg:$0x1] =	wrdreg $0xFFFFFFFF  }
0xa7: {  	s28 =	simm.s32 $_size_execute0_lowered;
	s2 =	sadd.s32 s2, s4;
	[dreg:$0x0] =	wrdreg $0x0  }
0xa8: {  	s4 =	sshll.u32 s28, $0x1;
	[dreg:$0x2] =	wrdreg s2  }
0xa9: {  	[dreg:$0x3] =	wrdreg s4  }
0xaa: {  	[dreg:$0x4] =	wrdreg $0xC0  }
0xab: {  	_ =	task [dreg:s6], $0x5FFFF  }
0xac: {  	[dreg:$0x1] =	wrdreg $0xFFFFFFFF  }
0xad: {  	[dreg:$0x0] =	wrdreg $0x60  }
0xae: {  	[dreg:$0x2] =	wrdreg s24  }
0xaf: {  	[dreg:$0x3] =	wrdreg $0xBC800  }
0xb0: {  	[dreg:$0x4] =	wrdreg $0x9  }
0xb1: {  	_ =	task.clear_ibuf [dreg:s6], $0x5FFFF;
	_ =	strace $0x9000004C  }
0xb2: {  	s29 =	simm.s32 $0x9;
	_ =	strace $0x8000004E  }
0xb3: {  	_ =	swait.ge [sflag:s29], $0x1  }
0xb4: {  	[sflag:s29] =	ssyncadd.s32 $0xFFFFFFFF  }
0xb5: {  	_ =	strace $0x9000004E  }
0xb6: {  	_ =	sfence  }
0xb7: {  	s30 =	sld [smem:$0x0];
	_ =	sdelay $0x2  }
0xb8: {  	s31 =	sshll.u32 s1, $0xD;
	s1 =	sshrl.u32 s1, $0x2  }
0xb9: {  	s3 =	sand.u32 $0x4000, s31;
	s1 =	sadd.s32 s1, s30  }
0xba: {  	s0 =	sor.u32 s3, s0;
	s1 =	sshll.u32 s1, $0x11  }
0xbb: {  	s0 =	sor.u32 s1, s0  }
0xbc: {  	s0 =	sadd.s32 $0x8F2B, s0  }
0xbd: {  	[sflag:s0] =	ssyncadd.remote.s32 $0x1  }
0xbe: {  	_ =	sfence.sel $0xFFFF  }
0xbf: {  	[dreg:$0x0] =	wrdreg $0xFFFFFFFF;
	(pc) =	sbr.abs _section_cstart, $3  }
0xc0: {  	[dreg:$0x1] =	wrdreg $0xFFFFFFFF  }
0xc1: {  	_ =	task.clear_ibuf [dreg:s6], $0x2FFFF;
	_ =	strace $0x9FFFFFFF  }
0xc2: {  	(tm) =	ssettm $0x7FFFFFFF  }
0xc3: {  	_ =	shalt  }
tec
execute0_lowered:
.L_overlay_start_1:
0x0: {  	(tag) =	ssettag $0x1  }
0x1: {  	s6 =	rddreg [dreg:$0x0]  }
0x2: {  	s1 =	rddreg [dreg:$0x1];
	s3 =	simm.s32 $0x0;
	s4 =	srdreg.scid  }
0x3: {  	s0 =	stileid.u32;
	s18 =	simm.s32 $0x3C80;
	s19 =	simm.s32 $0x3B80  }
0x4: {  	s20 =	simm.s32 $0x7C80;
	s21 =	simm.s32 $0x3C00;
	s8 =	smul.u32 $0x2800, s0  }
0x5: {  	s22 =	simm.s32 $0x1;
	[smem:$0x7FF] =	sst s3;
	s13 =	smul.u32 $0x50000, s0  }
0x6: {  	s7 =	sand.u32 $0x1, s4;
	s4 =	sadd.s32 $0x18600, s6;
	s24 =	smul.u32 $0x3B80, s0  }
0x7: {  	s9 =	sadd.s32 $0xE800, s6;
	s12 =	sadd.s32 $0x4A00, s6;
	s28 =	smul.u32 $0x1380, s0  }
0x8: {  	s5 =	sadd.s32 $0x40600, s6;
	s26 =	sshll.u32 s0, $0x6;
	s30 =	smul.u32 $0x770, s0  }
0x9: {  	s17 =	smul.u32 $0x270, s0;
	_ =	strace $0x8000004D;
	s11 =	ssub.s32 $0x2, s7  }
0xa: {  	s10 =	smul.u32 $0x28000, s7;
	p0 =	seq.s32 s7, $0x1;
	s23 =	sshrl.u32 s11, $0x1  }
0xb: {  	s25 =	sshrl.u32 s13, $0x2;
	s29 =	sshrl.u32 s28, $0x3;
	s13 =	sadd.s32 s30, s12  }
0xc: {  	s31 =	sadd.s32 s17, s12;
	s17 =	simm.s32 $0x80;
	s8 =	sadd.s32 s8, s10  }
0xd: {  	s15 =	ssub.s32 s11, s23;
	s16 =	sadd.s32 s25, s1;
	s10 =	sadd.s32 $0x7700, s29  }
0xe: {  	s13 =	sadd.s32 $0x20, s13;
	s23 =	simm.s32 $0x3;
	s25 =	simm.s32 $0x4  }
.Ltmp0:
0xf: {  	s14 =	sadd.s32 s8, s6;
	s6 =	sor.u32 $0x1C05, s26;
	(pc) =	sbr.rel .LBB2_1-.Ltmp0, $4  }
0x10: {  	s8 =	sshrl.u32 s24, $0x3;
	s24 =	simm.s32 $0x2;
	s26 =	simm.s32 $0x0  }
0x11: {  	s7 =	sadd.s32 s9, s8;
	s8 =	sadd.s32 s12, s8;
	s9 =	sadd.s32 s9, s10  }
0x12: {  	s10 =	sadd.s32 s12, s10;
	s11 =	sadd.s32 $0x6AE00, s14;
	s12 =	smax.u32 s15, $0x1  }
0x13: {  	s14 =	sadd.s32 $0x7720, s31;
	s15 =	sshrl.u32 s16, $0x3;
	s16 =	simm.s32 $0x5  }
.LBB2_7:
0x14: {  	s0 =	sadd.s32 $0x1380, s29;
	[sflag:s16] =	ssyncadd.s32 $0xFFFFC000  }
0x15: {  	[tilespmem:s20], [sflag:$0x2] =	stream.indirect.gather [hbm4b:s4+s17], $0x80, s0, s17, $0xb8;
	[tilespmem:$0x1FC80] =	vst v63  }
0x16: {  	s30 =	sadd.s32 $0xFFFFFFF0, s28  }
0x17: {  	[tilespmem:s21], [sflag:$0x4] =	stream.linear.gather [hbm4b:s30+s3], $0x80, $0x38;
	[tilespmem:$0x1FC80] =	vst v63  }
0x18: {  	_ =	swait.ge [sflag:s22], $0x4000  }
0x19: {  	[sflag:s22] =	ssyncset.done $0x0  }
0x1a: {  	[sflag:s22] =	ssyncadd.s32 $0xFFFFC000  }
0x1b: {  	_ =	swait.ge [sflag:s23], $0x80  }
0x1c: {  	[sflag:s23] =	ssyncset.done $0x0  }
0x1d: {  	[sflag:s23] =	ssyncadd.s32 $0xFFFFFF80  }
0x1e: {  	[spmem:s1] =	stream.indirect.scatter.add.f32 [tilespmem:s18], [sflag:$0x5], $0x80, s19, s17, $0xb8;
	[tilespmem:$0x1FC80] =	vst v63  }
0x1f: {  	_ =	swait.ge [sflag:s16], $0x4000  }
0x20: {  	[sflag:s16] =	ssyncset.done $0x0  }
0x21: {  	s31 =	sadd.s32 $0x1400, s29;
	[sflag:s16] =	ssyncadd.s32 $0xFFFFC000  }
0x22: {  	[tilespmem:s18], [sflag:$0x1] =	stream.indirect.gather [hbm4b:s4+s17], $0x80, s31, s17, $0xb8;
	[tilespmem:$0x1FC80] =	vst v63  }
0x23: {  	_ = 	snop  }
0x24: {  	[tilespmem:s19], [sflag:$0x3] =	stream.linear.gather [hbm4b:s28+s3], $0x80, $0x38;
	[tilespmem:$0x1FC80] =	vst v63  }
0x25: {  	_ =	swait.ge [sflag:s24], $0x4000  }
0x26: {  	[sflag:s24] =	ssyncset.done $0x0  }
0x27: {  	[sflag:s24] =	ssyncadd.s32 $0xFFFFC000  }
0x28: {  	_ =	swait.ge [sflag:s25], $0x80  }
0x29: {  	[sflag:s25] =	ssyncset.done $0x0  }
0x2a: {  	[sflag:s25] =	ssyncadd.s32 $0xFFFFFF80  }
0x2b: {  	[spmem:s1] =	stream.indirect.scatter.add.f32 [tilespmem:s20], [sflag:$0x5], $0x80, s21, s17, $0xb8;
	[tilespmem:$0x1FC80] =	vst v63  }
0x2c: {  	_ =	swait.ge [sflag:s16], $0x4000  }
0x2d: {  	[sflag:s16] =	ssyncset.done $0x0  }
0x2e: {  	[sflag:s16] =	ssyncadd.s32 $0xFFFFC000  }
.LBB2_8:
0x2f: {  	_ =	swait.ge [sflag:s22], $0x4000  }
0x30: {  	[sflag:s22] =	ssyncset.done $0x0  }
0x31: {  	[sflag:s22] =	ssyncadd.s32 $0xFFFFC000  }
0x32: {  	_ =	swait.ge [sflag:s23], $0x80  }
0x33: {  	[sflag:s23] =	ssyncset.done $0x0  }
0x34: {  	[sflag:s23] =	ssyncadd.s32 $0xFFFFFF80  }
0x35: {  	[spmem:s1] =	stream.indirect.scatter.add.f32 [tilespmem:s18], [sflag:$0x5], $0x80, s19, s17, $0xb8;
	[tilespmem:$0x1FC80] =	vst v63  }
0x36: {  	_ =	swait.ge [sflag:s16], $0x4000  }
0x37: {  	s26 =	sadd.s32 $0x1, s26;
	[sflag:s16] =	ssyncset.done $0x0  }
0x38: {  	p1 =	sne.s32 s26, s12;
	[sflag:s16] =	ssyncadd.s32 $0xFFFFC000  }
.Ltmp1:
0x39: {  	[bflag:$0x0] =	sbarrier.arrive $0xFFFF;
	(pc) =	sbr.rel @!p1 .LBB2_9-.Ltmp1, $4  }
0x3a: {  	[hbm:s11], [sflag:s6] =	dma.local [spmem:s15], $0x2800  }
0x3b: {  	_ =	swait.ge [sflag:s16], $0x2800  }
0x3c: {  	[sflag:s16] =	ssyncset.done $0x0  }
0x3d: {  	[sflag:s16] =	ssyncadd.s32 $0xFFFFD800  }
.LBB2_1:
0x3e: {  	[spmem:s15], [sflag:s6] =	dma.local [hbm:s5], $0x2800  }
.Ltmp2:
0x3f: {  	_ =	swait.ge [sflag:s16], $0x2800;
	(pc) =	sbr.rel @!p0 .LBB2_2-.Ltmp2, $3  }
0x40: {  	[sflag:s16] =	ssyncset.done $0x0  }
0x41: {  	[sflag:s16] =	ssyncadd.s32 $0xFFFFD800  }
0x42: {  	[bflag:$0x0] =	sbarrier.arrive $0xFFFF;
	_ =	sdelay $0x1  }
0x43: {  	[tilespmem:s3], [sflag:$0x5] =	stream.linear.gather [hbm4b:s9+s3], $0x1380, $0x38;
	[tilespmem:$0x1FC80] =	vst v63  }
0x44: {  	_ =	swait.ge [sflag:s16], $0x1380  }
0x45: {  	[sflag:s16] =	ssyncset.done $0x0  }
0x46: {  	[sflag:s16] =	ssyncadd.s32 $0xFFFFEC80  }
0x47: {  	[tilespmem:s18], [sflag:$0x1] =	stream.indirect.gather [hbm4b:s4+s17], $0x80, s3, s17, $0xb8;
	[tilespmem:$0x1FC80] =	vst v63  }
0x48: {  	_ = 	snop  }
0x49: {  	[tilespmem:s19], [sflag:$0x3] =	stream.linear.gather [hbm4b:s10+s3], $0x80, $0x38;
	[tilespmem:$0x1FC80] =	vst v63  }
0x4a: {  	s0 =	simm.s32 $0x80  }
0x4b: {  	[tilespmem:s20], [sflag:$0x2] =	stream.indirect.gather [hbm4b:s4+s17], $0x80, s0, s17, $0xb8;
	[tilespmem:$0x1FC80] =	vst v63  }
0x4c: {  	s2 =	sadd.s32 $0xFFFFFFF0, s14  }
0x4d: {  	[tilespmem:s21], [sflag:$0x4] =	stream.linear.gather [hbm4b:s2+s3], $0x80, $0x38;
	[tilespmem:$0x1FC80] =	vst v63  }
0x4e: {  	_ =	swait.ge [sflag:s22], $0x4000  }
0x4f: {  	[sflag:s22] =	ssyncset.done $0x0  }
0x50: {  	[sflag:s22] =	ssyncadd.s32 $0xFFFFC000  }
0x51: {  	_ =	swait.ge [sflag:s23], $0x80  }
0x52: {  	[sflag:s23] =	ssyncset.done $0x0  }
0x53: {  	[sflag:s23] =	ssyncadd.s32 $0xFFFFFF80  }
0x54: {  	[spmem:s1] =	stream.indirect.scatter.add.f32 [tilespmem:s18], [sflag:$0x5], $0x80, s19, s17, $0xb8;
	[tilespmem:$0x1FC80] =	vst v63  }
0x55: {  	_ =	swait.ge [sflag:s16], $0x4000  }
0x56: {  	[sflag:s16] =	ssyncset.done $0x0  }
0x57: {  	s31 =	simm.s32 $0x100;
	[sflag:s16] =	ssyncadd.s32 $0xFFFFC000  }
0x58: {  	[tilespmem:s18], [sflag:$0x1] =	stream.indirect.gather [hbm4b:s4+s17], $0x80, s31, s17, $0xb8;
	[tilespmem:$0x1FC80] =	vst v63  }
0x59: {  	_ = 	snop  }
0x5a: {  	[tilespmem:s19], [sflag:$0x3] =	stream.linear.gather [hbm4b:s14+s3], $0x80, $0x38;
	[tilespmem:$0x1FC80] =	vst v63  }
0x5b: {  	_ =	swait.ge [sflag:s24], $0x4000  }
0x5c: {  	[sflag:s24] =	ssyncset.done $0x0  }
0x5d: {  	[sflag:s24] =	ssyncadd.s32 $0xFFFFC000  }
0x5e: {  	_ =	swait.ge [sflag:s25], $0x80  }
0x5f: {  	[sflag:s25] =	ssyncset.done $0x0  }
0x60: {  	[sflag:s25] =	ssyncadd.s32 $0xFFFFFF80  }
0x61: {  	[spmem:s1] =	stream.indirect.scatter.add.f32 [tilespmem:s20], [sflag:$0x5], $0x80, s21, s17, $0xb8;
	[tilespmem:$0x1FC80] =	vst v63  }
0x62: {  	s30 =	simm.s32 $0xFFFFBC00;
	_ =	swait.ge [sflag:s16], $0x4000  }
0x63: {  	s29 =	simm.s32 $0xFFFFEE00;
	s28 =	sadd.s32 $0x20, s14;
	[sflag:s16] =	ssyncset.done $0x0  }
.LBB2_6:
0x64: {  	s0 =	sadd.s32 $0x1380, s29  }
0x65: {  	[sflag:s16] =	ssyncadd.s32 $0xFFFFC000;
	s2 =	smov.u32 s30;
	s31 =	sadd.s32 $0x400, s30  }
0x66: {  	[tilespmem:s20], [sflag:$0x2] =	stream.indirect.gather [hbm4b:s4+s17], $0x80, s0, s17, $0xb8;
	[tilespmem:$0x1FC80] =	vst v63  }
0x67: {  	p1 =	sne.s32 s30, $0xFFFFFC00;
	s0 =	sadd.s32 $0xFFFFFFF0, s28  }
0x68: {  	[tilespmem:s21], [sflag:$0x4] =	stream.linear.gather [hbm4b:s0+s3], $0x80, $0x38;
	[tilespmem:$0x1FC80] =	vst v63  }
0x69: {  	_ =	swait.ge [sflag:s22], $0x4000  }
0x6a: {  	[sflag:s22] =	ssyncset.done $0x0  }
0x6b: {  	[sflag:s22] =	ssyncadd.s32 $0xFFFFC000  }
0x6c: {  	_ =	swait.ge [sflag:s23], $0x80  }
0x6d: {  	[sflag:s23] =	ssyncset.done $0x0  }
0x6e: {  	[sflag:s23] =	ssyncadd.s32 $0xFFFFFF80  }
0x6f: {  	[spmem:s1] =	stream.indirect.scatter.add.f32 [tilespmem:s18], [sflag:$0x5], $0x80, s19, s17, $0xb8;
	[tilespmem:$0x1FC80] =	vst v63  }
0x70: {  	_ =	swait.ge [sflag:s16], $0x4000  }
0x71: {  	[sflag:s16] =	ssyncset.done $0x0  }
0x72: {  	s0 =	sadd.s32 $0x1400, s29;
	[sflag:s16] =	ssyncadd.s32 $0xFFFFC000  }
0x73: {  	[tilespmem:s18], [sflag:$0x1] =	stream.indirect.gather [hbm4b:s4+s17], $0x80, s0, s17, $0xb8;
	[tilespmem:$0x1FC80] =	vst v63  }
0x74: {  	_ = 	snop  }
0x75: {  	[tilespmem:s19], [sflag:$0x3] =	stream.linear.gather [hbm4b:s28+s3], $0x80, $0x38;
	[tilespmem:$0x1FC80] =	vst v63  }
0x76: {  	_ =	swait.ge [sflag:s24], $0x4000  }
0x77: {  	[sflag:s24] =	ssyncset.done $0x0  }
0x78: {  	[sflag:s24] =	ssyncadd.s32 $0xFFFFC000  }
0x79: {  	_ =	swait.ge [sflag:s25], $0x80  }
.Ltmp3:
0x7a: {  	[sflag:s25] =	ssyncset.done $0x0;
	(pc) =	sbr.rel @p1 .LBB2_6-.Ltmp3, $4  }
0x7b: {  	[sflag:s25] =	ssyncadd.s32 $0xFFFFFF80  }
0x7c: {  	[spmem:s1] =	stream.indirect.scatter.add.f32 [tilespmem:s20], [sflag:$0x5], $0x80, s21, s17, $0xb8;
	[tilespmem:$0x1FC80] =	vst v63  }
0x7d: {  	s30 =	smov.u32 s31;
	_ =	swait.ge [sflag:s16], $0x4000  }
0x7e: {  	s29 =	sshra.s32 s2, $0x2;
	s28 =	sadd.s32 $0x20, s28;
	[sflag:s16] =	ssyncset.done $0x0  }
.Ltmp4:
0x7f: {  	_ = 	snop;
	(pc) =	sbr.rel .LBB2_7-.Ltmp4, $1  }
0x80: {  	_ =	sdelay $0x3  }
.LBB2_2:
0x81: {  	[tilespmem:s3], [sflag:$0x5] =	stream.linear.gather [hbm4b:s7+s3], $0x3B80, $0x38;
	[tilespmem:$0x1FC80] =	vst v63  }
0x82: {  	_ =	swait.ge [sflag:s16], $0x3B80  }
0x83: {  	[sflag:s16] =	ssyncset.done $0x0  }
0x84: {  	[sflag:s16] =	ssyncadd.s32 $0xFFFFC480  }
0x85: {  	[tilespmem:s18], [sflag:$0x1] =	stream.indirect.gather [hbm4b:s4+s17], $0x80, s3, s17, $0xb8;
	[tilespmem:$0x1FC80] =	vst v63  }
0x86: {  	_ = 	snop  }
0x87: {  	[tilespmem:s19], [sflag:$0x3] =	stream.linear.gather [hbm4b:s8+s3], $0x80, $0x38;
	[tilespmem:$0x1FC80] =	vst v63  }
0x88: {  	s28 =	simm.s32 $0x80  }
0x89: {  	[tilespmem:s20], [sflag:$0x2] =	stream.indirect.gather [hbm4b:s4+s17], $0x80, s28, s17, $0xb8;
	[tilespmem:$0x1FC80] =	vst v63  }
0x8a: {  	s28 =	sadd.s32 $0xFFFFFFF0, s13  }
0x8b: {  	[tilespmem:s21], [sflag:$0x4] =	stream.linear.gather [hbm4b:s28+s3], $0x80, $0x38;
	[tilespmem:$0x1FC80] =	vst v63  }
0x8c: {  	_ =	swait.ge [sflag:s22], $0x4000  }
0x8d: {  	[sflag:s22] =	ssyncset.done $0x0  }
0x8e: {  	[sflag:s22] =	ssyncadd.s32 $0xFFFFC000  }
0x8f: {  	_ =	swait.ge [sflag:s23], $0x80  }
0x90: {  	[sflag:s23] =	ssyncset.done $0x0  }
0x91: {  	[sflag:s23] =	ssyncadd.s32 $0xFFFFFF80  }
0x92: {  	[spmem:s1] =	stream.indirect.scatter.add.f32 [tilespmem:s18], [sflag:$0x5], $0x80, s19, s17, $0xb8;
	[tilespmem:$0x1FC80] =	vst v63  }
0x93: {  	_ =	swait.ge [sflag:s16], $0x4000  }
0x94: {  	[sflag:s16] =	ssyncset.done $0x0  }
0x95: {  	s28 =	simm.s32 $0x100;
	[sflag:s16] =	ssyncadd.s32 $0xFFFFC000  }
0x96: {  	[tilespmem:s18], [sflag:$0x1] =	stream.indirect.gather [hbm4b:s4+s17], $0x80, s28, s17, $0xb8;
	[tilespmem:$0x1FC80] =	vst v63  }
0x97: {  	_ = 	snop  }
0x98: {  	[tilespmem:s19], [sflag:$0x3] =	stream.linear.gather [hbm4b:s13+s3], $0x80, $0x38;
	[tilespmem:$0x1FC80] =	vst v63  }
0x99: {  	_ =	swait.ge [sflag:s24], $0x4000  }
0x9a: {  	[sflag:s24] =	ssyncset.done $0x0  }
0x9b: {  	[sflag:s24] =	ssyncadd.s32 $0xFFFFC000  }
0x9c: {  	_ =	swait.ge [sflag:s25], $0x80  }
0x9d: {  	[sflag:s25] =	ssyncset.done $0x0  }
0x9e: {  	[sflag:s25] =	ssyncadd.s32 $0xFFFFFF80  }
0x9f: {  	[spmem:s1] =	stream.indirect.scatter.add.f32 [tilespmem:s20], [sflag:$0x5], $0x80, s21, s17, $0xb8;
	[tilespmem:$0x1FC80] =	vst v63  }
0xa0: {  	s30 =	simm.s32 $0xFFFF1C00;
	_ =	swait.ge [sflag:s16], $0x4000  }
0xa1: {  	s29 =	simm.s32 $0xFFFFC600;
	s28 =	sadd.s32 $0x20, s13;
	[sflag:s16] =	ssyncset.done $0x0  }
.LBB2_3:
0xa2: {  	s31 =	sadd.s32 $0x3B80, s29  }
0xa3: {  	[sflag:s16] =	ssyncadd.s32 $0xFFFFC000;
	s0 =	smov.u32 s30;
	s2 =	sadd.s32 $0x400, s30  }
0xa4: {  	[tilespmem:s20], [sflag:$0x2] =	stream.indirect.gather [hbm4b:s4+s17], $0x80, s31, s17, $0xb8;
	[tilespmem:$0x1FC80] =	vst v63  }
0xa5: {  	p1 =	seq.s32 s30, $0xFFFFFC00;
	s30 =	sadd.s32 $0xFFFFFFF0, s28  }
0xa6: {  	[tilespmem:s21], [sflag:$0x4] =	stream.linear.gather [hbm4b:s30+s3], $0x80, $0x38;
	[tilespmem:$0x1FC80] =	vst v63  }
0xa7: {  	_ =	swait.ge [sflag:s22], $0x4000  }
0xa8: {  	[sflag:s22] =	ssyncset.done $0x0  }
0xa9: {  	[sflag:s22] =	ssyncadd.s32 $0xFFFFC000  }
0xaa: {  	_ =	swait.ge [sflag:s23], $0x80  }
0xab: {  	[sflag:s23] =	ssyncset.done $0x0  }
0xac: {  	[sflag:s23] =	ssyncadd.s32 $0xFFFFFF80  }
0xad: {  	[spmem:s1] =	stream.indirect.scatter.add.f32 [tilespmem:s18], [sflag:$0x5], $0x80, s19, s17, $0xb8;
	[tilespmem:$0x1FC80] =	vst v63  }
0xae: {  	_ =	swait.ge [sflag:s16], $0x4000  }
0xaf: {  	[sflag:s16] =	ssyncset.done $0x0  }
0xb0: {  	s29 =	sadd.s32 $0x3C00, s29;
	[sflag:s16] =	ssyncadd.s32 $0xFFFFC000  }
0xb1: {  	[tilespmem:s18], [sflag:$0x1] =	stream.indirect.gather [hbm4b:s4+s17], $0x80, s29, s17, $0xb8;
	[tilespmem:$0x1FC80] =	vst v63  }
0xb2: {  	_ = 	snop  }
0xb3: {  	[tilespmem:s19], [sflag:$0x3] =	stream.linear.gather [hbm4b:s28+s3], $0x80, $0x38;
	[tilespmem:$0x1FC80] =	vst v63  }
0xb4: {  	_ =	swait.ge [sflag:s24], $0x4000  }
0xb5: {  	[sflag:s24] =	ssyncset.done $0x0  }
0xb6: {  	[sflag:s24] =	ssyncadd.s32 $0xFFFFC000  }
0xb7: {  	_ =	swait.ge [sflag:s25], $0x80  }
.Ltmp5:
0xb8: {  	[sflag:s25] =	ssyncset.done $0x0;
	(pc) =	sbr.rel @!p1 .LBB2_3-.Ltmp5, $4  }
0xb9: {  	[sflag:s25] =	ssyncadd.s32 $0xFFFFFF80  }
0xba: {  	[spmem:s1] =	stream.indirect.scatter.add.f32 [tilespmem:s20], [sflag:$0x5], $0x80, s21, s17, $0xb8;
	[tilespmem:$0x1FC80] =	vst v63  }
0xbb: {  	s30 =	smov.u32 s2;
	_ =	swait.ge [sflag:s16], $0x4000  }
0xbc: {  	s29 =	sshra.s32 s0, $0x2;
	s28 =	sadd.s32 $0x20, s28;
	[sflag:s16] =	ssyncset.done $0x0  }
0xbd: {  	s0 =	sadd.s32 $0x3B80, s29;
	[sflag:s16] =	ssyncadd.s32 $0xFFFFC000  }
0xbe: {  	[tilespmem:s20], [sflag:$0x2] =	stream.indirect.gather [hbm4b:s4+s17], $0x80, s0, s17, $0xb8;
	[tilespmem:$0x1FC80] =	vst v63  }
0xbf: {  	s30 =	sadd.s32 $0xFFFFFFF0, s28  }
0xc0: {  	[tilespmem:s21], [sflag:$0x4] =	stream.linear.gather [hbm4b:s30+s3], $0x80, $0x38;
	[tilespmem:$0x1FC80] =	vst v63  }
0xc1: {  	_ =	swait.ge [sflag:s22], $0x4000  }
0xc2: {  	[sflag:s22] =	ssyncset.done $0x0  }
0xc3: {  	[sflag:s22] =	ssyncadd.s32 $0xFFFFC000  }
0xc4: {  	_ =	swait.ge [sflag:s23], $0x80  }
0xc5: {  	[sflag:s23] =	ssyncset.done $0x0  }
0xc6: {  	[sflag:s23] =	ssyncadd.s32 $0xFFFFFF80  }
0xc7: {  	[spmem:s1] =	stream.indirect.scatter.add.f32 [tilespmem:s18], [sflag:$0x5], $0x80, s19, s17, $0xb8;
	[tilespmem:$0x1FC80] =	vst v63  }
0xc8: {  	_ =	swait.ge [sflag:s16], $0x4000  }
0xc9: {  	[sflag:s16] =	ssyncset.done $0x0  }
0xca: {  	s31 =	sadd.s32 $0x3C00, s29;
	[sflag:s16] =	ssyncadd.s32 $0xFFFFC000  }
0xcb: {  	[tilespmem:s18], [sflag:$0x1] =	stream.indirect.gather [hbm4b:s4+s17], $0x80, s31, s17, $0xb8;
	[tilespmem:$0x1FC80] =	vst v63  }
0xcc: {  	_ = 	snop  }
0xcd: {  	[tilespmem:s19], [sflag:$0x3] =	stream.linear.gather [hbm4b:s28+s3], $0x80, $0x38;
	[tilespmem:$0x1FC80] =	vst v63  }
0xce: {  	_ =	swait.ge [sflag:s24], $0x4000  }
0xcf: {  	[sflag:s24] =	ssyncset.done $0x0  }
0xd0: {  	[sflag:s24] =	ssyncadd.s32 $0xFFFFC000  }
0xd1: {  	_ =	swait.ge [sflag:s25], $0x80  }
0xd2: {  	[sflag:s25] =	ssyncset.done $0x0  }
.Ltmp6:
0xd3: {  	[sflag:s25] =	ssyncadd.s32 $0xFFFFFF80;
	(pc) =	sbr.rel .LBB2_8-.Ltmp6, $4  }
0xd4: {  	[spmem:s1] =	stream.indirect.scatter.add.f32 [tilespmem:s20], [sflag:$0x5], $0x80, s21, s17, $0xb8;
	[tilespmem:$0x1FC80] =	vst v63  }
0xd5: {  	_ =	swait.ge [sflag:s16], $0x4000  }
0xd6: {  	[sflag:s16] =	ssyncset.done $0x0  }
0xd7: {  	[sflag:s16] =	ssyncadd.s32 $0xFFFFC000  }
.LBB2_9:
0xd8: {  	_ =	sfence.sel $0x180000  }
0xd9: {  	[bflag:$0x0] =	sbarrier.arrive $0xFFFF  }
0xda: {  	_ =	strace $0x9000004D  }
0xdb: {  	s0 =	stileid.u32;
	[bflag:$0x2] =	sbarrier.arrive $0xFFFF  }
0xdc: {  	p0 =	sne.s32 s0, $0x0;
	s0 =	rddreg [dreg:$0x2]  }
0xdd: {  	s0 =	sadd.s32 @!p0 $0x100000, s0  }
0xde: {  	[sflag:s0] =	ssyncadd.tile.s32 @!p0 $0x1;
	_ =	shalt  }
.Lfunc_end2:
_tile_overlayer_lowered:
.L_overlay_start_2:
0xdf: {  	(tag) =	ssettag $0x2  }
0xe0: {  	s0 =	rddreg [dreg:$0x0];
	s2 =	stileid.u32  }
0xe1: {  	s1 =	rddreg [dreg:$0x1];
	p0 =	sne.s32 s2, $0x0  }
0xe2: {  	s3 =	rddreg [dreg:$0x2];
	[bflag:$0x3] =	sbarrier.arrive $0xFFFF;
	s2 =	simm.s32 @!p0 $0x1C05  }
0xe3: {  	[timem:s3], [sflag:s2] =	dma.local @!p0 [hbm:s0], s1  }
0xe4: {  	s0 =	simm.s32 @!p0 $0x5  }
0xe5: {  	_ =	swait.ge @!p0 [sflag:s0], s1  }
0xe6: {  	s1 =	ssub.s32 @!p0 $0x0, s1;
	[sflag:s0] =	ssyncset.done @!p0 $0x0  }
0xe7: {  	[sflag:s0] =	ssyncadd.s32 @!p0 s1  }
0xe8: {  	[bflag:$0x3] =	sbarrier.arrive $0xFFFF  }
0xe9: {  	_ =	shalt  }

</sc_bundles>
